<compile_context>
chip_gen: v7x
topology: tpu7x:2x2x1
jax: 0.10.2.dev20260603
libtpu: 0.0.44.dev20260713+nightly
codegen_flags: <defaults>
</compile_context>

<pallas_src>
import functools

import jax
import jax.numpy as jnp
from jax import lax
from jax.experimental import pallas as pl
from jax.experimental.pallas import tpu as pltpu
from jax.experimental.pallas import tpu_sc as plsc

N = 10000
E = 320000
D = 128
NC, NS, L = 2, 16, 16
NW = NC * NS
CH = 64
NCHUNK = 158
EPT = NCHUNK * CH
NACC = 10112
ROWS_PT = NACC // NS
NT = 10016
NH = 10016
NPAD = 10240
BN1 = 1024
G1 = NPAD // BN1
BN3 = 2000
G3 = N // BN3



def _k1_body(x_ref, w_ref, asv_ref, adv_ref, h_ref, as_ref, ad_ref, ws_ref):
    h = jnp.dot(x_ref[...], w_ref[...], preferred_element_type=jnp.float32)
    h_ref[...] = h
    asr = jnp.sum(h * asv_ref[...], axis=1)
    adr = jnp.sum(h * adv_ref[...], axis=1)
    as_ref[0, :] = asr
    ad_ref[0, :] = adr
    al = asr + adr
    al = jnp.where(al > 0, al, 0.2 * al)
    ws_ref[0, :] = jnp.exp(al)


_k1 = pl.pallas_call(
    _k1_body,
    grid=(G1,),
    in_specs=[
        pl.BlockSpec((BN1, D), lambda i: (i, 0)),
        pl.BlockSpec((D, D), lambda i: (0, 0)),
        pl.BlockSpec((1, D), lambda i: (0, 0)),
        pl.BlockSpec((1, D), lambda i: (0, 0)),
    ],
    out_specs=[
        pl.BlockSpec((BN1, D), lambda i: (i, 0)),
        pl.BlockSpec((1, BN1), lambda i: (0, i)),
        pl.BlockSpec((1, BN1), lambda i: (0, i)),
        pl.BlockSpec((1, BN1), lambda i: (0, i)),
    ],
    out_shape=[
        jax.ShapeDtypeStruct((NPAD, D), jnp.float32),
        jax.ShapeDtypeStruct((1, NPAD), jnp.float32),
        jax.ShapeDtypeStruct((1, NPAD), jnp.float32),
        jax.ShapeDtypeStruct((1, NPAD), jnp.float32),
    ],
)



_mesh = plsc.VectorSubcoreMesh(
    core_axis_name="c", subcore_axis_name="s", num_cores=NC, num_subcores=NS)


@functools.partial(
    pl.kernel,
    out_type=[
        jax.ShapeDtypeStruct((NC, NACC, D), jnp.float32),
        jax.ShapeDtypeStruct((NW, NT), jnp.float32),
    ],
    mesh=_mesh,
    compiler_params=pltpu.CompilerParams(needs_layout_passes=False),
    scratch_types=[
        pltpu.VMEM((2, CH), jnp.int32),
        pltpu.VMEM((2, CH), jnp.int32),
        pltpu.VMEM((CH,), jnp.int32),
        pltpu.VMEM((CH,), jnp.int32),
        pltpu.VMEM((CH,), jnp.int32),
        pltpu.VMEM((CH,), jnp.int32),
        pltpu.VMEM((CH,), jnp.float32),
        pltpu.VMEM((CH,), jnp.float32),
        pltpu.VMEM((NT,), jnp.float32),
        pltpu.VMEM((NT,), jnp.float32),
        pltpu.VMEM((NT,), jnp.float32),
        pltpu.VMEM((CH, D), jnp.float32),
        pltpu.VMEM((CH, D), jnp.float32),
        pltpu.VMEM_SHARED((NACC, D), jnp.float32),
        pltpu.SemaphoreType.DMA,
        pltpu.SemaphoreType.DMA,
        pltpu.SemaphoreType.DMA,
        pltpu.SemaphoreType.DMA,
    ],
)
def _sc_edges(h_hbm, idxw_hbm, asrc_hbm, adst_hbm,
              pout_hbm, pden_hbm,
              idx0, idx1, src0, dst0, src1, dst1, w0, w1,
              asrc_v, adst_v, den_v, rows0, rows1, acc_sh,
              sg0, sg1, ss0, ss1):
    c = lax.axis_index("c")
    s = lax.axis_index("s")
    wid = c * NS + s

    pltpu.sync_copy(asrc_hbm, asrc_v)
    pltpu.sync_copy(adst_hbm, adst_v)

    def _zero_rows(r, carry):
        for k in range(D // L):
            rows0[r, pl.ds(k * L, L)] = jnp.zeros((L,), jnp.float32)
        return carry

    lax.fori_loop(0, CH, _zero_rows, 0)
    zcps = []
    base = s * ROWS_PT
    for t in range(ROWS_PT // CH):
        zcps.append(pltpu.async_copy(
            rows0, acc_sh.at[pl.ds(base + t * CH, CH)], sg0))
    rem = ROWS_PT - (ROWS_PT // CH) * CH
    zcps.append(pltpu.async_copy(
        rows0.at[pl.ds(0, rem)],
        acc_sh.at[pl.ds(base + ROWS_PT - rem, rem)], sg0))

    def _zero_den(i, carry):
        den_v[pl.ds(i * L, L)] = jnp.zeros((L,), jnp.float32)
        return carry

    lax.fori_loop(0, NT // L, _zero_den, 0)
    for cp in zcps:
        cp.wait()

    plsc.subcore_barrier()

    def _stage(j, idx_c, src_c, dst_c):
        pltpu.sync_copy(idxw_hbm.at[wid, j], idx_c)
        for k in range(CH // L):
            src_c[pl.ds(k * L, L)] = idx_c[0, pl.ds(k * L, L)]
            dst_c[pl.ds(k * L, L)] = idx_c[1, pl.ds(k * L, L)]

    def _weights(src_c, dst_c, w_c):
        for k in range(CH // L):
            si = src_c[pl.ds(k * L, L)]
            di = dst_c[pl.ds(k * L, L)]
            a = plsc.load_gather(asrc_v, [si]) + plsc.load_gather(adst_v, [di])
            a = jnp.where(a > 0, a, 0.2 * a)
            w = jnp.exp(a)
            w_c[pl.ds(k * L, L)] = w
            plsc.addupdate_scatter(den_v, [di], w)

    def _scale(rows_v, w_c):
        def _row(r, carry):
            wv = plsc.load_gather(w_c, [jnp.full((L,), r, jnp.int32)])
            for k in range(D // L):
                rows_v[r, pl.ds(k * L, L)] = rows_v[r, pl.ds(k * L, L)] * wv
            return carry

        lax.fori_loop(0, CH, _row, 0, unroll=4)

    def _drain_scatter(sem):
        pltpu.make_async_copy(h_hbm.at[pl.ds(0, CH)], rows0, sem).wait()

    def _drain_gather(rows_v, src_c, sem):
        pltpu.make_async_copy(h_hbm.at[src_c], rows_v, sem).wait()

    _stage(0, idx0, src0, dst0)
    g0 = pltpu.async_copy(h_hbm.at[src0], rows0, sg0)
    _weights(src0, dst0, w0)
    g0.wait()
    _scale(rows0, w0)
    pltpu.async_copy(rows0, acc_sh.at[dst0], ss0, add=True)
    _stage(1, idx1, src1, dst1)
    pltpu.async_copy(h_hbm.at[src1], rows1, sg1)
    _weights(src1, dst1, w1)

    def _body(jj, carry):
        ce = 2 * jj

        _drain_gather(rows1, src1, sg1)
        _scale(rows1, w1)
        pltpu.async_copy(rows1, acc_sh.at[dst1], ss1, add=True)

        _drain_scatter(ss0)
        _stage(ce, idx0, src0, dst0)
        pltpu.async_copy(h_hbm.at[src0], rows0, sg0)
        _weights(src0, dst0, w0)

        _drain_scatter(ss1)
        _stage(ce + 1, idx1, src1, dst1)
        pltpu.async_copy(h_hbm.at[src1], rows1, sg1)

        _drain_gather(rows0, src0, sg0)
        _scale(rows0, w0)
        pltpu.async_copy(rows0, acc_sh.at[dst0], ss0, add=True)
        _weights(src1, dst1, w1)
        return carry

    lax.fori_loop(1, NCHUNK // 2, _body, 0)

    _drain_gather(rows1, src1, sg1)
    _scale(rows1, w1)
    sa = pltpu.async_copy(rows1, acc_sh.at[dst1], ss1, add=True)
    _drain_scatter(ss0)
    sa.wait()

    plsc.subcore_barrier()

    pltpu.sync_copy(acc_sh.at[pl.ds(s * ROWS_PT, ROWS_PT)],
                    pout_hbm.at[c, pl.ds(s * ROWS_PT, ROWS_PT)])
    pltpu.sync_copy(den_v, pden_hbm.at[wid])



def _k3_body(p_ref, pdt_ref, h_ref, ws_ref, b_ref, o_ref):
    den = jnp.sum(pdt_ref[...], axis=1, keepdims=True) + ws_ref[...] + 1e-16
    num = p_ref[0] + p_ref[1] + ws_ref[...] * h_ref[...]
    o_ref[...] = num / den + b_ref[...]


_k3 = pl.pallas_call(
    _k3_body,
    grid=(G3,),
    in_specs=[
        pl.BlockSpec((NC, BN3, D), lambda i: (0, i, 0)),
        pl.BlockSpec((BN3, NW), lambda i: (i, 0)),
        pl.BlockSpec((BN3, D), lambda i: (i, 0)),
        pl.BlockSpec((BN3, 1), lambda i: (i, 0)),
        pl.BlockSpec((1, D), lambda i: (0, 0)),
    ],
    out_specs=pl.BlockSpec((BN3, D), lambda i: (i, 0)),
    out_shape=jax.ShapeDtypeStruct((N, D), jnp.float32),
)


def kernel(x, edge_index, W, att_src, att_dst, bias):
    xpad = jnp.pad(x, ((0, NPAD - N), (0, 0)))
    h_pad, asr, adr, ws = _k1(xpad, W, att_src[None, :], att_dst[None, :])
    h = h_pad[:N]
    hg = h_pad[:NH]
    asrc = asr.reshape(-1)[:NT]
    adst = adr.reshape(-1)[:NT]
    wself = ws.reshape(-1)[:N]

    src = (jnp.pad(edge_index[0].astype(jnp.int32).reshape(NW, E // NW),
                   ((0, 0), (0, EPT - E // NW)), constant_values=N)
           .reshape(NW, NCHUNK, CH))
    dst = (jnp.pad(edge_index[1].astype(jnp.int32).reshape(NW, E // NW),
                   ((0, 0), (0, EPT - E // NW)), constant_values=N)
           .reshape(NW, NCHUNK, CH))
    idxw = jnp.stack([src, dst], axis=2)

    pout, pden = _sc_edges(hg, idxw, asrc, adst)
    out = _k3(pout, pden[:, :N].T, h, wself[:, None], bias[None, :])
    return out

# --- scband reference (transcript-rebuilt; emitter-appended) ---
"""Pipeline reference for scband-graph-attention-layer-9964324127103 (READ-ONLY COPY).

The authoritative reference and input builder live on the scoring server;
editing this copy changes nothing except your own understanding.
"""

import jax, jax.numpy as jnp
import numpy as np

N_NODES = 10000
N_EDGES = 320000
IN_DIM = 128
OUT_DIM = 128

def setup_inputs(seed: int = 0) -> dict:
    key = jax.random.key(seed)
    k1, k2, k3, k4, k5, k6 = jax.random.split(key, 6)
    x = jax.random.normal(k1, (N_NODES, IN_DIM), dtype=jnp.float32)
    edge_index = jax.random.randint(k2, (2, N_EDGES), 0, N_NODES, dtype=jnp.int64)
    # GATConv params (heads=1): shared linear for src/dst, attention vectors, bias
    W = jax.random.normal(k3, (IN_DIM, OUT_DIM), dtype=jnp.float32) * (1.0 / np.sqrt(IN_DIM))
    att_src = jax.random.normal(k4, (OUT_DIM,), dtype=jnp.float32) * (1.0 / np.sqrt(OUT_DIM))
    att_dst = jax.random.normal(k5, (OUT_DIM,), dtype=jnp.float32) * (1.0 / np.sqrt(OUT_DIM))
    bias = jnp.zeros((OUT_DIM,), dtype=jnp.float32)
    return {"x": x, "edge_index": edge_index, "W": W, "att_src": att_src, "att_dst": att_dst, "bias": bias}

def reference(x, edge_index, W, att_src, att_dst, bias):
    # Faithful PyG GATConv (heads=1, negative_slope=0.2, add_self_loops=True)
    N = x.shape[0]
    loops = jnp.arange(N, dtype=edge_index.dtype)
    src = jnp.concatenate([edge_index[0], loops])
    dst = jnp.concatenate([edge_index[1], loops])
    h = x @ W  # [N, out_dim]
    a_src = jnp.sum(h * att_src, axis=-1)  # [N]
    a_dst = jnp.sum(h * att_dst, axis=-1)  # [N]
    alpha = a_src[src] + a_dst[dst]  # gather per edge
    alpha = jax.nn.leaky_relu(alpha, negative_slope=0.2)
    # softmax over incoming edges per destination node
    amax = jax.ops.segment_max(alpha, dst, num_segments=N)
    alpha = jnp.exp(alpha - amax[dst])
    denom = jax.ops.segment_sum(alpha, dst, num_segments=N)
    alpha = alpha / (denom[dst] + 1e-16)
    # weighted scatter-add of source features to destinations
    msg = alpha[:, None] * h[src]
    out = jax.ops.segment_sum(msg, dst, num_segments=N)
    return out + bias

if __name__ == "__main__":
    import jax
    _d = setup_inputs()
    print(jax.jit(kernel)(*tuple(_d.values())))

</pallas_src>

<mosaic_0001>
#map = affine_map<(d0, d1) -> (0, 0)>
#map1 = affine_map<(d0, d1) -> (0, 0, 0, 0)>
#map2 = affine_map<(d0, d1) -> (0)>
#map3 = affine_map<(d0, d1) -> (0, 0, 0)>
module attributes {stable_mosaic.version = 14 : i64} {
  func.func @_sc_edges(%arg0: i32, %arg1: i32, %arg2: memref<10016x128xf32, #tpu.memory_space<hbm>>, %arg3: memref<32x158x2x64xi32, #tpu.memory_space<hbm>>, %arg4: memref<10016xf32, #tpu.memory_space<hbm>>, %arg5: memref<10016xf32, #tpu.memory_space<hbm>>, %arg6: memref<2x10112x128xf32, #tpu.memory_space<hbm>>, %arg7: memref<32x10016xf32, #tpu.memory_space<hbm>>, %arg8: memref<2x64xi32, #tpu.memory_space<vmem>>, %arg9: memref<2x64xi32, #tpu.memory_space<vmem>>, %arg10: memref<64xi32, #tpu.memory_space<vmem>>, %arg11: memref<64xi32, #tpu.memory_space<vmem>>, %arg12: memref<64xi32, #tpu.memory_space<vmem>>, %arg13: memref<64xi32, #tpu.memory_space<vmem>>, %arg14: memref<64xf32, #tpu.memory_space<vmem>>, %arg15: memref<64xf32, #tpu.memory_space<vmem>>, %arg16: memref<10016xf32, #tpu.memory_space<vmem>>, %arg17: memref<10016xf32, #tpu.memory_space<vmem>>, %arg18: memref<10016xf32, #tpu.memory_space<vmem>>, %arg19: memref<64x128xf32, #tpu.memory_space<vmem>>, %arg20: memref<64x128xf32, #tpu.memory_space<vmem>>, %arg21: memref<10112x128xf32, #tpu.memory_space<vmem_shared>>, %arg22: memref<!tpu.dma_semaphore, #tpu.memory_space<semaphore_mem>>, %arg23: memref<!tpu.dma_semaphore, #tpu.memory_space<semaphore_mem>>, %arg24: memref<!tpu.dma_semaphore, #tpu.memory_space<semaphore_mem>>, %arg25: memref<!tpu.dma_semaphore, #tpu.memory_space<semaphore_mem>>) attributes {dimension_semantics = [#tpu.dimension_semantics<core_parallel>, #tpu.dimension_semantics<subcore_parallel>], iteration_bounds = array<i64: 2, 16>, scalar_prefetch = 0 : i64, scratch_operands = 18 : i64, tpu.core_type = #tpu.core_type<sc_vector_subcore>, window_params = [{transform_indices = #map}, {transform_indices = #map1}, {transform_indices = #map2}, {transform_indices = #map2}, {transform_indices = #map3}, {transform_indices = #map}]} {
    %mul3A = arith.constant 16 : i32
    %mul3A_0 = arith.muli %arg0, %mul3A : i32
    %add3A = arith.addi %mul3A_0, %arg1 : i32
    "tpu.region"() ({
      %run_scoped3A_402 = tpu.sem_alloc : memref<!tpu.dma_semaphore, #tpu.memory_space<semaphore_mem>>
      tpu.enqueue_dma source(%arg4 : memref<10016xf32, #tpu.memory_space<hbm>>) target(%arg16 : memref<10016xf32, #tpu.memory_space<vmem>>) target_semaphore(%run_scoped3A_402 : memref<!tpu.dma_semaphore, #tpu.memory_space<semaphore_mem>>)
      tpu.wait_dma2 semaphore(%run_scoped3A_402 : memref<!tpu.dma_semaphore, #tpu.memory_space<semaphore_mem>>) src(%arg4 : memref<10016xf32, #tpu.memory_space<hbm>>) dst(%arg16 : memref<10016xf32, #tpu.memory_space<vmem>>)
      tpu.yield
    }) : () -> ()
    "tpu.region"() ({
      %run_scoped3A_402 = tpu.sem_alloc : memref<!tpu.dma_semaphore, #tpu.memory_space<semaphore_mem>>
      tpu.enqueue_dma source(%arg5 : memref<10016xf32, #tpu.memory_space<hbm>>) target(%arg17 : memref<10016xf32, #tpu.memory_space<vmem>>) target_semaphore(%run_scoped3A_402 : memref<!tpu.dma_semaphore, #tpu.memory_space<semaphore_mem>>)
      tpu.wait_dma2 semaphore(%run_scoped3A_402 : memref<!tpu.dma_semaphore, #tpu.memory_space<semaphore_mem>>) src(%arg5 : memref<10016xf32, #tpu.memory_space<hbm>>) dst(%arg17 : memref<10016xf32, #tpu.memory_space<vmem>>)
      tpu.yield
    }) : () -> ()
    %scan3A = arith.constant 0 : i32
    %scan3A_1 = arith.constant 0 : i32
    %scan3A_2 = arith.constant 64 : i32
    %scan3A_3 = arith.addi %scan3A_1, %scan3A_2 : i32
    %scan3A_4 = arith.constant 1 : i32
    scf.for %scan3A_402 = %scan3A_1 to %scan3A_3 step %scan3A_4  : i32 {
      %broadcast_in_dim3A = arith.constant 0.000000e+00 : f32
      %broadcast_in_dim3A_403 = vector.broadcast %broadcast_in_dim3A : f32 to vector<16xf32>
      %swap3A_404 = arith.index_cast %scan3A_402 : i32 to index
      %swap3A_405 = arith.constant 0 : index
      %swap3A_406 = tpu.vector_load %arg19[%swap3A_404, %swap3A_405] {strides = array<i32>} : memref<64x128xf32, #tpu.memory_space<vmem>>, vector<16xf32>,
      tpu.vector_store %arg19[%swap3A_404, %swap3A_405], %broadcast_in_dim3A_403 {strides = array<i32>} : memref<64x128xf32, #tpu.memory_space<vmem>>, vector<16xf32>,
      %broadcast_in_dim3A_407 = arith.constant 0.000000e+00 : f32
      %broadcast_in_dim3A_408 = vector.broadcast %broadcast_in_dim3A_407 : f32 to vector<16xf32>
      %swap3A_409 = arith.index_cast %scan3A_402 : i32 to index
      %swap3A_410 = arith.constant 16 : index
      %swap3A_411 = tpu.vector_load %arg19[%swap3A_409, %swap3A_410] {strides = array<i32>} : memref<64x128xf32, #tpu.memory_space<vmem>>, vector<16xf32>,
      tpu.vector_store %arg19[%swap3A_409, %swap3A_410], %broadcast_in_dim3A_408 {strides = array<i32>} : memref<64x128xf32, #tpu.memory_space<vmem>>, vector<16xf32>,
      %broadcast_in_dim3A_412 = arith.constant 0.000000e+00 : f32
      %broadcast_in_dim3A_413 = vector.broadcast %broadcast_in_dim3A_412 : f32 to vector<16xf32>
      %swap3A_414 = arith.index_cast %scan3A_402 : i32 to index
      %swap3A_415 = arith.constant 32 : index
      %swap3A_416 = tpu.vector_load %arg19[%swap3A_414, %swap3A_415] {strides = array<i32>} : memref<64x128xf32, #tpu.memory_space<vmem>>, vector<16xf32>,
      tpu.vector_store %arg19[%swap3A_414, %swap3A_415], %broadcast_in_dim3A_413 {strides = array<i32>} : memref<64x128xf32, #tpu.memory_space<vmem>>, vector<16xf32>,
      %broadcast_in_dim3A_417 = arith.constant 0.000000e+00 : f32
      %broadcast_in_dim3A_418 = vector.broadcast %broadcast_in_dim3A_417 : f32 to vector<16xf32>
      %swap3A_419 = arith.index_cast %scan3A_402 : i32 to index
      %swap3A_420 = arith.constant 48 : index
      %swap3A_421 = tpu.vector_load %arg19[%swap3A_419, %swap3A_420] {strides = array<i32>} : memref<64x128xf32, #tpu.memory_space<vmem>>, vector<16xf32>,
      tpu.vector_store %arg19[%swap3A_419, %swap3A_420], %broadcast_in_dim3A_418 {strides = array<i32>} : memref<64x128xf32, #tpu.memory_space<vmem>>, vector<16xf32>,
      %broadcast_in_dim3A_422 = arith.constant 0.000000e+00 : f32
      %broadcast_in_dim3A_423 = vector.broadcast %broadcast_in_dim3A_422 : f32 to vector<16xf32>
      %swap3A_424 = arith.index_cast %scan3A_402 : i32 to index
      %swap3A_425 = arith.constant 64 : index
      %swap3A_426 = tpu.vector_load %arg19[%swap3A_424, %swap3A_425] {strides = array<i32>} : memref<64x128xf32, #tpu.memory_space<vmem>>, vector<16xf32>,
      tpu.vector_store %arg19[%swap3A_424, %swap3A_425], %broadcast_in_dim3A_423 {strides = array<i32>} : memref<64x128xf32, #tpu.memory_space<vmem>>, vector<16xf32>,
      %broadcast_in_dim3A_427 = arith.constant 0.000000e+00 : f32
      %broadcast_in_dim3A_428 = vector.broadcast %broadcast_in_dim3A_427 : f32 to vector<16xf32>
      %swap3A_429 = arith.index_cast %scan3A_402 : i32 to index
      %swap3A_430 = arith.constant 80 : index
      %swap3A_431 = tpu.vector_load %arg19[%swap3A_429, %swap3A_430] {strides = array<i32>} : memref<64x128xf32, #tpu.memory_space<vmem>>, vector<16xf32>,
      tpu.vector_store %arg19[%swap3A_429, %swap3A_430], %broadcast_in_dim3A_428 {strides = array<i32>} : memref<64x128xf32, #tpu.memory_space<vmem>>, vector<16xf32>,
      %broadcast_in_dim3A_432 = arith.constant 0.000000e+00 : f32
      %broadcast_in_dim3A_433 = vector.broadcast %broadcast_in_dim3A_432 : f32 to vector<16xf32>
      %swap3A_434 = arith.index_cast %scan3A_402 : i32 to index
      %swap3A_435 = arith.constant 96 : index
      %swap3A_436 = tpu.vector_load %arg19[%swap3A_434, %swap3A_435] {strides = array<i32>} : memref<64x128xf32, #tpu.memory_space<vmem>>, vector<16xf32>,
      tpu.vector_store %arg19[%swap3A_434, %swap3A_435], %broadcast_in_dim3A_433 {strides = array<i32>} : memref<64x128xf32, #tpu.memory_space<vmem>>, vector<16xf32>,
      %broadcast_in_dim3A_437 = arith.constant 0.000000e+00 : f32
      %broadcast_in_dim3A_438 = vector.broadcast %broadcast_in_dim3A_437 : f32 to vector<16xf32>
      %swap3A_439 = arith.index_cast %scan3A_402 : i32 to index
      %swap3A_440 = arith.constant 112 : index
      %swap3A_441 = tpu.vector_load %arg19[%swap3A_439, %swap3A_440] {strides = array<i32>} : memref<64x128xf32, #tpu.memory_space<vmem>>, vector<16xf32>,
      tpu.vector_store %arg19[%swap3A_439, %swap3A_440], %broadcast_in_dim3A_438 {strides = array<i32>} : memref<64x128xf32, #tpu.memory_space<vmem>>, vector<16xf32>,
    }
    %scan3A_5 = arith.constant 64 : i32
    %mul3A_6 = arith.constant 632 : i32
    %mul3A_7 = arith.muli %arg1, %mul3A_6 : i32
    %add3A_8 = arith.constant 0 : i32
    %add3A_9 = arith.addi %mul3A_7, %add3A_8 : i32
    %dma_start3A = arith.constant 0 : i32
    %dma_start3A_10 = tpu.memref_slice %arg21[%add3A_9, %dma_start3A] : memref<10112x128xf32, #tpu.memory_space<vmem_shared>> -> memref<64x128xf32, #tpu.memory_space<vmem_shared>>
    %dma_start3A_11 = arith.constant 0 : i32
    %dma_start3A_12 = tpu.memref_slice %arg21[%add3A_9, %dma_start3A_11] : memref<10112x128xf32, #tpu.memory_space<vmem_shared>> -> memref<64x128xf32, #tpu.memory_space<vmem_shared>>
    tpu.enqueue_dma source(%arg19 : memref<64x128xf32, #tpu.memory_space<vmem>>) target(%dma_start3A_12 : memref<64x128xf32, #tpu.memory_space<vmem_shared>>) target_semaphore(%arg22 : memref<!tpu.dma_semaphore, #tpu.memory_space<semaphore_mem>>)
    %add3A_13 = arith.constant 64 : i32
    %add3A_14 = arith.addi %mul3A_7, %add3A_13 : i32
    %dma_start3A_15 = arith.constant 0 : i32
    %dma_start3A_16 = tpu.memref_slice %arg21[%add3A_14, %dma_start3A_15] : memref<10112x128xf32, #tpu.memory_space<vmem_shared>> -> memref<64x128xf32, #tpu.memory_space<vmem_shared>>
    %dma_start3A_17 = arith.constant 0 : i32
    %dma_start3A_18 = tpu.memref_slice %arg21[%add3A_14, %dma_start3A_17] : memref<10112x128xf32, #tpu.memory_space<vmem_shared>> -> memref<64x128xf32, #tpu.memory_space<vmem_shared>>
    tpu.enqueue_dma source(%arg19 : memref<64x128xf32, #tpu.memory_space<vmem>>) target(%dma_start3A_18 : memref<64x128xf32, #tpu.memory_space<vmem_shared>>) target_semaphore(%arg22 : memref<!tpu.dma_semaphore, #tpu.memory_space<semaphore_mem>>)
    %add3A_19 = arith.constant 128 : i32
    %add3A_20 = arith.addi %mul3A_7, %add3A_19 : i32
    %dma_start3A_21 = arith.constant 0 : i32
    %dma_start3A_22 = tpu.memref_slice %arg21[%add3A_20, %dma_start3A_21] : memref<10112x128xf32, #tpu.memory_space<vmem_shared>> -> memref<64x128xf32, #tpu.memory_space<vmem_shared>>
    %dma_start3A_23 = arith.constant 0 : i32
    %dma_start3A_24 = tpu.memref_slice %arg21[%add3A_20, %dma_start3A_23] : memref<10112x128xf32, #tpu.memory_space<vmem_shared>> -> memref<64x128xf32, #tpu.memory_space<vmem_shared>>
    tpu.enqueue_dma source(%arg19 : memref<64x128xf32, #tpu.memory_space<vmem>>) target(%dma_start3A_24 : memref<64x128xf32, #tpu.memory_space<vmem_shared>>) target_semaphore(%arg22 : memref<!tpu.dma_semaphore, #tpu.memory_space<semaphore_mem>>)
    %add3A_25 = arith.constant 192 : i32
    %add3A_26 = arith.addi %mul3A_7, %add3A_25 : i32
    %dma_start3A_27 = arith.constant 0 : i32
    %dma_start3A_28 = tpu.memref_slice %arg21[%add3A_26, %dma_start3A_27] : memref<10112x128xf32, #tpu.memory_space<vmem_shared>> -> memref<64x128xf32, #tpu.memory_space<vmem_shared>>
    %dma_start3A_29 = arith.constant 0 : i32
    %dma_start3A_30 = tpu.memref_slice %arg21[%add3A_26, %dma_start3A_29] : memref<10112x128xf32, #tpu.memory_space<vmem_shared>> -> memref<64x128xf32, #tpu.memory_space<vmem_shared>>
    tpu.enqueue_dma source(%arg19 : memref<64x128xf32, #tpu.memory_space<vmem>>) target(%dma_start3A_30 : memref<64x128xf32, #tpu.memory_space<vmem_shared>>) target_semaphore(%arg22 : memref<!tpu.dma_semaphore, #tpu.memory_space<semaphore_mem>>)
    %add3A_31 = arith.constant 256 : i32
    %add3A_32 = arith.addi %mul3A_7, %add3A_31 : i32
    %dma_start3A_33 = arith.constant 0 : i32
    %dma_start3A_34 = tpu.memref_slice %arg21[%add3A_32, %dma_start3A_33] : memref<10112x128xf32, #tpu.memory_space<vmem_shared>> -> memref<64x128xf32, #tpu.memory_space<vmem_shared>>
    %dma_start3A_35 = arith.constant 0 : i32
    %dma_start3A_36 = tpu.memref_slice %arg21[%add3A_32, %dma_start3A_35] : memref<10112x128xf32, #tpu.memory_space<vmem_shared>> -> memref<64x128xf32, #tpu.memory_space<vmem_shared>>
    tpu.enqueue_dma source(%arg19 : memref<64x128xf32, #tpu.memory_space<vmem>>) target(%dma_start3A_36 : memref<64x128xf32, #tpu.memory_space<vmem_shared>>) target_semaphore(%arg22 : memref<!tpu.dma_semaphore, #tpu.memory_space<semaphore_mem>>)
    %add3A_37 = arith.constant 320 : i32
    %add3A_38 = arith.addi %mul3A_7, %add3A_37 : i32
    %dma_start3A_39 = arith.constant 0 : i32
    %dma_start3A_40 = tpu.memref_slice %arg21[%add3A_38, %dma_start3A_39] : memref<10112x128xf32, #tpu.memory_space<vmem_shared>> -> memref<64x128xf32, #tpu.memory_space<vmem_shared>>
    %dma_start3A_41 = arith.constant 0 : i32
    %dma_start3A_42 = tpu.memref_slice %arg21[%add3A_38, %dma_start3A_41] : memref<10112x128xf32, #tpu.memory_space<vmem_shared>> -> memref<64x128xf32, #tpu.memory_space<vmem_shared>>
    tpu.enqueue_dma source(%arg19 : memref<64x128xf32, #tpu.memory_space<vmem>>) target(%dma_start3A_42 : memref<64x128xf32, #tpu.memory_space<vmem_shared>>) target_semaphore(%arg22 : memref<!tpu.dma_semaphore, #tpu.memory_space<semaphore_mem>>)
    %add3A_43 = arith.constant 384 : i32
    %add3A_44 = arith.addi %mul3A_7, %add3A_43 : i32
    %dma_start3A_45 = arith.constant 0 : i32
    %dma_start3A_46 = tpu.memref_slice %arg21[%add3A_44, %dma_start3A_45] : memref<10112x128xf32, #tpu.memory_space<vmem_shared>> -> memref<64x128xf32, #tpu.memory_space<vmem_shared>>
    %dma_start3A_47 = arith.constant 0 : i32
    %dma_start3A_48 = tpu.memref_slice %arg21[%add3A_44, %dma_start3A_47] : memref<10112x128xf32, #tpu.memory_space<vmem_shared>> -> memref<64x128xf32, #tpu.memory_space<vmem_shared>>
    tpu.enqueue_dma source(%arg19 : memref<64x128xf32, #tpu.memory_space<vmem>>) target(%dma_start3A_48 : memref<64x128xf32, #tpu.memory_space<vmem_shared>>) target_semaphore(%arg22 : memref<!tpu.dma_semaphore, #tpu.memory_space<semaphore_mem>>)
    %add3A_49 = arith.constant 448 : i32
    %add3A_50 = arith.addi %mul3A_7, %add3A_49 : i32
    %dma_start3A_51 = arith.constant 0 : i32
    %dma_start3A_52 = tpu.memref_slice %arg21[%add3A_50, %dma_start3A_51] : memref<10112x128xf32, #tpu.memory_space<vmem_shared>> -> memref<64x128xf32, #tpu.memory_space<vmem_shared>>
    %dma_start3A_53 = arith.constant 0 : i32
    %dma_start3A_54 = tpu.memref_slice %arg21[%add3A_50, %dma_start3A_53] : memref<10112x128xf32, #tpu.memory_space<vmem_shared>> -> memref<64x128xf32, #tpu.memory_space<vmem_shared>>
    tpu.enqueue_dma source(%arg19 : memref<64x128xf32, #tpu.memory_space<vmem>>) target(%dma_start3A_54 : memref<64x128xf32, #tpu.memory_space<vmem_shared>>) target_semaphore(%arg22 : memref<!tpu.dma_semaphore, #tpu.memory_space<semaphore_mem>>)
    %add3A_55 = arith.constant 512 : i32
    %add3A_56 = arith.addi %mul3A_7, %add3A_55 : i32
    %dma_start3A_57 = arith.constant 0 : i32
    %dma_start3A_58 = tpu.memref_slice %arg21[%add3A_56, %dma_start3A_57] : memref<10112x128xf32, #tpu.memory_space<vmem_shared>> -> memref<64x128xf32, #tpu.memory_space<vmem_shared>>
    %dma_start3A_59 = arith.constant 0 : i32
    %dma_start3A_60 = tpu.memref_slice %arg21[%add3A_56, %dma_start3A_59] : memref<10112x128xf32, #tpu.memory_space<vmem_shared>> -> memref<64x128xf32, #tpu.memory_space<vmem_shared>>
    tpu.enqueue_dma source(%arg19 : memref<64x128xf32, #tpu.memory_space<vmem>>) target(%dma_start3A_60 : memref<64x128xf32, #tpu.memory_space<vmem_shared>>) target_semaphore(%arg22 : memref<!tpu.dma_semaphore, #tpu.memory_space<semaphore_mem>>)
    %add3A_61 = arith.constant 632 : i32
    %add3A_62 = arith.addi %mul3A_7, %add3A_61 : i32
    %sub3A = arith.constant 56 : i32
    %sub3A_63 = arith.subi %add3A_62, %sub3A : i32
    %dma_start3A_64 = arith.constant 0 : i32
    %dma_start3A_65 = arith.constant 0 : i32
    %dma_start3A_66 = tpu.memref_slice %arg19[%dma_start3A_64, %dma_start3A_65] : memref<64x128xf32, #tpu.memory_space<vmem>> -> memref<56x128xf32, #tpu.memory_space<vmem>>
    %dma_start3A_67 = arith.constant 0 : i32
    %dma_start3A_68 = tpu.memref_slice %arg21[%sub3A_63, %dma_start3A_67] : memref<10112x128xf32, #tpu.memory_space<vmem_shared>> -> memref<56x128xf32, #tpu.memory_space<vmem_shared>>
    %dma_start3A_69 = arith.constant 0 : i32
    %dma_start3A_70 = tpu.memref_slice %arg21[%sub3A_63, %dma_start3A_69] : memref<10112x128xf32, #tpu.memory_space<vmem_shared>> -> memref<56x128xf32, #tpu.memory_space<vmem_shared>>
    %dma_start3A_71 = arith.constant 0 : i32
    %dma_start3A_72 = arith.constant 0 : i32
    %dma_start3A_73 = tpu.memref_slice %arg19[%dma_start3A_71, %dma_start3A_72] : memref<64x128xf32, #tpu.memory_space<vmem>> -> memref<56x128xf32, #tpu.memory_space<vmem>>
    tpu.enqueue_dma source(%dma_start3A_73 : memref<56x128xf32, #tpu.memory_space<vmem>>) target(%dma_start3A_70 : memref<56x128xf32, #tpu.memory_space<vmem_shared>>) target_semaphore(%arg22 : memref<!tpu.dma_semaphore, #tpu.memory_space<semaphore_mem>>)
    %scan3A_74 = arith.constant 0 : i32
    %scan3A_75 = arith.constant 0 : i32
    %scan3A_76 = arith.constant 626 : i32
    %scan3A_77 = arith.addi %scan3A_75, %scan3A_76 : i32
    %scan3A_78 = arith.constant 1 : i32
    scf.for %scan3A_402 = %scan3A_75 to %scan3A_77 step %scan3A_78  : i32 {
      %broadcast_in_dim3A = arith.constant 0.000000e+00 : f32
      %broadcast_in_dim3A_403 = vector.broadcast %broadcast_in_dim3A : f32 to vector<16xf32>
      %mul3A_404 = arith.constant 16 : i32
      %mul3A_405 = arith.muli %scan3A_402, %mul3A_404 : i32
      %swap3A_406 = arith.index_cast %mul3A_405 : i32 to index
      %swap3A_407 = tpu.vector_load %arg18[%swap3A_406] {strides = array<i32>} : memref<10016xf32, #tpu.memory_space<vmem>>, vector<16xf32>,
      tpu.vector_store %arg18[%swap3A_406], %broadcast_in_dim3A_403 {strides = array<i32>} : memref<10016xf32, #tpu.memory_space<vmem>>, vector<16xf32>,
    }
    %scan3A_79 = arith.constant 626 : i32
    %dma_wait3A = arith.constant 0 : i32
    %dma_wait3A_80 = tpu.memref_slice %arg21[%add3A_9, %dma_wait3A] : memref<10112x128xf32, #tpu.memory_space<vmem_shared>> -> memref<64x128xf32, #tpu.memory_space<vmem_shared>>
    %dma_wait3A_81 = arith.constant 0 : i32
    %dma_wait3A_82 = tpu.memref_slice %arg21[%add3A_9, %dma_wait3A_81] : memref<10112x128xf32, #tpu.memory_space<vmem_shared>> -> memref<64x128xf32, #tpu.memory_space<vmem_shared>>
    tpu.wait_dma2 semaphore(%arg22 : memref<!tpu.dma_semaphore, #tpu.memory_space<semaphore_mem>>) src(%arg19 : memref<64x128xf32, #tpu.memory_space<vmem>>) dst(%dma_wait3A_82 : memref<64x128xf32, #tpu.memory_space<vmem_shared>>)
    %dma_wait3A_83 = arith.constant 0 : i32
    %dma_wait3A_84 = tpu.memref_slice %arg21[%add3A_14, %dma_wait3A_83] : memref<10112x128xf32, #tpu.memory_space<vmem_shared>> -> memref<64x128xf32, #tpu.memory_space<vmem_shared>>
    %dma_wait3A_85 = arith.constant 0 : i32
    %dma_wait3A_86 = tpu.memref_slice %arg21[%add3A_14, %dma_wait3A_85] : memref<10112x128xf32, #tpu.memory_space<vmem_shared>> -> memref<64x128xf32, #tpu.memory_space<vmem_shared>>
    tpu.wait_dma2 semaphore(%arg22 : memref<!tpu.dma_semaphore, #tpu.memory_space<semaphore_mem>>) src(%arg19 : memref<64x128xf32, #tpu.memory_space<vmem>>) dst(%dma_wait3A_86 : memref<64x128xf32, #tpu.memory_space<vmem_shared>>)
    %dma_wait3A_87 = arith.constant 0 : i32
    %dma_wait3A_88 = tpu.memref_slice %arg21[%add3A_20, %dma_wait3A_87] : memref<10112x128xf32, #tpu.memory_space<vmem_shared>> -> memref<64x128xf32, #tpu.memory_space<vmem_shared>>
    %dma_wait3A_89 = arith.constant 0 : i32
    %dma_wait3A_90 = tpu.memref_slice %arg21[%add3A_20, %dma_wait3A_89] : memref<10112x128xf32, #tpu.memory_space<vmem_shared>> -> memref<64x128xf32, #tpu.memory_space<vmem_shared>>
    tpu.wait_dma2 semaphore(%arg22 : memref<!tpu.dma_semaphore, #tpu.memory_space<semaphore_mem>>) src(%arg19 : memref<64x128xf32, #tpu.memory_space<vmem>>) dst(%dma_wait3A_90 : memref<64x128xf32, #tpu.memory_space<vmem_shared>>)
    %dma_wait3A_91 = arith.constant 0 : i32
    %dma_wait3A_92 = tpu.memref_slice %arg21[%add3A_26, %dma_wait3A_91] : memref<10112x128xf32, #tpu.memory_space<vmem_shared>> -> memref<64x128xf32, #tpu.memory_space<vmem_shared>>
    %dma_wait3A_93 = arith.constant 0 : i32
    %dma_wait3A_94 = tpu.memref_slice %arg21[%add3A_26, %dma_wait3A_93] : memref<10112x128xf32, #tpu.memory_space<vmem_shared>> -> memref<64x128xf32, #tpu.memory_space<vmem_shared>>
    tpu.wait_dma2 semaphore(%arg22 : memref<!tpu.dma_semaphore, #tpu.memory_space<semaphore_mem>>) src(%arg19 : memref<64x128xf32, #tpu.memory_space<vmem>>) dst(%dma_wait3A_94 : memref<64x128xf32, #tpu.memory_space<vmem_shared>>)
    %dma_wait3A_95 = arith.constant 0 : i32
    %dma_wait3A_96 = tpu.memref_slice %arg21[%add3A_32, %dma_wait3A_95] : memref<10112x128xf32, #tpu.memory_space<vmem_shared>> -> memref<64x128xf32, #tpu.memory_space<vmem_shared>>
    %dma_wait3A_97 = arith.constant 0 : i32
    %dma_wait3A_98 = tpu.memref_slice %arg21[%add3A_32, %dma_wait3A_97] : memref<10112x128xf32, #tpu.memory_space<vmem_shared>> -> memref<64x128xf32, #tpu.memory_space<vmem_shared>>
    tpu.wait_dma2 semaphore(%arg22 : memref<!tpu.dma_semaphore, #tpu.memory_space<semaphore_mem>>) src(%arg19 : memref<64x128xf32, #tpu.memory_space<vmem>>) dst(%dma_wait3A_98 : memref<64x128xf32, #tpu.memory_space<vmem_shared>>)
    %dma_wait3A_99 = arith.constant 0 : i32
    %dma_wait3A_100 = tpu.memref_slice %arg21[%add3A_38, %dma_wait3A_99] : memref<10112x128xf32, #tpu.memory_space<vmem_shared>> -> memref<64x128xf32, #tpu.memory_space<vmem_shared>>
    %dma_wait3A_101 = arith.constant 0 : i32
    %dma_wait3A_102 = tpu.memref_slice %arg21[%add3A_38, %dma_wait3A_101] : memref<10112x128xf32, #tpu.memory_space<vmem_shared>> -> memref<64x128xf32, #tpu.memory_space<vmem_shared>>
    tpu.wait_dma2 semaphore(%arg22 : memref<!tpu.dma_semaphore, #tpu.memory_space<semaphore_mem>>) src(%arg19 : memref<64x128xf32, #tpu.memory_space<vmem>>) dst(%dma_wait3A_102 : memref<64x128xf32, #tpu.memory_space<vmem_shared>>)
    %dma_wait3A_103 = arith.constant 0 : i32
    %dma_wait3A_104 = tpu.memref_slice %arg21[%add3A_44, %dma_wait3A_103] : memref<10112x128xf32, #tpu.memory_space<vmem_shared>> -> memref<64x128xf32, #tpu.memory_space<vmem_shared>>
    %dma_wait3A_105 = arith.constant 0 : i32
    %dma_wait3A_106 = tpu.memref_slice %arg21[%add3A_44, %dma_wait3A_105] : memref<10112x128xf32, #tpu.memory_space<vmem_shared>> -> memref<64x128xf32, #tpu.memory_space<vmem_shared>>
    tpu.wait_dma2 semaphore(%arg22 : memref<!tpu.dma_semaphore, #tpu.memory_space<semaphore_mem>>) src(%arg19 : memref<64x128xf32, #tpu.memory_space<vmem>>) dst(%dma_wait3A_106 : memref<64x128xf32, #tpu.memory_space<vmem_shared>>)
    %dma_wait3A_107 = arith.constant 0 : i32
    %dma_wait3A_108 = tpu.memref_slice %arg21[%add3A_50, %dma_wait3A_107] : memref<10112x128xf32, #tpu.memory_space<vmem_shared>> -> memref<64x128xf32, #tpu.memory_space<vmem_shared>>
    %dma_wait3A_109 = arith.constant 0 : i32
    %dma_wait3A_110 = tpu.memref_slice %arg21[%add3A_50, %dma_wait3A_109] : memref<10112x128xf32, #tpu.memory_space<vmem_shared>> -> memref<64x128xf32, #tpu.memory_space<vmem_shared>>
    tpu.wait_dma2 semaphore(%arg22 : memref<!tpu.dma_semaphore, #tpu.memory_space<semaphore_mem>>) src(%arg19 : memref<64x128xf32, #tpu.memory_space<vmem>>) dst(%dma_wait3A_110 : memref<64x128xf32, #tpu.memory_space<vmem_shared>>)
    %dma_wait3A_111 = arith.constant 0 : i32
    %dma_wait3A_112 = tpu.memref_slice %arg21[%add3A_56, %dma_wait3A_111] : memref<10112x128xf32, #tpu.memory_space<vmem_shared>> -> memref<64x128xf32, #tpu.memory_space<vmem_shared>>
    %dma_wait3A_113 = arith.constant 0 : i32
    %dma_wait3A_114 = tpu.memref_slice %arg21[%add3A_56, %dma_wait3A_113] : memref<10112x128xf32, #tpu.memory_space<vmem_shared>> -> memref<64x128xf32, #tpu.memory_space<vmem_shared>>
    tpu.wait_dma2 semaphore(%arg22 : memref<!tpu.dma_semaphore, #tpu.memory_space<semaphore_mem>>) src(%arg19 : memref<64x128xf32, #tpu.memory_space<vmem>>) dst(%dma_wait3A_114 : memref<64x128xf32, #tpu.memory_space<vmem_shared>>)
    %dma_wait3A_115 = arith.constant 0 : i32
    %dma_wait3A_116 = arith.constant 0 : i32
    %dma_wait3A_117 = tpu.memref_slice %arg19[%dma_wait3A_115, %dma_wait3A_116] : memref<64x128xf32, #tpu.memory_space<vmem>> -> memref<56x128xf32, #tpu.memory_space<vmem>>
    %dma_wait3A_118 = arith.constant 0 : i32
    %dma_wait3A_119 = tpu.memref_slice %arg21[%sub3A_63, %dma_wait3A_118] : memref<10112x128xf32, #tpu.memory_space<vmem_shared>> -> memref<56x128xf32, #tpu.memory_space<vmem_shared>>
    %dma_wait3A_120 = arith.constant 0 : i32
    %dma_wait3A_121 = tpu.memref_slice %arg21[%sub3A_63, %dma_wait3A_120] : memref<10112x128xf32, #tpu.memory_space<vmem_shared>> -> memref<56x128xf32, #tpu.memory_space<vmem_shared>>
    %dma_wait3A_122 = arith.constant 0 : i32
    %dma_wait3A_123 = arith.constant 0 : i32
    %dma_wait3A_124 = tpu.memref_slice %arg19[%dma_wait3A_122, %dma_wait3A_123] : memref<64x128xf32, #tpu.memory_space<vmem>> -> memref<56x128xf32, #tpu.memory_space<vmem>>
    tpu.wait_dma2 semaphore(%arg22 : memref<!tpu.dma_semaphore, #tpu.memory_space<semaphore_mem>>) src(%dma_wait3A_124 : memref<56x128xf32, #tpu.memory_space<vmem>>) dst(%dma_wait3A_121 : memref<56x128xf32, #tpu.memory_space<vmem_shared>>)
    %barrier3A = arith.constant 0 : index
    tpu.barrier barrier_id(%barrier3A)
    %run_scoped3A = arith.constant 0 : i32
    "tpu.region"() ({
      %run_scoped3A_402 = tpu.sem_alloc : memref<!tpu.dma_semaphore, #tpu.memory_space<semaphore_mem>>
      %dma_start3A_403 = arith.constant 0 : i32
      %dma_start3A_404 = arith.constant 0 : i32
      %dma_start3A_405 = tpu.memref_slice %arg3[%add3A, %run_scoped3A, %dma_start3A_403, %dma_start3A_404] : memref<32x158x2x64xi32, #tpu.memory_space<hbm>> -> memref<1x1x2x64xi32, #tpu.memory_space<hbm>>
      %dma_start3A_406 = tpu.memref_squeeze %dma_start3A_405 : memref<1x1x2x64xi32, #tpu.memory_space<hbm>> -> memref<2x64xi32, #tpu.memory_space<hbm>>
      %dma_start3A_407 = arith.constant 0 : i32
      %dma_start3A_408 = arith.constant 0 : i32
      %dma_start3A_409 = tpu.memref_slice %arg3[%add3A, %run_scoped3A, %dma_start3A_407, %dma_start3A_408] : memref<32x158x2x64xi32, #tpu.memory_space<hbm>> -> memref<1x1x2x64xi32, #tpu.memory_space<hbm>>
      %dma_start3A_410 = tpu.memref_squeeze %dma_start3A_409 : memref<1x1x2x64xi32, #tpu.memory_space<hbm>> -> memref<2x64xi32, #tpu.memory_space<hbm>>
      tpu.enqueue_dma source(%dma_start3A_410 : memref<2x64xi32, #tpu.memory_space<hbm>>) target(%arg8 : memref<2x64xi32, #tpu.memory_space<vmem>>) target_semaphore(%run_scoped3A_402 : memref<!tpu.dma_semaphore, #tpu.memory_space<semaphore_mem>>)
      %dma_wait3A_411 = arith.constant 0 : i32
      %dma_wait3A_412 = arith.constant 0 : i32
      %dma_wait3A_413 = tpu.memref_slice %arg3[%add3A, %run_scoped3A, %dma_wait3A_411, %dma_wait3A_412] : memref<32x158x2x64xi32, #tpu.memory_space<hbm>> -> memref<1x1x2x64xi32, #tpu.memory_space<hbm>>
      %dma_wait3A_414 = tpu.memref_squeeze %dma_wait3A_413 : memref<1x1x2x64xi32, #tpu.memory_space<hbm>> -> memref<2x64xi32, #tpu.memory_space<hbm>>
      %dma_wait3A_415 = arith.constant 0 : i32
      %dma_wait3A_416 = arith.constant 0 : i32
      %dma_wait3A_417 = tpu.memref_slice %arg3[%add3A, %run_scoped3A, %dma_wait3A_415, %dma_wait3A_416] : memref<32x158x2x64xi32, #tpu.memory_space<hbm>> -> memref<1x1x2x64xi32, #tpu.memory_space<hbm>>
      %dma_wait3A_418 = tpu.memref_squeeze %dma_wait3A_417 : memref<1x1x2x64xi32, #tpu.memory_space<hbm>> -> memref<2x64xi32, #tpu.memory_space<hbm>>
      tpu.wait_dma2 semaphore(%run_scoped3A_402 : memref<!tpu.dma_semaphore, #tpu.memory_space<semaphore_mem>>) src(%dma_wait3A_418 : memref<2x64xi32, #tpu.memory_space<hbm>>) dst(%arg8 : memref<2x64xi32, #tpu.memory_space<vmem>>)
      tpu.yield
    }) : () -> ()
    %get3A = arith.constant 0 : i32
    %get3A_125 = arith.index_cast %get3A : i32 to index
    %get3A_126 = arith.constant 0 : index
    %get3A_127 = tpu.vector_load %arg8[%get3A_125, %get3A_126] {strides = array<i32>} : memref<2x64xi32, #tpu.memory_space<vmem>>, vector<16xi32>,
    %swap3A = arith.constant 0 : index
    %swap3A_128 = tpu.vector_load %arg10[%swap3A] {strides = array<i32>} : memref<64xi32, #tpu.memory_space<vmem>>, vector<16xi32>,
    tpu.vector_store %arg10[%swap3A], %get3A_127 {strides = array<i32>} : memref<64xi32, #tpu.memory_space<vmem>>, vector<16xi32>,
    %get3A_129 = arith.constant 1 : i32
    %get3A_130 = arith.index_cast %get3A_129 : i32 to index
    %get3A_131 = arith.constant 0 : index
    %get3A_132 = tpu.vector_load %arg8[%get3A_130, %get3A_131] {strides = array<i32>} : memref<2x64xi32, #tpu.memory_space<vmem>>, vector<16xi32>,
    %swap3A_133 = arith.constant 0 : index
    %swap3A_134 = tpu.vector_load %arg11[%swap3A_133] {strides = array<i32>} : memref<64xi32, #tpu.memory_space<vmem>>, vector<16xi32>,
    tpu.vector_store %arg11[%swap3A_133], %get3A_132 {strides = array<i32>} : memref<64xi32, #tpu.memory_space<vmem>>, vector<16xi32>,
    %get3A_135 = arith.constant 0 : i32
    %get3A_136 = arith.index_cast %get3A_135 : i32 to index
    %get3A_137 = arith.constant 16 : index
    %get3A_138 = tpu.vector_load %arg8[%get3A_136, %get3A_137] {strides = array<i32>} : memref<2x64xi32, #tpu.memory_space<vmem>>, vector<16xi32>,
    %swap3A_139 = arith.constant 16 : index
    %swap3A_140 = tpu.vector_load %arg10[%swap3A_139] {strides = array<i32>} : memref<64xi32, #tpu.memory_space<vmem>>, vector<16xi32>,
    tpu.vector_store %arg10[%swap3A_139], %get3A_138 {strides = array<i32>} : memref<64xi32, #tpu.memory_space<vmem>>, vector<16xi32>,
    %get3A_141 = arith.constant 1 : i32
    %get3A_142 = arith.index_cast %get3A_141 : i32 to index
    %get3A_143 = arith.constant 16 : index
    %get3A_144 = tpu.vector_load %arg8[%get3A_142, %get3A_143] {strides = array<i32>} : memref<2x64xi32, #tpu.memory_space<vmem>>, vector<16xi32>,
    %swap3A_145 = arith.constant 16 : index
    %swap3A_146 = tpu.vector_load %arg11[%swap3A_145] {strides = array<i32>} : memref<64xi32, #tpu.memory_space<vmem>>, vector<16xi32>,
    tpu.vector_store %arg11[%swap3A_145], %get3A_144 {strides = array<i32>} : memref<64xi32, #tpu.memory_space<vmem>>, vector<16xi32>,
    %get3A_147 = arith.constant 0 : i32
    %get3A_148 = arith.index_cast %get3A_147 : i32 to index
    %get3A_149 = arith.constant 32 : index
    %get3A_150 = tpu.vector_load %arg8[%get3A_148, %get3A_149] {strides = array<i32>} : memref<2x64xi32, #tpu.memory_space<vmem>>, vector<16xi32>,
    %swap3A_151 = arith.constant 32 : index
    %swap3A_152 = tpu.vector_load %arg10[%swap3A_151] {strides = array<i32>} : memref<64xi32, #tpu.memory_space<vmem>>, vector<16xi32>,
    tpu.vector_store %arg10[%swap3A_151], %get3A_150 {strides = array<i32>} : memref<64xi32, #tpu.memory_space<vmem>>, vector<16xi32>,
    %get3A_153 = arith.constant 1 : i32
    %get3A_154 = arith.index_cast %get3A_153 : i32 to index
    %get3A_155 = arith.constant 32 : index
    %get3A_156 = tpu.vector_load %arg8[%get3A_154, %get3A_155] {strides = array<i32>} : memref<2x64xi32, #tpu.memory_space<vmem>>, vector<16xi32>,
    %swap3A_157 = arith.constant 32 : index
    %swap3A_158 = tpu.vector_load %arg11[%swap3A_157] {strides = array<i32>} : memref<64xi32, #tpu.memory_space<vmem>>, vector<16xi32>,
    tpu.vector_store %arg11[%swap3A_157], %get3A_156 {strides = array<i32>} : memref<64xi32, #tpu.memory_space<vmem>>, vector<16xi32>,
    %get3A_159 = arith.constant 0 : i32
    %get3A_160 = arith.index_cast %get3A_159 : i32 to index
    %get3A_161 = arith.constant 48 : index
    %get3A_162 = tpu.vector_load %arg8[%get3A_160, %get3A_161] {strides = array<i32>} : memref<2x64xi32, #tpu.memory_space<vmem>>, vector<16xi32>,
    %swap3A_163 = arith.constant 48 : index
    %swap3A_164 = tpu.vector_load %arg10[%swap3A_163] {strides = array<i32>} : memref<64xi32, #tpu.memory_space<vmem>>, vector<16xi32>,
    tpu.vector_store %arg10[%swap3A_163], %get3A_162 {strides = array<i32>} : memref<64xi32, #tpu.memory_space<vmem>>, vector<16xi32>,
    %get3A_165 = arith.constant 1 : i32
    %get3A_166 = arith.index_cast %get3A_165 : i32 to index
    %get3A_167 = arith.constant 48 : index
    %get3A_168 = tpu.vector_load %arg8[%get3A_166, %get3A_167] {strides = array<i32>} : memref<2x64xi32, #tpu.memory_space<vmem>>, vector<16xi32>,
    %swap3A_169 = arith.constant 48 : index
    %swap3A_170 = tpu.vector_load %arg11[%swap3A_169] {strides = array<i32>} : memref<64xi32, #tpu.memory_space<vmem>>, vector<16xi32>,
    tpu.vector_store %arg11[%swap3A_169], %get3A_168 {strides = array<i32>} : memref<64xi32, #tpu.memory_space<vmem>>, vector<16xi32>,
    %dma_start3A_171 = arith.constant 0 : i32
    %dma_start3A_172 = arith.constant 0 : i32
    %dma_start3A_173 = tpu.memref_slice %arg2[%dma_start3A_171, %dma_start3A_172] : memref<10016x128xf32, #tpu.memory_space<hbm>> -> memref<10016x128xf32, #tpu.memory_space<hbm>>
    tpu.enqueue_indirect_dma source(%dma_start3A_173 : memref<10016x128xf32, #tpu.memory_space<hbm>>) target(%arg19 : memref<64x128xf32, #tpu.memory_space<vmem>>) offsets(%arg10 : memref<64xi32, #tpu.memory_space<vmem>>) semaphore(%arg22 : memref<!tpu.dma_semaphore, #tpu.memory_space<semaphore_mem>>)
    %get3A_174 = arith.constant 0 : index
    %get3A_175 = tpu.vector_load %arg10[%get3A_174] {strides = array<i32>} : memref<64xi32, #tpu.memory_space<vmem>>, vector<16xi32>,
    %get3A_176 = arith.constant 0 : index
    %get3A_177 = tpu.vector_load %arg11[%get3A_176] {strides = array<i32>} : memref<64xi32, #tpu.memory_space<vmem>>, vector<16xi32>,
    %gather3A = tpu.vector_load_idx %arg16[%get3A_175] : memref<10016xf32, #tpu.memory_space<vmem>>[vector<16xi32>], vector<16xf32>,
    %gather3A_178 = tpu.vector_load_idx %arg17[%get3A_177] : memref<10016xf32, #tpu.memory_space<vmem>>[vector<16xi32>], vector<16xf32>,
    %add3A_179 = arith.addf %gather3A, %gather3A_178 : vector<16xf32>
    %gt3A = arith.constant 0.000000e+00 : f32
    %gt3A_180 = vector.broadcast %gt3A : f32 to vector<16xf32>
    %gt3A_181 = arith.cmpf ogt, %add3A_179, %gt3A_180 : vector<16xf32>
    %mul3A_182 = arith.constant 2.000000e-01 : f32
    %mul3A_183 = vector.broadcast %mul3A_182 : f32 to vector<16xf32>
    %mul3A_184 = arith.mulf %mul3A_183, %add3A_179 : vector<16xf32>
    %select_n3A = arith.select %gt3A_181, %add3A_179, %mul3A_184 : vector<16xi1>, vector<16xf32>
    %exp3A = math.exp %select_n3A : vector<16xf32>
    %swap3A_185 = arith.constant 0 : index
    %swap3A_186 = tpu.vector_load %arg14[%swap3A_185] {strides = array<i32>} : memref<64xf32, #tpu.memory_space<vmem>>, vector<16xf32>,
    tpu.vector_store %arg14[%swap3A_185], %exp3A {strides = array<i32>} : memref<64xf32, #tpu.memory_space<vmem>>, vector<16xf32>,
    tpu.vector_store_idx %arg18[%get3A_177], %exp3A {add = true} : memref<10016xf32, #tpu.memory_space<vmem>>[vector<16xi32>], vector<16xf32>,
    %get3A_187 = arith.constant 16 : index
    %get3A_188 = tpu.vector_load %arg10[%get3A_187] {strides = array<i32>} : memref<64xi32, #tpu.memory_space<vmem>>, vector<16xi32>,
    %get3A_189 = arith.constant 16 : index
    %get3A_190 = tpu.vector_load %arg11[%get3A_189] {strides = array<i32>} : memref<64xi32, #tpu.memory_space<vmem>>, vector<16xi32>,
    %gather3A_191 = tpu.vector_load_idx %arg16[%get3A_188] : memref<10016xf32, #tpu.memory_space<vmem>>[vector<16xi32>], vector<16xf32>,
    %gather3A_192 = tpu.vector_load_idx %arg17[%get3A_190] : memref<10016xf32, #tpu.memory_space<vmem>>[vector<16xi32>], vector<16xf32>,
    %add3A_193 = arith.addf %gather3A_191, %gather3A_192 : vector<16xf32>
    %gt3A_194 = arith.constant 0.000000e+00 : f32
    %gt3A_195 = vector.broadcast %gt3A_194 : f32 to vector<16xf32>
    %gt3A_196 = arith.cmpf ogt, %add3A_193, %gt3A_195 : vector<16xf32>
    %mul3A_197 = arith.constant 2.000000e-01 : f32
    %mul3A_198 = vector.broadcast %mul3A_197 : f32 to vector<16xf32>
    %mul3A_199 = arith.mulf %mul3A_198, %add3A_193 : vector<16xf32>
    %select_n3A_200 = arith.select %gt3A_196, %add3A_193, %mul3A_199 : vector<16xi1>, vector<16xf32>
    %exp3A_201 = math.exp %select_n3A_200 : vector<16xf32>
    %swap3A_202 = arith.constant 16 : index
    %swap3A_203 = tpu.vector_load %arg14[%swap3A_202] {strides = array<i32>} : memref<64xf32, #tpu.memory_space<vmem>>, vector<16xf32>,
    tpu.vector_store %arg14[%swap3A_202], %exp3A_201 {strides = array<i32>} : memref<64xf32, #tpu.memory_space<vmem>>, vector<16xf32>,
    tpu.vector_store_idx %arg18[%get3A_190], %exp3A_201 {add = true} : memref<10016xf32, #tpu.memory_space<vmem>>[vector<16xi32>], vector<16xf32>,
    %get3A_204 = arith.constant 32 : index
    %get3A_205 = tpu.vector_load %arg10[%get3A_204] {strides = array<i32>} : memref<64xi32, #tpu.memory_space<vmem>>, vector<16xi32>,
    %get3A_206 = arith.constant 32 : index
    %get3A_207 = tpu.vector_load %arg11[%get3A_206] {strides = array<i32>} : memref<64xi32, #tpu.memory_space<vmem>>, vector<16xi32>,
    %gather3A_208 = tpu.vector_load_idx %arg16[%get3A_205] : memref<10016xf32, #tpu.memory_space<vmem>>[vector<16xi32>], vector<16xf32>,
    %gather3A_209 = tpu.vector_load_idx %arg17[%get3A_207] : memref<10016xf32, #tpu.memory_space<vmem>>[vector<16xi32>], vector<16xf32>,
    %add3A_210 = arith.addf %gather3A_208, %gather3A_209 : vector<16xf32>
    %gt3A_211 = arith.constant 0.000000e+00 : f32
    %gt3A_212 = vector.broadcast %gt3A_211 : f32 to vector<16xf32>
    %gt3A_213 = arith.cmpf ogt, %add3A_210, %gt3A_212 : vector<16xf32>
    %mul3A_214 = arith.constant 2.000000e-01 : f32
    %mul3A_215 = vector.broadcast %mul3A_214 : f32 to vector<16xf32>
    %mul3A_216 = arith.mulf %mul3A_215, %add3A_210 : vector<16xf32>
    %select_n3A_217 = arith.select %gt3A_213, %add3A_210, %mul3A_216 : vector<16xi1>, vector<16xf32>
    %exp3A_218 = math.exp %select_n3A_217 : vector<16xf32>
    %swap3A_219 = arith.constant 32 : index
    %swap3A_220 = tpu.vector_load %arg14[%swap3A_219] {strides = array<i32>} : memref<64xf32, #tpu.memory_space<vmem>>, vector<16xf32>,
    tpu.vector_store %arg14[%swap3A_219], %exp3A_218 {strides = array<i32>} : memref<64xf32, #tpu.memory_space<vmem>>, vector<16xf32>,
    tpu.vector_store_idx %arg18[%get3A_207], %exp3A_218 {add = true} : memref<10016xf32, #tpu.memory_space<vmem>>[vector<16xi32>], vector<16xf32>,
    %get3A_221 = arith.constant 48 : index
    %get3A_222 = tpu.vector_load %arg10[%get3A_221] {strides = array<i32>} : memref<64xi32, #tpu.memory_space<vmem>>, vector<16xi32>,
    %get3A_223 = arith.constant 48 : index
    %get3A_224 = tpu.vector_load %arg11[%get3A_223] {strides = array<i32>} : memref<64xi32, #tpu.memory_space<vmem>>, vector<16xi32>,
    %gather3A_225 = tpu.vector_load_idx %arg16[%get3A_222] : memref<10016xf32, #tpu.memory_space<vmem>>[vector<16xi32>], vector<16xf32>,
    %gather3A_226 = tpu.vector_load_idx %arg17[%get3A_224] : memref<10016xf32, #tpu.memory_space<vmem>>[vector<16xi32>], vector<16xf32>,
    %add3A_227 = arith.addf %gather3A_225, %gather3A_226 : vector<16xf32>
    %gt3A_228 = arith.constant 0.000000e+00 : f32
    %gt3A_229 = vector.broadcast %gt3A_228 : f32 to vector<16xf32>
    %gt3A_230 = arith.cmpf ogt, %add3A_227, %gt3A_229 : vector<16xf32>
    %mul3A_231 = arith.constant 2.000000e-01 : f32
    %mul3A_232 = vector.broadcast %mul3A_231 : f32 to vector<16xf32>
    %mul3A_233 = arith.mulf %mul3A_232, %add3A_227 : vector<16xf32>
    %select_n3A_234 = arith.select %gt3A_230, %add3A_227, %mul3A_233 : vector<16xi1>, vector<16xf32>
    %exp3A_235 = math.exp %select_n3A_234 : vector<16xf32>
    %swap3A_236 = arith.constant 48 : index
    %swap3A_237 = tpu.vector_load %arg14[%swap3A_236] {strides = array<i32>} : memref<64xf32, #tpu.memory_space<vmem>>, vector<16xf32>,
    tpu.vector_store %arg14[%swap3A_236], %exp3A_235 {strides = array<i32>} : memref<64xf32, #tpu.memory_space<vmem>>, vector<16xf32>,
    tpu.vector_store_idx %arg18[%get3A_224], %exp3A_235 {add = true} : memref<10016xf32, #tpu.memory_space<vmem>>[vector<16xi32>], vector<16xf32>,
    %dma_wait3A_238 = arith.constant 0 : i32
    %dma_wait3A_239 = arith.constant 0 : i32
    %dma_wait3A_240 = tpu.memref_slice %arg2[%dma_wait3A_238, %dma_wait3A_239] : memref<10016x128xf32, #tpu.memory_space<hbm>> -> memref<10016x128xf32, #tpu.memory_space<hbm>>
    tpu.wait_indirect_dma semaphore(%arg22 : memref<!tpu.dma_semaphore, #tpu.memory_space<semaphore_mem>>) src(%dma_wait3A_240 : memref<10016x128xf32, #tpu.memory_space<hbm>>) dst(%arg19 : memref<64x128xf32, #tpu.memory_space<vmem>>)
    %scan3A_241 = arith.constant 0 : i32
    %scan3A_242 = arith.constant 0 : i32
    %scan3A_243 = arith.constant 64 : i32
    %scan3A_244 = arith.addi %scan3A_242, %scan3A_243 : i32
    %scan3A_245 = arith.constant 4 : i32
    scf.for %scan3A_402 = %scan3A_242 to %scan3A_244 step %scan3A_245  : i32 {
      %broadcast_in_dim3A = vector.broadcast %scan3A_402 : i32 to vector<16xi32>
      %gather3A_403 = tpu.vector_load_idx %arg14[%broadcast_in_dim3A] : memref<64xf32, #tpu.memory_space<vmem>>[vector<16xi32>], vector<16xf32>,
      %get3A_404 = arith.index_cast %scan3A_402 : i32 to index
      %get3A_405 = arith.constant 0 : index
      %get3A_406 = tpu.vector_load %arg19[%get3A_404, %get3A_405] {strides = array<i32>} : memref<64x128xf32, #tpu.memory_space<vmem>>, vector<16xf32>,
      %mul3A_407 = arith.mulf %get3A_406, %gather3A_403 : vector<16xf32>
      %swap3A_408 = arith.index_cast %scan3A_402 : i32 to index
      %swap3A_409 = arith.constant 0 : index
      %swap3A_410 = tpu.vector_load %arg19[%swap3A_408, %swap3A_409] {strides = array<i32>} : memref<64x128xf32, #tpu.memory_space<vmem>>, vector<16xf32>,
      tpu.vector_store %arg19[%swap3A_408, %swap3A_409], %mul3A_407 {strides = array<i32>} : memref<64x128xf32, #tpu.memory_space<vmem>>, vector<16xf32>,
      %get3A_411 = arith.index_cast %scan3A_402 : i32 to index
      %get3A_412 = arith.constant 16 : index
      %get3A_413 = tpu.vector_load %arg19[%get3A_411, %get3A_412] {strides = array<i32>} : memref<64x128xf32, #tpu.memory_space<vmem>>, vector<16xf32>,
      %mul3A_414 = arith.mulf %get3A_413, %gather3A_403 : vector<16xf32>
      %swap3A_415 = arith.index_cast %scan3A_402 : i32 to index
      %swap3A_416 = arith.constant 16 : index
      %swap3A_417 = tpu.vector_load %arg19[%swap3A_415, %swap3A_416] {strides = array<i32>} : memref<64x128xf32, #tpu.memory_space<vmem>>, vector<16xf32>,
      tpu.vector_store %arg19[%swap3A_415, %swap3A_416], %mul3A_414 {strides = array<i32>} : memref<64x128xf32, #tpu.memory_space<vmem>>, vector<16xf32>,
      %get3A_418 = arith.index_cast %scan3A_402 : i32 to index
      %get3A_419 = arith.constant 32 : index
      %get3A_420 = tpu.vector_load %arg19[%get3A_418, %get3A_419] {strides = array<i32>} : memref<64x128xf32, #tpu.memory_space<vmem>>, vector<16xf32>,
      %mul3A_421 = arith.mulf %get3A_420, %gather3A_403 : vector<16xf32>
      %swap3A_422 = arith.index_cast %scan3A_402 : i32 to index
      %swap3A_423 = arith.constant 32 : index
      %swap3A_424 = tpu.vector_load %arg19[%swap3A_422, %swap3A_423] {strides = array<i32>} : memref<64x128xf32, #tpu.memory_space<vmem>>, vector<16xf32>,
      tpu.vector_store %arg19[%swap3A_422, %swap3A_423], %mul3A_421 {strides = array<i32>} : memref<64x128xf32, #tpu.memory_space<vmem>>, vector<16xf32>,
      %get3A_425 = arith.index_cast %scan3A_402 : i32 to index
      %get3A_426 = arith.constant 48 : index
      %get3A_427 = tpu.vector_load %arg19[%get3A_425, %get3A_426] {strides = array<i32>} : memref<64x128xf32, #tpu.memory_space<vmem>>, vector<16xf32>,
      %mul3A_428 = arith.mulf %get3A_427, %gather3A_403 : vector<16xf32>
      %swap3A_429 = arith.index_cast %scan3A_402 : i32 to index
      %swap3A_430 = arith.constant 48 : index
      %swap3A_431 = tpu.vector_load %arg19[%swap3A_429, %swap3A_430] {strides = array<i32>} : memref<64x128xf32, #tpu.memory_space<vmem>>, vector<16xf32>,
      tpu.vector_store %arg19[%swap3A_429, %swap3A_430], %mul3A_428 {strides = array<i32>} : memref<64x128xf32, #tpu.memory_space<vmem>>, vector<16xf32>,
      %get3A_432 = arith.index_cast %scan3A_402 : i32 to index
      %get3A_433 = arith.constant 64 : index
      %get3A_434 = tpu.vector_load %arg19[%get3A_432, %get3A_433] {strides = array<i32>} : memref<64x128xf32, #tpu.memory_space<vmem>>, vector<16xf32>,
      %mul3A_435 = arith.mulf %get3A_434, %gather3A_403 : vector<16xf32>
      %swap3A_436 = arith.index_cast %scan3A_402 : i32 to index
      %swap3A_437 = arith.constant 64 : index
      %swap3A_438 = tpu.vector_load %arg19[%swap3A_436, %swap3A_437] {strides = array<i32>} : memref<64x128xf32, #tpu.memory_space<vmem>>, vector<16xf32>,
      tpu.vector_store %arg19[%swap3A_436, %swap3A_437], %mul3A_435 {strides = array<i32>} : memref<64x128xf32, #tpu.memory_space<vmem>>, vector<16xf32>,
      %get3A_439 = arith.index_cast %scan3A_402 : i32 to index
      %get3A_440 = arith.constant 80 : index
      %get3A_441 = tpu.vector_load %arg19[%get3A_439, %get3A_440] {strides = array<i32>} : memref<64x128xf32, #tpu.memory_space<vmem>>, vector<16xf32>,
      %mul3A_442 = arith.mulf %get3A_441, %gather3A_403 : vector<16xf32>
      %swap3A_443 = arith.index_cast %scan3A_402 : i32 to index
      %swap3A_444 = arith.constant 80 : index
      %swap3A_445 = tpu.vector_load %arg19[%swap3A_443, %swap3A_444] {strides = array<i32>} : memref<64x128xf32, #tpu.memory_space<vmem>>, vector<16xf32>,
      tpu.vector_store %arg19[%swap3A_443, %swap3A_444], %mul3A_442 {strides = array<i32>} : memref<64x128xf32, #tpu.memory_space<vmem>>, vector<16xf32>,
      %get3A_446 = arith.index_cast %scan3A_402 : i32 to index
      %get3A_447 = arith.constant 96 : index
      %get3A_448 = tpu.vector_load %arg19[%get3A_446, %get3A_447] {strides = array<i32>} : memref<64x128xf32, #tpu.memory_space<vmem>>, vector<16xf32>,
      %mul3A_449 = arith.mulf %get3A_448, %gather3A_403 : vector<16xf32>
      %swap3A_450 = arith.index_cast %scan3A_402 : i32 to index
      %swap3A_451 = arith.constant 96 : index
      %swap3A_452 = tpu.vector_load %arg19[%swap3A_450, %swap3A_451] {strides = array<i32>} : memref<64x128xf32, #tpu.memory_space<vmem>>, vector<16xf32>,
      tpu.vector_store %arg19[%swap3A_450, %swap3A_451], %mul3A_449 {strides = array<i32>} : memref<64x128xf32, #tpu.memory_space<vmem>>, vector<16xf32>,
      %get3A_453 = arith.index_cast %scan3A_402 : i32 to index
      %get3A_454 = arith.constant 112 : index
      %get3A_455 = tpu.vector_load %arg19[%get3A_453, %get3A_454] {strides = array<i32>} : memref<64x128xf32, #tpu.memory_space<vmem>>, vector<16xf32>,
      %mul3A_456 = arith.mulf %get3A_455, %gather3A_403 : vector<16xf32>
      %swap3A_457 = arith.index_cast %scan3A_402 : i32 to index
      %swap3A_458 = arith.constant 112 : index
      %swap3A_459 = tpu.vector_load %arg19[%swap3A_457, %swap3A_458] {strides = array<i32>} : memref<64x128xf32, #tpu.memory_space<vmem>>, vector<16xf32>,
      tpu.vector_store %arg19[%swap3A_457, %swap3A_458], %mul3A_456 {strides = array<i32>} : memref<64x128xf32, #tpu.memory_space<vmem>>, vector<16xf32>,
      %scan3A_460 = arith.constant 1 : i32
      %scan3A_461 = arith.addi %scan3A_402, %scan3A_460 : i32
      %broadcast_in_dim3A_462 = vector.broadcast %scan3A_461 : i32 to vector<16xi32>
      %gather3A_463 = tpu.vector_load_idx %arg14[%broadcast_in_dim3A_462] : memref<64xf32, #tpu.memory_space<vmem>>[vector<16xi32>], vector<16xf32>,
      %get3A_464 = arith.index_cast %scan3A_461 : i32 to index
      %get3A_465 = arith.constant 0 : index
      %get3A_466 = tpu.vector_load %arg19[%get3A_464, %get3A_465] {strides = array<i32>} : memref<64x128xf32, #tpu.memory_space<vmem>>, vector<16xf32>,
      %mul3A_467 = arith.mulf %get3A_466, %gather3A_463 : vector<16xf32>
      %swap3A_468 = arith.index_cast %scan3A_461 : i32 to index
      %swap3A_469 = arith.constant 0 : index
      %swap3A_470 = tpu.vector_load %arg19[%swap3A_468, %swap3A_469] {strides = array<i32>} : memref<64x128xf32, #tpu.memory_space<vmem>>, vector<16xf32>,
      tpu.vector_store %arg19[%swap3A_468, %swap3A_469], %mul3A_467 {strides = array<i32>} : memref<64x128xf32, #tpu.memory_space<vmem>>, vector<16xf32>,
      %get3A_471 = arith.index_cast %scan3A_461 : i32 to index
      %get3A_472 = arith.constant 16 : index
      %get3A_473 = tpu.vector_load %arg19[%get3A_471, %get3A_472] {strides = array<i32>} : memref<64x128xf32, #tpu.memory_space<vmem>>, vector<16xf32>,
      %mul3A_474 = arith.mulf %get3A_473, %gather3A_463 : vector<16xf32>
      %swap3A_475 = arith.index_cast %scan3A_461 : i32 to index
      %swap3A_476 = arith.constant 16 : index
      %swap3A_477 = tpu.vector_load %arg19[%swap3A_475, %swap3A_476] {strides = array<i32>} : memref<64x128xf32, #tpu.memory_space<vmem>>, vector<16xf32>,
      tpu.vector_store %arg19[%swap3A_475, %swap3A_476], %mul3A_474 {strides = array<i32>} : memref<64x128xf32, #tpu.memory_space<vmem>>, vector<16xf32>,
      %get3A_478 = arith.index_cast %scan3A_461 : i32 to index
      %get3A_479 = arith.constant 32 : index
      %get3A_480 = tpu.vector_load %arg19[%get3A_478, %get3A_479] {strides = array<i32>} : memref<64x128xf32, #tpu.memory_space<vmem>>, vector<16xf32>,
      %mul3A_481 = arith.mulf %get3A_480, %gather3A_463 : vector<16xf32>
      %swap3A_482 = arith.index_cast %scan3A_461 : i32 to index
      %swap3A_483 = arith.constant 32 : index
      %swap3A_484 = tpu.vector_load %arg19[%swap3A_482, %swap3A_483] {strides = array<i32>} : memref<64x128xf32, #tpu.memory_space<vmem>>, vector<16xf32>,
      tpu.vector_store %arg19[%swap3A_482, %swap3A_483], %mul3A_481 {strides = array<i32>} : memref<64x128xf32, #tpu.memory_space<vmem>>, vector<16xf32>,
      %get3A_485 = arith.index_cast %scan3A_461 : i32 to index
      %get3A_486 = arith.constant 48 : index
      %get3A_487 = tpu.vector_load %arg19[%get3A_485, %get3A_486] {strides = array<i32>} : memref<64x128xf32, #tpu.memory_space<vmem>>, vector<16xf32>,
      %mul3A_488 = arith.mulf %get3A_487, %gather3A_463 : vector<16xf32>
      %swap3A_489 = arith.index_cast %scan3A_461 : i32 to index
      %swap3A_490 = arith.constant 48 : index
      %swap3A_491 = tpu.vector_load %arg19[%swap3A_489, %swap3A_490] {strides = array<i32>} : memref<64x128xf32, #tpu.memory_space<vmem>>, vector<16xf32>,
      tpu.vector_store %arg19[%swap3A_489, %swap3A_490], %mul3A_488 {strides = array<i32>} : memref<64x128xf32, #tpu.memory_space<vmem>>, vector<16xf32>,
      %get3A_492 = arith.index_cast %scan3A_461 : i32 to index
      %get3A_493 = arith.constant 64 : index
      %get3A_494 = tpu.vector_load %arg19[%get3A_492, %get3A_493] {strides = array<i32>} : memref<64x128xf32, #tpu.memory_space<vmem>>, vector<16xf32>,
      %mul3A_495 = arith.mulf %get3A_494, %gather3A_463 : vector<16xf32>
      %swap3A_496 = arith.index_cast %scan3A_461 : i32 to index
      %swap3A_497 = arith.constant 64 : index
      %swap3A_498 = tpu.vector_load %arg19[%swap3A_496, %swap3A_497] {strides = array<i32>} : memref<64x128xf32, #tpu.memory_space<vmem>>, vector<16xf32>,
      tpu.vector_store %arg19[%swap3A_496, %swap3A_497], %mul3A_495 {strides = array<i32>} : memref<64x128xf32, #tpu.memory_space<vmem>>, vector<16xf32>,
      %get3A_499 = arith.index_cast %scan3A_461 : i32 to index
      %get3A_500 = arith.constant 80 : index
      %get3A_501 = tpu.vector_load %arg19[%get3A_499, %get3A_500] {strides = array<i32>} : memref<64x128xf32, #tpu.memory_space<vmem>>, vector<16xf32>,
      %mul3A_502 = arith.mulf %get3A_501, %gather3A_463 : vector<16xf32>
      %swap3A_503 = arith.index_cast %scan3A_461 : i32 to index
      %swap3A_504 = arith.constant 80 : index
      %swap3A_505 = tpu.vector_load %arg19[%swap3A_503, %swap3A_504] {strides = array<i32>} : memref<64x128xf32, #tpu.memory_space<vmem>>, vector<16xf32>,
      tpu.vector_store %arg19[%swap3A_503, %swap3A_504], %mul3A_502 {strides = array<i32>} : memref<64x128xf32, #tpu.memory_space<vmem>>, vector<16xf32>,
      %get3A_506 = arith.index_cast %scan3A_461 : i32 to index
      %get3A_507 = arith.constant 96 : index
      %get3A_508 = tpu.vector_load %arg19[%get3A_506, %get3A_507] {strides = array<i32>} : memref<64x128xf32, #tpu.memory_space<vmem>>, vector<16xf32>,
      %mul3A_509 = arith.mulf %get3A_508, %gather3A_463 : vector<16xf32>
      %swap3A_510 = arith.index_cast %scan3A_461 : i32 to index
      %swap3A_511 = arith.constant 96 : index
      %swap3A_512 = tpu.vector_load %arg19[%swap3A_510, %swap3A_511] {strides = array<i32>} : memref<64x128xf32, #tpu.memory_space<vmem>>, vector<16xf32>,
      tpu.vector_store %arg19[%swap3A_510, %swap3A_511], %mul3A_509 {strides = array<i32>} : memref<64x128xf32, #tpu.memory_space<vmem>>, vector<16xf32>,
      %get3A_513 = arith.index_cast %scan3A_461 : i32 to index
      %get3A_514 = arith.constant 112 : index
      %get3A_515 = tpu.vector_load %arg19[%get3A_513, %get3A_514] {strides = array<i32>} : memref<64x128xf32, #tpu.memory_space<vmem>>, vector<16xf32>,
      %mul3A_516 = arith.mulf %get3A_515, %gather3A_463 : vector<16xf32>
      %swap3A_517 = arith.index_cast %scan3A_461 : i32 to index
      %swap3A_518 = arith.constant 112 : index
      %swap3A_519 = tpu.vector_load %arg19[%swap3A_517, %swap3A_518] {strides = array<i32>} : memref<64x128xf32, #tpu.memory_space<vmem>>, vector<16xf32>,
      tpu.vector_store %arg19[%swap3A_517, %swap3A_518], %mul3A_516 {strides = array<i32>} : memref<64x128xf32, #tpu.memory_space<vmem>>, vector<16xf32>,
      %scan3A_520 = arith.constant 2 : i32
      %scan3A_521 = arith.addi %scan3A_402, %scan3A_520 : i32
      %broadcast_in_dim3A_522 = vector.broadcast %scan3A_521 : i32 to vector<16xi32>
      %gather3A_523 = tpu.vector_load_idx %arg14[%broadcast_in_dim3A_522] : memref<64xf32, #tpu.memory_space<vmem>>[vector<16xi32>], vector<16xf32>,
      %get3A_524 = arith.index_cast %scan3A_521 : i32 to index
      %get3A_525 = arith.constant 0 : index
      %get3A_526 = tpu.vector_load %arg19[%get3A_524, %get3A_525] {strides = array<i32>} : memref<64x128xf32, #tpu.memory_space<vmem>>, vector<16xf32>,
      %mul3A_527 = arith.mulf %get3A_526, %gather3A_523 : vector<16xf32>
      %swap3A_528 = arith.index_cast %scan3A_521 : i32 to index
      %swap3A_529 = arith.constant 0 : index
      %swap3A_530 = tpu.vector_load %arg19[%swap3A_528, %swap3A_529] {strides = array<i32>} : memref<64x128xf32, #tpu.memory_space<vmem>>, vector<16xf32>,
      tpu.vector_store %arg19[%swap3A_528, %swap3A_529], %mul3A_527 {strides = array<i32>} : memref<64x128xf32, #tpu.memory_space<vmem>>, vector<16xf32>,
      %get3A_531 = arith.index_cast %scan3A_521 : i32 to index
      %get3A_532 = arith.constant 16 : index
      %get3A_533 = tpu.vector_load %arg19[%get3A_531, %get3A_532] {strides = array<i32>} : memref<64x128xf32, #tpu.memory_space<vmem>>, vector<16xf32>,
      %mul3A_534 = arith.mulf %get3A_533, %gather3A_523 : vector<16xf32>
      %swap3A_535 = arith.index_cast %scan3A_521 : i32 to index
      %swap3A_536 = arith.constant 16 : index
      %swap3A_537 = tpu.vector_load %arg19[%swap3A_535, %swap3A_536] {strides = array<i32>} : memref<64x128xf32, #tpu.memory_space<vmem>>, vector<16xf32>,
      tpu.vector_store %arg19[%swap3A_535, %swap3A_536], %mul3A_534 {strides = array<i32>} : memref<64x128xf32, #tpu.memory_space<vmem>>, vector<16xf32>,
      %get3A_538 = arith.index_cast %scan3A_521 : i32 to index
      %get3A_539 = arith.constant 32 : index
      %get3A_540 = tpu.vector_load %arg19[%get3A_538, %get3A_539] {strides = array<i32>} : memref<64x128xf32, #tpu.memory_space<vmem>>, vector<16xf32>,
      %mul3A_541 = arith.mulf %get3A_540, %gather3A_523 : vector<16xf32>
      %swap3A_542 = arith.index_cast %scan3A_521 : i32 to index
      %swap3A_543 = arith.constant 32 : index
      %swap3A_544 = tpu.vector_load %arg19[%swap3A_542, %swap3A_543] {strides = array<i32>} : memref<64x128xf32, #tpu.memory_space<vmem>>, vector<16xf32>,
      tpu.vector_store %arg19[%swap3A_542, %swap3A_543], %mul3A_541 {strides = array<i32>} : memref<64x128xf32, #tpu.memory_space<vmem>>, vector<16xf32>,
      %get3A_545 = arith.index_cast %scan3A_521 : i32 to index
      %get3A_546 = arith.constant 48 : index
      %get3A_547 = tpu.vector_load %arg19[%get3A_545, %get3A_546] {strides = array<i32>} : memref<64x128xf32, #tpu.memory_space<vmem>>, vector<16xf32>,
      %mul3A_548 = arith.mulf %get3A_547, %gather3A_523 : vector<16xf32>
      %swap3A_549 = arith.index_cast %scan3A_521 : i32 to index
      %swap3A_550 = arith.constant 48 : index
      %swap3A_551 = tpu.vector_load %arg19[%swap3A_549, %swap3A_550] {strides = array<i32>} : memref<64x128xf32, #tpu.memory_space<vmem>>, vector<16xf32>,
      tpu.vector_store %arg19[%swap3A_549, %swap3A_550], %mul3A_548 {strides = array<i32>} : memref<64x128xf32, #tpu.memory_space<vmem>>, vector<16xf32>,
      %get3A_552 = arith.index_cast %scan3A_521 : i32 to index
      %get3A_553 = arith.constant 64 : index
      %get3A_554 = tpu.vector_load %arg19[%get3A_552, %get3A_553] {strides = array<i32>} : memref<64x128xf32, #tpu.memory_space<vmem>>, vector<16xf32>,
      %mul3A_555 = arith.mulf %get3A_554, %gather3A_523 : vector<16xf32>
      %swap3A_556 = arith.index_cast %scan3A_521 : i32 to index
      %swap3A_557 = arith.constant 64 : index
      %swap3A_558 = tpu.vector_load %arg19[%swap3A_556, %swap3A_557] {strides = array<i32>} : memref<64x128xf32, #tpu.memory_space<vmem>>, vector<16xf32>,
      tpu.vector_store %arg19[%swap3A_556, %swap3A_557], %mul3A_555 {strides = array<i32>} : memref<64x128xf32, #tpu.memory_space<vmem>>, vector<16xf32>,
      %get3A_559 = arith.index_cast %scan3A_521 : i32 to index
      %get3A_560 = arith.constant 80 : index
      %get3A_561 = tpu.vector_load %arg19[%get3A_559, %get3A_560] {strides = array<i32>} : memref<64x128xf32, #tpu.memory_space<vmem>>, vector<16xf32>,
      %mul3A_562 = arith.mulf %get3A_561, %gather3A_523 : vector<16xf32>
      %swap3A_563 = arith.index_cast %scan3A_521 : i32 to index
      %swap3A_564 = arith.constant 80 : index
      %swap3A_565 = tpu.vector_load %arg19[%swap3A_563, %swap3A_564] {strides = array<i32>} : memref<64x128xf32, #tpu.memory_space<vmem>>, vector<16xf32>,
      tpu.vector_store %arg19[%swap3A_563, %swap3A_564], %mul3A_562 {strides = array<i32>} : memref<64x128xf32, #tpu.memory_space<vmem>>, vector<16xf32>,
      %get3A_566 = arith.index_cast %scan3A_521 : i32 to index
      %get3A_567 = arith.constant 96 : index
      %get3A_568 = tpu.vector_load %arg19[%get3A_566, %get3A_567] {strides = array<i32>} : memref<64x128xf32, #tpu.memory_space<vmem>>, vector<16xf32>,
      %mul3A_569 = arith.mulf %get3A_568, %gather3A_523 : vector<16xf32>
      %swap3A_570 = arith.index_cast %scan3A_521 : i32 to index
      %swap3A_571 = arith.constant 96 : index
      %swap3A_572 = tpu.vector_load %arg19[%swap3A_570, %swap3A_571] {strides = array<i32>} : memref<64x128xf32, #tpu.memory_space<vmem>>, vector<16xf32>,
      tpu.vector_store %arg19[%swap3A_570, %swap3A_571], %mul3A_569 {strides = array<i32>} : memref<64x128xf32, #tpu.memory_space<vmem>>, vector<16xf32>,
      %get3A_573 = arith.index_cast %scan3A_521 : i32 to index
      %get3A_574 = arith.constant 112 : index
      %get3A_575 = tpu.vector_load %arg19[%get3A_573, %get3A_574] {strides = array<i32>} : memref<64x128xf32, #tpu.memory_space<vmem>>, vector<16xf32>,
      %mul3A_576 = arith.mulf %get3A_575, %gather3A_523 : vector<16xf32>
      %swap3A_577 = arith.index_cast %scan3A_521 : i32 to index
      %swap3A_578 = arith.constant 112 : index
      %swap3A_579 = tpu.vector_load %arg19[%swap3A_577, %swap3A_578] {strides = array<i32>} : memref<64x128xf32, #tpu.memory_space<vmem>>, vector<16xf32>,
      tpu.vector_store %arg19[%swap3A_577, %swap3A_578], %mul3A_576 {strides = array<i32>} : memref<64x128xf32, #tpu.memory_space<vmem>>, vector<16xf32>,
      %scan3A_580 = arith.constant 3 : i32
      %scan3A_581 = arith.addi %scan3A_402, %scan3A_580 : i32
      %broadcast_in_dim3A_582 = vector.broadcast %scan3A_581 : i32 to vector<16xi32>
      %gather3A_583 = tpu.vector_load_idx %arg14[%broadcast_in_dim3A_582] : memref<64xf32, #tpu.memory_space<vmem>>[vector<16xi32>], vector<16xf32>,
      %get3A_584 = arith.index_cast %scan3A_581 : i32 to index
      %get3A_585 = arith.constant 0 : index
      %get3A_586 = tpu.vector_load %arg19[%get3A_584, %get3A_585] {strides = array<i32>} : memref<64x128xf32, #tpu.memory_space<vmem>>, vector<16xf32>,
      %mul3A_587 = arith.mulf %get3A_586, %gather3A_583 : vector<16xf32>
      %swap3A_588 = arith.index_cast %scan3A_581 : i32 to index
      %swap3A_589 = arith.constant 0 : index
      %swap3A_590 = tpu.vector_load %arg19[%swap3A_588, %swap3A_589] {strides = array<i32>} : memref<64x128xf32, #tpu.memory_space<vmem>>, vector<16xf32>,
      tpu.vector_store %arg19[%swap3A_588, %swap3A_589], %mul3A_587 {strides = array<i32>} : memref<64x128xf32, #tpu.memory_space<vmem>>, vector<16xf32>,
      %get3A_591 = arith.index_cast %scan3A_581 : i32 to index
      %get3A_592 = arith.constant 16 : index
      %get3A_593 = tpu.vector_load %arg19[%get3A_591, %get3A_592] {strides = array<i32>} : memref<64x128xf32, #tpu.memory_space<vmem>>, vector<16xf32>,
      %mul3A_594 = arith.mulf %get3A_593, %gather3A_583 : vector<16xf32>
      %swap3A_595 = arith.index_cast %scan3A_581 : i32 to index
      %swap3A_596 = arith.constant 16 : index
      %swap3A_597 = tpu.vector_load %arg19[%swap3A_595, %swap3A_596] {strides = array<i32>} : memref<64x128xf32, #tpu.memory_space<vmem>>, vector<16xf32>,
      tpu.vector_store %arg19[%swap3A_595, %swap3A_596], %mul3A_594 {strides = array<i32>} : memref<64x128xf32, #tpu.memory_space<vmem>>, vector<16xf32>,
      %get3A_598 = arith.index_cast %scan3A_581 : i32 to index
      %get3A_599 = arith.constant 32 : index
      %get3A_600 = tpu.vector_load %arg19[%get3A_598, %get3A_599] {strides = array<i32>} : memref<64x128xf32, #tpu.memory_space<vmem>>, vector<16xf32>,
      %mul3A_601 = arith.mulf %get3A_600, %gather3A_583 : vector<16xf32>
      %swap3A_602 = arith.index_cast %scan3A_581 : i32 to index
      %swap3A_603 = arith.constant 32 : index
      %swap3A_604 = tpu.vector_load %arg19[%swap3A_602, %swap3A_603] {strides = array<i32>} : memref<64x128xf32, #tpu.memory_space<vmem>>, vector<16xf32>,
      tpu.vector_store %arg19[%swap3A_602, %swap3A_603], %mul3A_601 {strides = array<i32>} : memref<64x128xf32, #tpu.memory_space<vmem>>, vector<16xf32>,
      %get3A_605 = arith.index_cast %scan3A_581 : i32 to index
      %get3A_606 = arith.constant 48 : index
      %get3A_607 = tpu.vector_load %arg19[%get3A_605, %get3A_606] {strides = array<i32>} : memref<64x128xf32, #tpu.memory_space<vmem>>, vector<16xf32>,
      %mul3A_608 = arith.mulf %get3A_607, %gather3A_583 : vector<16xf32>
      %swap3A_609 = arith.index_cast %scan3A_581 : i32 to index
      %swap3A_610 = arith.constant 48 : index
      %swap3A_611 = tpu.vector_load %arg19[%swap3A_609, %swap3A_610] {strides = array<i32>} : memref<64x128xf32, #tpu.memory_space<vmem>>, vector<16xf32>,
      tpu.vector_store %arg19[%swap3A_609, %swap3A_610], %mul3A_608 {strides = array<i32>} : memref<64x128xf32, #tpu.memory_space<vmem>>, vector<16xf32>,
      %get3A_612 = arith.index_cast %scan3A_581 : i32 to index
      %get3A_613 = arith.constant 64 : index
      %get3A_614 = tpu.vector_load %arg19[%get3A_612, %get3A_613] {strides = array<i32>} : memref<64x128xf32, #tpu.memory_space<vmem>>, vector<16xf32>,
      %mul3A_615 = arith.mulf %get3A_614, %gather3A_583 : vector<16xf32>
      %swap3A_616 = arith.index_cast %scan3A_581 : i32 to index
      %swap3A_617 = arith.constant 64 : index
      %swap3A_618 = tpu.vector_load %arg19[%swap3A_616, %swap3A_617] {strides = array<i32>} : memref<64x128xf32, #tpu.memory_space<vmem>>, vector<16xf32>,
      tpu.vector_store %arg19[%swap3A_616, %swap3A_617], %mul3A_615 {strides = array<i32>} : memref<64x128xf32, #tpu.memory_space<vmem>>, vector<16xf32>,
      %get3A_619 = arith.index_cast %scan3A_581 : i32 to index
      %get3A_620 = arith.constant 80 : index
      %get3A_621 = tpu.vector_load %arg19[%get3A_619, %get3A_620] {strides = array<i32>} : memref<64x128xf32, #tpu.memory_space<vmem>>, vector<16xf32>,
      %mul3A_622 = arith.mulf %get3A_621, %gather3A_583 : vector<16xf32>
      %swap3A_623 = arith.index_cast %scan3A_581 : i32 to index
      %swap3A_624 = arith.constant 80 : index
      %swap3A_625 = tpu.vector_load %arg19[%swap3A_623, %swap3A_624] {strides = array<i32>} : memref<64x128xf32, #tpu.memory_space<vmem>>, vector<16xf32>,
      tpu.vector_store %arg19[%swap3A_623, %swap3A_624], %mul3A_622 {strides = array<i32>} : memref<64x128xf32, #tpu.memory_space<vmem>>, vector<16xf32>,
      %get3A_626 = arith.index_cast %scan3A_581 : i32 to index
      %get3A_627 = arith.constant 96 : index
      %get3A_628 = tpu.vector_load %arg19[%get3A_626, %get3A_627] {strides = array<i32>} : memref<64x128xf32, #tpu.memory_space<vmem>>, vector<16xf32>,
      %mul3A_629 = arith.mulf %get3A_628, %gather3A_583 : vector<16xf32>
      %swap3A_630 = arith.index_cast %scan3A_581 : i32 to index
      %swap3A_631 = arith.constant 96 : index
      %swap3A_632 = tpu.vector_load %arg19[%swap3A_630, %swap3A_631] {strides = array<i32>} : memref<64x128xf32, #tpu.memory_space<vmem>>, vector<16xf32>,
      tpu.vector_store %arg19[%swap3A_630, %swap3A_631], %mul3A_629 {strides = array<i32>} : memref<64x128xf32, #tpu.memory_space<vmem>>, vector<16xf32>,
      %get3A_633 = arith.index_cast %scan3A_581 : i32 to index
      %get3A_634 = arith.constant 112 : index
      %get3A_635 = tpu.vector_load %arg19[%get3A_633, %get3A_634] {strides = array<i32>} : memref<64x128xf32, #tpu.memory_space<vmem>>, vector<16xf32>,
      %mul3A_636 = arith.mulf %get3A_635, %gather3A_583 : vector<16xf32>
      %swap3A_637 = arith.index_cast %scan3A_581 : i32 to index
      %swap3A_638 = arith.constant 112 : index
      %swap3A_639 = tpu.vector_load %arg19[%swap3A_637, %swap3A_638] {strides = array<i32>} : memref<64x128xf32, #tpu.memory_space<vmem>>, vector<16xf32>,
      tpu.vector_store %arg19[%swap3A_637, %swap3A_638], %mul3A_636 {strides = array<i32>} : memref<64x128xf32, #tpu.memory_space<vmem>>, vector<16xf32>,
    }
    %scan3A_246 = arith.constant 64 : i32
    %dma_start3A_247 = arith.constant 0 : i32
    %dma_start3A_248 = arith.constant 0 : i32
    %dma_start3A_249 = tpu.memref_slice %arg21[%dma_start3A_247, %dma_start3A_248] : memref<10112x128xf32, #tpu.memory_space<vmem_shared>> -> memref<10112x128xf32, #tpu.memory_space<vmem_shared>>
    tpu.enqueue_indirect_dma source(%arg19 : memref<64x128xf32, #tpu.memory_space<vmem>>) target(%dma_start3A_249 : memref<10112x128xf32, #tpu.memory_space<vmem_shared>>) offsets(%arg11 : memref<64xi32, #tpu.memory_space<vmem>>) semaphore(%arg24 : memref<!tpu.dma_semaphore, #tpu.memory_space<semaphore_mem>>) {add = true}
    %run_scoped3A_250 = arith.constant 1 : i32
    "tpu.region"() ({
      %run_scoped3A_402 = tpu.sem_alloc : memref<!tpu.dma_semaphore, #tpu.memory_space<semaphore_mem>>
      %dma_start3A_403 = arith.constant 0 : i32
      %dma_start3A_404 = arith.constant 0 : i32
      %dma_start3A_405 = tpu.memref_slice %arg3[%add3A, %run_scoped3A_250, %dma_start3A_403, %dma_start3A_404] : memref<32x158x2x64xi32, #tpu.memory_space<hbm>> -> memref<1x1x2x64xi32, #tpu.memory_space<hbm>>
      %dma_start3A_406 = tpu.memref_squeeze %dma_start3A_405 : memref<1x1x2x64xi32, #tpu.memory_space<hbm>> -> memref<2x64xi32, #tpu.memory_space<hbm>>
      %dma_start3A_407 = arith.constant 0 : i32
      %dma_start3A_408 = arith.constant 0 : i32
      %dma_start3A_409 = tpu.memref_slice %arg3[%add3A, %run_scoped3A_250, %dma_start3A_407, %dma_start3A_408] : memref<32x158x2x64xi32, #tpu.memory_space<hbm>> -> memref<1x1x2x64xi32, #tpu.memory_space<hbm>>
      %dma_start3A_410 = tpu.memref_squeeze %dma_start3A_409 : memref<1x1x2x64xi32, #tpu.memory_space<hbm>> -> memref<2x64xi32, #tpu.memory_space<hbm>>
      tpu.enqueue_dma source(%dma_start3A_410 : memref<2x64xi32, #tpu.memory_space<hbm>>) target(%arg9 : memref<2x64xi32, #tpu.memory_space<vmem>>) target_semaphore(%run_scoped3A_402 : memref<!tpu.dma_semaphore, #tpu.memory_space<semaphore_mem>>)
      %dma_wait3A_411 = arith.constant 0 : i32
      %dma_wait3A_412 = arith.constant 0 : i32
      %dma_wait3A_413 = tpu.memref_slice %arg3[%add3A, %run_scoped3A_250, %dma_wait3A_411, %dma_wait3A_412] : memref<32x158x2x64xi32, #tpu.memory_space<hbm>> -> memref<1x1x2x64xi32, #tpu.memory_space<hbm>>
      %dma_wait3A_414 = tpu.memref_squeeze %dma_wait3A_413 : memref<1x1x2x64xi32, #tpu.memory_space<hbm>> -> memref<2x64xi32, #tpu.memory_space<hbm>>
      %dma_wait3A_415 = arith.constant 0 : i32
      %dma_wait3A_416 = arith.constant 0 : i32
      %dma_wait3A_417 = tpu.memref_slice %arg3[%add3A, %run_scoped3A_250, %dma_wait3A_415, %dma_wait3A_416] : memref<32x158x2x64xi32, #tpu.memory_space<hbm>> -> memref<1x1x2x64xi32, #tpu.memory_space<hbm>>
      %dma_wait3A_418 = tpu.memref_squeeze %dma_wait3A_417 : memref<1x1x2x64xi32, #tpu.memory_space<hbm>> -> memref<2x64xi32, #tpu.memory_space<hbm>>
      tpu.wait_dma2 semaphore(%run_scoped3A_402 : memref<!tpu.dma_semaphore, #tpu.memory_space<semaphore_mem>>) src(%dma_wait3A_418 : memref<2x64xi32, #tpu.memory_space<hbm>>) dst(%arg9 : memref<2x64xi32, #tpu.memory_space<vmem>>)
      tpu.yield
    }) : () -> ()
    %get3A_251 = arith.constant 0 : i32
    %get3A_252 = arith.index_cast %get3A_251 : i32 to index
    %get3A_253 = arith.constant 0 : index
    %get3A_254 = tpu.vector_load %arg9[%get3A_252, %get3A_253] {strides = array<i32>} : memref<2x64xi32, #tpu.memory_space<vmem>>, vector<16xi32>,
    %swap3A_255 = arith.constant 0 : index
    %swap3A_256 = tpu.vector_load %arg12[%swap3A_255] {strides = array<i32>} : memref<64xi32, #tpu.memory_space<vmem>>, vector<16xi32>,
    tpu.vector_store %arg12[%swap3A_255], %get3A_254 {strides = array<i32>} : memref<64xi32, #tpu.memory_space<vmem>>, vector<16xi32>,
    %get3A_257 = arith.constant 1 : i32
    %get3A_258 = arith.index_cast %get3A_257 : i32 to index
    %get3A_259 = arith.constant 0 : index
    %get3A_260 = tpu.vector_load %arg9[%get3A_258, %get3A_259] {strides = array<i32>} : memref<2x64xi32, #tpu.memory_space<vmem>>, vector<16xi32>,
    %swap3A_261 = arith.constant 0 : index
    %swap3A_262 = tpu.vector_load %arg13[%swap3A_261] {strides = array<i32>} : memref<64xi32, #tpu.memory_space<vmem>>, vector<16xi32>,
    tpu.vector_store %arg13[%swap3A_261], %get3A_260 {strides = array<i32>} : memref<64xi32, #tpu.memory_space<vmem>>, vector<16xi32>,
    %get3A_263 = arith.constant 0 : i32
    %get3A_264 = arith.index_cast %get3A_263 : i32 to index
    %get3A_265 = arith.constant 16 : index
    %get3A_266 = tpu.vector_load %arg9[%get3A_264, %get3A_265] {strides = array<i32>} : memref<2x64xi32, #tpu.memory_space<vmem>>, vector<16xi32>,
    %swap3A_267 = arith.constant 16 : index
    %swap3A_268 = tpu.vector_load %arg12[%swap3A_267] {strides = array<i32>} : memref<64xi32, #tpu.memory_space<vmem>>, vector<16xi32>,
    tpu.vector_store %arg12[%swap3A_267], %get3A_266 {strides = array<i32>} : memref<64xi32, #tpu.memory_space<vmem>>, vector<16xi32>,
    %get3A_269 = arith.constant 1 : i32
    %get3A_270 = arith.index_cast %get3A_269 : i32 to index
    %get3A_271 = arith.constant 16 : index
    %get3A_272 = tpu.vector_load %arg9[%get3A_270, %get3A_271] {strides = array<i32>} : memref<2x64xi32, #tpu.memory_space<vmem>>, vector<16xi32>,
    %swap3A_273 = arith.constant 16 : index
    %swap3A_274 = tpu.vector_load %arg13[%swap3A_273] {strides = array<i32>} : memref<64xi32, #tpu.memory_space<vmem>>, vector<16xi32>,
    tpu.vector_store %arg13[%swap3A_273], %get3A_272 {strides = array<i32>} : memref<64xi32, #tpu.memory_space<vmem>>, vector<16xi32>,
    %get3A_275 = arith.constant 0 : i32
    %get3A_276 = arith.index_cast %get3A_275 : i32 to index
    %get3A_277 = arith.constant 32 : index
    %get3A_278 = tpu.vector_load %arg9[%get3A_276, %get3A_277] {strides = array<i32>} : memref<2x64xi32, #tpu.memory_space<vmem>>, vector<16xi32>,
    %swap3A_279 = arith.constant 32 : index
    %swap3A_280 = tpu.vector_load %arg12[%swap3A_279] {strides = array<i32>} : memref<64xi32, #tpu.memory_space<vmem>>, vector<16xi32>,
    tpu.vector_store %arg12[%swap3A_279], %get3A_278 {strides = array<i32>} : memref<64xi32, #tpu.memory_space<vmem>>, vector<16xi32>,
    %get3A_281 = arith.constant 1 : i32
    %get3A_282 = arith.index_cast %get3A_281 : i32 to index
    %get3A_283 = arith.constant 32 : index
    %get3A_284 = tpu.vector_load %arg9[%get3A_282, %get3A_283] {strides = array<i32>} : memref<2x64xi32, #tpu.memory_space<vmem>>, vector<16xi32>,
    %swap3A_285 = arith.constant 32 : index
    %swap3A_286 = tpu.vector_load %arg13[%swap3A_285] {strides = array<i32>} : memref<64xi32, #tpu.memory_space<vmem>>, vector<16xi32>,
    tpu.vector_store %arg13[%swap3A_285], %get3A_284 {strides = array<i32>} : memref<64xi32, #tpu.memory_space<vmem>>, vector<16xi32>,
    %get3A_287 = arith.constant 0 : i32
    %get3A_288 = arith.index_cast %get3A_287 : i32 to index
    %get3A_289 = arith.constant 48 : index
    %get3A_290 = tpu.vector_load %arg9[%get3A_288, %get3A_289] {strides = array<i32>} : memref<2x64xi32, #tpu.memory_space<vmem>>, vector<16xi32>,
    %swap3A_291 = arith.constant 48 : index
    %swap3A_292 = tpu.vector_load %arg12[%swap3A_291] {strides = array<i32>} : memref<64xi32, #tpu.memory_space<vmem>>, vector<16xi32>,
    tpu.vector_store %arg12[%swap3A_291], %get3A_290 {strides = array<i32>} : memref<64xi32, #tpu.memory_space<vmem>>, vector<16xi32>,
    %get3A_293 = arith.constant 1 : i32
    %get3A_294 = arith.index_cast %get3A_293 : i32 to index
    %get3A_295 = arith.constant 48 : index
    %get3A_296 = tpu.vector_load %arg9[%get3A_294, %get3A_295] {strides = array<i32>} : memref<2x64xi32, #tpu.memory_space<vmem>>, vector<16xi32>,
    %swap3A_297 = arith.constant 48 : index
    %swap3A_298 = tpu.vector_load %arg13[%swap3A_297] {strides = array<i32>} : memref<64xi32, #tpu.memory_space<vmem>>, vector<16xi32>,
    tpu.vector_store %arg13[%swap3A_297], %get3A_296 {strides = array<i32>} : memref<64xi32, #tpu.memory_space<vmem>>, vector<16xi32>,
    %dma_start3A_299 = arith.constant 0 : i32
    %dma_start3A_300 = arith.constant 0 : i32
    %dma_start3A_301 = tpu.memref_slice %arg2[%dma_start3A_299, %dma_start3A_300] : memref<10016x128xf32, #tpu.memory_space<hbm>> -> memref<10016x128xf32, #tpu.memory_space<hbm>>
    tpu.enqueue_indirect_dma source(%dma_start3A_301 : memref<10016x128xf32, #tpu.memory_space<hbm>>) target(%arg20 : memref<64x128xf32, #tpu.memory_space<vmem>>) offsets(%arg12 : memref<64xi32, #tpu.memory_space<vmem>>) semaphore(%arg23 : memref<!tpu.dma_semaphore, #tpu.memory_space<semaphore_mem>>)
    %get3A_302 = arith.constant 0 : index
    %get3A_303 = tpu.vector_load %arg12[%get3A_302] {strides = array<i32>} : memref<64xi32, #tpu.memory_space<vmem>>, vector<16xi32>,
    %get3A_304 = arith.constant 0 : index
    %get3A_305 = tpu.vector_load %arg13[%get3A_304] {strides = array<i32>} : memref<64xi32, #tpu.memory_space<vmem>>, vector<16xi32>,
    %gather3A_306 = tpu.vector_load_idx %arg16[%get3A_303] : memref<10016xf32, #tpu.memory_space<vmem>>[vector<16xi32>], vector<16xf32>,
    %gather3A_307 = tpu.vector_load_idx %arg17[%get3A_305] : memref<10016xf32, #tpu.memory_space<vmem>>[vector<16xi32>], vector<16xf32>,
    %add3A_308 = arith.addf %gather3A_306, %gather3A_307 : vector<16xf32>
    %gt3A_309 = arith.constant 0.000000e+00 : f32
    %gt3A_310 = vector.broadcast %gt3A_309 : f32 to vector<16xf32>
    %gt3A_311 = arith.cmpf ogt, %add3A_308, %gt3A_310 : vector<16xf32>
    %mul3A_312 = arith.constant 2.000000e-01 : f32
    %mul3A_313 = vector.broadcast %mul3A_312 : f32 to vector<16xf32>
    %mul3A_314 = arith.mulf %mul3A_313, %add3A_308 : vector<16xf32>
    %select_n3A_315 = arith.select %gt3A_311, %add3A_308, %mul3A_314 : vector<16xi1>, vector<16xf32>
    %exp3A_316 = math.exp %select_n3A_315 : vector<16xf32>
    %swap3A_317 = arith.constant 0 : index
    %swap3A_318 = tpu.vector_load %arg15[%swap3A_317] {strides = array<i32>} : memref<64xf32, #tpu.memory_space<vmem>>, vector<16xf32>,
    tpu.vector_store %arg15[%swap3A_317], %exp3A_316 {strides = array<i32>} : memref<64xf32, #tpu.memory_space<vmem>>, vector<16xf32>,
    tpu.vector_store_idx %arg18[%get3A_305], %exp3A_316 {add = true} : memref<10016xf32, #tpu.memory_space<vmem>>[vector<16xi32>], vector<16xf32>,
    %get3A_319 = arith.constant 16 : index
    %get3A_320 = tpu.vector_load %arg12[%get3A_319] {strides = array<i32>} : memref<64xi32, #tpu.memory_space<vmem>>, vector<16xi32>,
    %get3A_321 = arith.constant 16 : index
    %get3A_322 = tpu.vector_load %arg13[%get3A_321] {strides = array<i32>} : memref<64xi32, #tpu.memory_space<vmem>>, vector<16xi32>,
    %gather3A_323 = tpu.vector_load_idx %arg16[%get3A_320] : memref<10016xf32, #tpu.memory_space<vmem>>[vector<16xi32>], vector<16xf32>,
    %gather3A_324 = tpu.vector_load_idx %arg17[%get3A_322] : memref<10016xf32, #tpu.memory_space<vmem>>[vector<16xi32>], vector<16xf32>,
    %add3A_325 = arith.addf %gather3A_323, %gather3A_324 : vector<16xf32>
    %gt3A_326 = arith.constant 0.000000e+00 : f32
    %gt3A_327 = vector.broadcast %gt3A_326 : f32 to vector<16xf32>
    %gt3A_328 = arith.cmpf ogt, %add3A_325, %gt3A_327 : vector<16xf32>
    %mul3A_329 = arith.constant 2.000000e-01 : f32
    %mul3A_330 = vector.broadcast %mul3A_329 : f32 to vector<16xf32>
    %mul3A_331 = arith.mulf %mul3A_330, %add3A_325 : vector<16xf32>
    %select_n3A_332 = arith.select %gt3A_328, %add3A_325, %mul3A_331 : vector<16xi1>, vector<16xf32>
    %exp3A_333 = math.exp %select_n3A_332 : vector<16xf32>
    %swap3A_334 = arith.constant 16 : index
    %swap3A_335 = tpu.vector_load %arg15[%swap3A_334] {strides = array<i32>} : memref<64xf32, #tpu.memory_space<vmem>>, vector<16xf32>,
    tpu.vector_store %arg15[%swap3A_334], %exp3A_333 {strides = array<i32>} : memref<64xf32, #tpu.memory_space<vmem>>, vector<16xf32>,
    tpu.vector_store_idx %arg18[%get3A_322], %exp3A_333 {add = true} : memref<10016xf32, #tpu.memory_space<vmem>>[vector<16xi32>], vector<16xf32>,
    %get3A_336 = arith.constant 32 : index
    %get3A_337 = tpu.vector_load %arg12[%get3A_336] {strides = array<i32>} : memref<64xi32, #tpu.memory_space<vmem>>, vector<16xi32>,
    %get3A_338 = arith.constant 32 : index
    %get3A_339 = tpu.vector_load %arg13[%get3A_338] {strides = array<i32>} : memref<64xi32, #tpu.memory_space<vmem>>, vector<16xi32>,
    %gather3A_340 = tpu.vector_load_idx %arg16[%get3A_337] : memref<10016xf32, #tpu.memory_space<vmem>>[vector<16xi32>], vector<16xf32>,
    %gather3A_341 = tpu.vector_load_idx %arg17[%get3A_339] : memref<10016xf32, #tpu.memory_space<vmem>>[vector<16xi32>], vector<16xf32>,
    %add3A_342 = arith.addf %gather3A_340, %gather3A_341 : vector<16xf32>
    %gt3A_343 = arith.constant 0.000000e+00 : f32
    %gt3A_344 = vector.broadcast %gt3A_343 : f32 to vector<16xf32>
    %gt3A_345 = arith.cmpf ogt, %add3A_342, %gt3A_344 : vector<16xf32>
    %mul3A_346 = arith.constant 2.000000e-01 : f32
    %mul3A_347 = vector.broadcast %mul3A_346 : f32 to vector<16xf32>
    %mul3A_348 = arith.mulf %mul3A_347, %add3A_342 : vector<16xf32>
    %select_n3A_349 = arith.select %gt3A_345, %add3A_342, %mul3A_348 : vector<16xi1>, vector<16xf32>
    %exp3A_350 = math.exp %select_n3A_349 : vector<16xf32>
    %swap3A_351 = arith.constant 32 : index
    %swap3A_352 = tpu.vector_load %arg15[%swap3A_351] {strides = array<i32>} : memref<64xf32, #tpu.memory_space<vmem>>, vector<16xf32>,
    tpu.vector_store %arg15[%swap3A_351], %exp3A_350 {strides = array<i32>} : memref<64xf32, #tpu.memory_space<vmem>>, vector<16xf32>,
    tpu.vector_store_idx %arg18[%get3A_339], %exp3A_350 {add = true} : memref<10016xf32, #tpu.memory_space<vmem>>[vector<16xi32>], vector<16xf32>,
    %get3A_353 = arith.constant 48 : index
    %get3A_354 = tpu.vector_load %arg12[%get3A_353] {strides = array<i32>} : memref<64xi32, #tpu.memory_space<vmem>>, vector<16xi32>,
    %get3A_355 = arith.constant 48 : index
    %get3A_356 = tpu.vector_load %arg13[%get3A_355] {strides = array<i32>} : memref<64xi32, #tpu.memory_space<vmem>>, vector<16xi32>,
    %gather3A_357 = tpu.vector_load_idx %arg16[%get3A_354] : memref<10016xf32, #tpu.memory_space<vmem>>[vector<16xi32>], vector<16xf32>,
    %gather3A_358 = tpu.vector_load_idx %arg17[%get3A_356] : memref<10016xf32, #tpu.memory_space<vmem>>[vector<16xi32>], vector<16xf32>,
    %add3A_359 = arith.addf %gather3A_357, %gather3A_358 : vector<16xf32>
    %gt3A_360 = arith.constant 0.000000e+00 : f32
    %gt3A_361 = vector.broadcast %gt3A_360 : f32 to vector<16xf32>
    %gt3A_362 = arith.cmpf ogt, %add3A_359, %gt3A_361 : vector<16xf32>
    %mul3A_363 = arith.constant 2.000000e-01 : f32
    %mul3A_364 = vector.broadcast %mul3A_363 : f32 to vector<16xf32>
    %mul3A_365 = arith.mulf %mul3A_364, %add3A_359 : vector<16xf32>
    %select_n3A_366 = arith.select %gt3A_362, %add3A_359, %mul3A_365 : vector<16xi1>, vector<16xf32>
    %exp3A_367 = math.exp %select_n3A_366 : vector<16xf32>
    %swap3A_368 = arith.constant 48 : index
    %swap3A_369 = tpu.vector_load %arg15[%swap3A_368] {strides = array<i32>} : memref<64xf32, #tpu.memory_space<vmem>>, vector<16xf32>,
    tpu.vector_store %arg15[%swap3A_368], %exp3A_367 {strides = array<i32>} : memref<64xf32, #tpu.memory_space<vmem>>, vector<16xf32>,
    tpu.vector_store_idx %arg18[%get3A_356], %exp3A_367 {add = true} : memref<10016xf32, #tpu.memory_space<vmem>>[vector<16xi32>], vector<16xf32>,
    %scan3A_370 = arith.constant 0 : i32
    %scan3A_371 = arith.constant 1 : i32
    %scan3A_372 = arith.constant 78 : i32
    %scan3A_373 = arith.addi %scan3A_371, %scan3A_372 : i32
    %scan3A_374 = arith.constant 1 : i32
    scf.for %scan3A_402 = %scan3A_371 to %scan3A_373 step %scan3A_374  : i32 {
      %mul3A_403 = arith.constant 2 : i32
      %mul3A_404 = arith.muli %mul3A_403, %scan3A_402 : i32
      %dma_wait3A_405 = arith.constant 0 : i32
      %dma_wait3A_406 = arith.constant 0 : i32
      %dma_wait3A_407 = tpu.memref_slice %arg2[%dma_wait3A_405, %dma_wait3A_406] : memref<10016x128xf32, #tpu.memory_space<hbm>> -> memref<10016x128xf32, #tpu.memory_space<hbm>>
      tpu.wait_indirect_dma semaphore(%arg23 : memref<!tpu.dma_semaphore, #tpu.memory_space<semaphore_mem>>) src(%dma_wait3A_407 : memref<10016x128xf32, #tpu.memory_space<hbm>>) dst(%arg20 : memref<64x128xf32, #tpu.memory_space<vmem>>)
      %scan3A_408 = arith.constant 0 : i32
      %scan3A_409 = arith.constant 0 : i32
      %scan3A_410 = arith.constant 64 : i32
      %scan3A_411 = arith.addi %scan3A_409, %scan3A_410 : i32
      %scan3A_412 = arith.constant 4 : i32
      scf.for %scan3A_681 = %scan3A_409 to %scan3A_411 step %scan3A_412  : i32 {
        %broadcast_in_dim3A = vector.broadcast %scan3A_681 : i32 to vector<16xi32>
        %gather3A_682 = tpu.vector_load_idx %arg15[%broadcast_in_dim3A] : memref<64xf32, #tpu.memory_space<vmem>>[vector<16xi32>], vector<16xf32>,
        %get3A_683 = arith.index_cast %scan3A_681 : i32 to index
        %get3A_684 = arith.constant 0 : index
        %get3A_685 = tpu.vector_load %arg20[%get3A_683, %get3A_684] {strides = array<i32>} : memref<64x128xf32, #tpu.memory_space<vmem>>, vector<16xf32>,
        %mul3A_686 = arith.mulf %get3A_685, %gather3A_682 : vector<16xf32>
        %swap3A_687 = arith.index_cast %scan3A_681 : i32 to index
        %swap3A_688 = arith.constant 0 : index
        %swap3A_689 = tpu.vector_load %arg20[%swap3A_687, %swap3A_688] {strides = array<i32>} : memref<64x128xf32, #tpu.memory_space<vmem>>, vector<16xf32>,
        tpu.vector_store %arg20[%swap3A_687, %swap3A_688], %mul3A_686 {strides = array<i32>} : memref<64x128xf32, #tpu.memory_space<vmem>>, vector<16xf32>,
        %get3A_690 = arith.index_cast %scan3A_681 : i32 to index
        %get3A_691 = arith.constant 16 : index
        %get3A_692 = tpu.vector_load %arg20[%get3A_690, %get3A_691] {strides = array<i32>} : memref<64x128xf32, #tpu.memory_space<vmem>>, vector<16xf32>,
        %mul3A_693 = arith.mulf %get3A_692, %gather3A_682 : vector<16xf32>
        %swap3A_694 = arith.index_cast %scan3A_681 : i32 to index
        %swap3A_695 = arith.constant 16 : index
        %swap3A_696 = tpu.vector_load %arg20[%swap3A_694, %swap3A_695] {strides = array<i32>} : memref<64x128xf32, #tpu.memory_space<vmem>>, vector<16xf32>,
        tpu.vector_store %arg20[%swap3A_694, %swap3A_695], %mul3A_693 {strides = array<i32>} : memref<64x128xf32, #tpu.memory_space<vmem>>, vector<16xf32>,
        %get3A_697 = arith.index_cast %scan3A_681 : i32 to index
        %get3A_698 = arith.constant 32 : index
        %get3A_699 = tpu.vector_load %arg20[%get3A_697, %get3A_698] {strides = array<i32>} : memref<64x128xf32, #tpu.memory_space<vmem>>, vector<16xf32>,
        %mul3A_700 = arith.mulf %get3A_699, %gather3A_682 : vector<16xf32>
        %swap3A_701 = arith.index_cast %scan3A_681 : i32 to index
        %swap3A_702 = arith.constant 32 : index
        %swap3A_703 = tpu.vector_load %arg20[%swap3A_701, %swap3A_702] {strides = array<i32>} : memref<64x128xf32, #tpu.memory_space<vmem>>, vector<16xf32>,
        tpu.vector_store %arg20[%swap3A_701, %swap3A_702], %mul3A_700 {strides = array<i32>} : memref<64x128xf32, #tpu.memory_space<vmem>>, vector<16xf32>,
        %get3A_704 = arith.index_cast %scan3A_681 : i32 to index
        %get3A_705 = arith.constant 48 : index
        %get3A_706 = tpu.vector_load %arg20[%get3A_704, %get3A_705] {strides = array<i32>} : memref<64x128xf32, #tpu.memory_space<vmem>>, vector<16xf32>,
        %mul3A_707 = arith.mulf %get3A_706, %gather3A_682 : vector<16xf32>
        %swap3A_708 = arith.index_cast %scan3A_681 : i32 to index
        %swap3A_709 = arith.constant 48 : index
        %swap3A_710 = tpu.vector_load %arg20[%swap3A_708, %swap3A_709] {strides = array<i32>} : memref<64x128xf32, #tpu.memory_space<vmem>>, vector<16xf32>,
        tpu.vector_store %arg20[%swap3A_708, %swap3A_709], %mul3A_707 {strides = array<i32>} : memref<64x128xf32, #tpu.memory_space<vmem>>, vector<16xf32>,
        %get3A_711 = arith.index_cast %scan3A_681 : i32 to index
        %get3A_712 = arith.constant 64 : index
        %get3A_713 = tpu.vector_load %arg20[%get3A_711, %get3A_712] {strides = array<i32>} : memref<64x128xf32, #tpu.memory_space<vmem>>, vector<16xf32>,
        %mul3A_714 = arith.mulf %get3A_713, %gather3A_682 : vector<16xf32>
        %swap3A_715 = arith.index_cast %scan3A_681 : i32 to index
        %swap3A_716 = arith.constant 64 : index
        %swap3A_717 = tpu.vector_load %arg20[%swap3A_715, %swap3A_716] {strides = array<i32>} : memref<64x128xf32, #tpu.memory_space<vmem>>, vector<16xf32>,
        tpu.vector_store %arg20[%swap3A_715, %swap3A_716], %mul3A_714 {strides = array<i32>} : memref<64x128xf32, #tpu.memory_space<vmem>>, vector<16xf32>,
        %get3A_718 = arith.index_cast %scan3A_681 : i32 to index
        %get3A_719 = arith.constant 80 : index
        %get3A_720 = tpu.vector_load %arg20[%get3A_718, %get3A_719] {strides = array<i32>} : memref<64x128xf32, #tpu.memory_space<vmem>>, vector<16xf32>,
        %mul3A_721 = arith.mulf %get3A_720, %gather3A_682 : vector<16xf32>
        %swap3A_722 = arith.index_cast %scan3A_681 : i32 to index
        %swap3A_723 = arith.constant 80 : index
        %swap3A_724 = tpu.vector_load %arg20[%swap3A_722, %swap3A_723] {strides = array<i32>} : memref<64x128xf32, #tpu.memory_space<vmem>>, vector<16xf32>,
        tpu.vector_store %arg20[%swap3A_722, %swap3A_723], %mul3A_721 {strides = array<i32>} : memref<64x128xf32, #tpu.memory_space<vmem>>, vector<16xf32>,
        %get3A_725 = arith.index_cast %scan3A_681 : i32 to index
        %get3A_726 = arith.constant 96 : index
        %get3A_727 = tpu.vector_load %arg20[%get3A_725, %get3A_726] {strides = array<i32>} : memref<64x128xf32, #tpu.memory_space<vmem>>, vector<16xf32>,
        %mul3A_728 = arith.mulf %get3A_727, %gather3A_682 : vector<16xf32>
        %swap3A_729 = arith.index_cast %scan3A_681 : i32 to index
        %swap3A_730 = arith.constant 96 : index
        %swap3A_731 = tpu.vector_load %arg20[%swap3A_729, %swap3A_730] {strides = array<i32>} : memref<64x128xf32, #tpu.memory_space<vmem>>, vector<16xf32>,
        tpu.vector_store %arg20[%swap3A_729, %swap3A_730], %mul3A_728 {strides = array<i32>} : memref<64x128xf32, #tpu.memory_space<vmem>>, vector<16xf32>,
        %get3A_732 = arith.index_cast %scan3A_681 : i32 to index
        %get3A_733 = arith.constant 112 : index
        %get3A_734 = tpu.vector_load %arg20[%get3A_732, %get3A_733] {strides = array<i32>} : memref<64x128xf32, #tpu.memory_space<vmem>>, vector<16xf32>,
        %mul3A_735 = arith.mulf %get3A_734, %gather3A_682 : vector<16xf32>
        %swap3A_736 = arith.index_cast %scan3A_681 : i32 to index
        %swap3A_737 = arith.constant 112 : index
        %swap3A_738 = tpu.vector_load %arg20[%swap3A_736, %swap3A_737] {strides = array<i32>} : memref<64x128xf32, #tpu.memory_space<vmem>>, vector<16xf32>,
        tpu.vector_store %arg20[%swap3A_736, %swap3A_737], %mul3A_735 {strides = array<i32>} : memref<64x128xf32, #tpu.memory_space<vmem>>, vector<16xf32>,
        %scan3A_739 = arith.constant 1 : i32
        %scan3A_740 = arith.addi %scan3A_681, %scan3A_739 : i32
        %broadcast_in_dim3A_741 = vector.broadcast %scan3A_740 : i32 to vector<16xi32>
        %gather3A_742 = tpu.vector_load_idx %arg15[%broadcast_in_dim3A_741] : memref<64xf32, #tpu.memory_space<vmem>>[vector<16xi32>], vector<16xf32>,
        %get3A_743 = arith.index_cast %scan3A_740 : i32 to index
        %get3A_744 = arith.constant 0 : index
        %get3A_745 = tpu.vector_load %arg20[%get3A_743, %get3A_744] {strides = array<i32>} : memref<64x128xf32, #tpu.memory_space<vmem>>, vector<16xf32>,
        %mul3A_746 = arith.mulf %get3A_745, %gather3A_742 : vector<16xf32>
        %swap3A_747 = arith.index_cast %scan3A_740 : i32 to index
        %swap3A_748 = arith.constant 0 : index
        %swap3A_749 = tpu.vector_load %arg20[%swap3A_747, %swap3A_748] {strides = array<i32>} : memref<64x128xf32, #tpu.memory_space<vmem>>, vector<16xf32>,
        tpu.vector_store %arg20[%swap3A_747, %swap3A_748], %mul3A_746 {strides = array<i32>} : memref<64x128xf32, #tpu.memory_space<vmem>>, vector<16xf32>,
        %get3A_750 = arith.index_cast %scan3A_740 : i32 to index
        %get3A_751 = arith.constant 16 : index
        %get3A_752 = tpu.vector_load %arg20[%get3A_750, %get3A_751] {strides = array<i32>} : memref<64x128xf32, #tpu.memory_space<vmem>>, vector<16xf32>,
        %mul3A_753 = arith.mulf %get3A_752, %gather3A_742 : vector<16xf32>
        %swap3A_754 = arith.index_cast %scan3A_740 : i32 to index
        %swap3A_755 = arith.constant 16 : index
        %swap3A_756 = tpu.vector_load %arg20[%swap3A_754, %swap3A_755] {strides = array<i32>} : memref<64x128xf32, #tpu.memory_space<vmem>>, vector<16xf32>,
        tpu.vector_store %arg20[%swap3A_754, %swap3A_755], %mul3A_753 {strides = array<i32>} : memref<64x128xf32, #tpu.memory_space<vmem>>, vector<16xf32>,
        %get3A_757 = arith.index_cast %scan3A_740 : i32 to index
        %get3A_758 = arith.constant 32 : index
        %get3A_759 = tpu.vector_load %arg20[%get3A_757, %get3A_758] {strides = array<i32>} : memref<64x128xf32, #tpu.memory_space<vmem>>, vector<16xf32>,
        %mul3A_760 = arith.mulf %get3A_759, %gather3A_742 : vector<16xf32>
        %swap3A_761 = arith.index_cast %scan3A_740 : i32 to index
        %swap3A_762 = arith.constant 32 : index
        %swap3A_763 = tpu.vector_load %arg20[%swap3A_761, %swap3A_762] {strides = array<i32>} : memref<64x128xf32, #tpu.memory_space<vmem>>, vector<16xf32>,
        tpu.vector_store %arg20[%swap3A_761, %swap3A_762], %mul3A_760 {strides = array<i32>} : memref<64x128xf32, #tpu.memory_space<vmem>>, vector<16xf32>,
        %get3A_764 = arith.index_cast %scan3A_740 : i32 to index
        %get3A_765 = arith.constant 48 : index
        %get3A_766 = tpu.vector_load %arg20[%get3A_764, %get3A_765] {strides = array<i32>} : memref<64x128xf32, #tpu.memory_space<vmem>>, vector<16xf32>,
        %mul3A_767 = arith.mulf %get3A_766, %gather3A_742 : vector<16xf32>
        %swap3A_768 = arith.index_cast %scan3A_740 : i32 to index
        %swap3A_769 = arith.constant 48 : index
        %swap3A_770 = tpu.vector_load %arg20[%swap3A_768, %swap3A_769] {strides = array<i32>} : memref<64x128xf32, #tpu.memory_space<vmem>>, vector<16xf32>,
        tpu.vector_store %arg20[%swap3A_768, %swap3A_769], %mul3A_767 {strides = array<i32>} : memref<64x128xf32, #tpu.memory_space<vmem>>, vector<16xf32>,
        %get3A_771 = arith.index_cast %scan3A_740 : i32 to index
        %get3A_772 = arith.constant 64 : index
        %get3A_773 = tpu.vector_load %arg20[%get3A_771, %get3A_772] {strides = array<i32>} : memref<64x128xf32, #tpu.memory_space<vmem>>, vector<16xf32>,
        %mul3A_774 = arith.mulf %get3A_773, %gather3A_742 : vector<16xf32>
        %swap3A_775 = arith.index_cast %scan3A_740 : i32 to index
        %swap3A_776 = arith.constant 64 : index
        %swap3A_777 = tpu.vector_load %arg20[%swap3A_775, %swap3A_776] {strides = array<i32>} : memref<64x128xf32, #tpu.memory_space<vmem>>, vector<16xf32>,
        tpu.vector_store %arg20[%swap3A_775, %swap3A_776], %mul3A_774 {strides = array<i32>} : memref<64x128xf32, #tpu.memory_space<vmem>>, vector<16xf32>,
        %get3A_778 = arith.index_cast %scan3A_740 : i32 to index
        %get3A_779 = arith.constant 80 : index
        %get3A_780 = tpu.vector_load %arg20[%get3A_778, %get3A_779] {strides = array<i32>} : memref<64x128xf32, #tpu.memory_space<vmem>>, vector<16xf32>,
        %mul3A_781 = arith.mulf %get3A_780, %gather3A_742 : vector<16xf32>
        %swap3A_782 = arith.index_cast %scan3A_740 : i32 to index
        %swap3A_783 = arith.constant 80 : index
        %swap3A_784 = tpu.vector_load %arg20[%swap3A_782, %swap3A_783] {strides = array<i32>} : memref<64x128xf32, #tpu.memory_space<vmem>>, vector<16xf32>,
        tpu.vector_store %arg20[%swap3A_782, %swap3A_783], %mul3A_781 {strides = array<i32>} : memref<64x128xf32, #tpu.memory_space<vmem>>, vector<16xf32>,
        %get3A_785 = arith.index_cast %scan3A_740 : i32 to index
        %get3A_786 = arith.constant 96 : index
        %get3A_787 = tpu.vector_load %arg20[%get3A_785, %get3A_786] {strides = array<i32>} : memref<64x128xf32, #tpu.memory_space<vmem>>, vector<16xf32>,
        %mul3A_788 = arith.mulf %get3A_787, %gather3A_742 : vector<16xf32>
        %swap3A_789 = arith.index_cast %scan3A_740 : i32 to index
        %swap3A_790 = arith.constant 96 : index
        %swap3A_791 = tpu.vector_load %arg20[%swap3A_789, %swap3A_790] {strides = array<i32>} : memref<64x128xf32, #tpu.memory_space<vmem>>, vector<16xf32>,
        tpu.vector_store %arg20[%swap3A_789, %swap3A_790], %mul3A_788 {strides = array<i32>} : memref<64x128xf32, #tpu.memory_space<vmem>>, vector<16xf32>,
        %get3A_792 = arith.index_cast %scan3A_740 : i32 to index
        %get3A_793 = arith.constant 112 : index
        %get3A_794 = tpu.vector_load %arg20[%get3A_792, %get3A_793] {strides = array<i32>} : memref<64x128xf32, #tpu.memory_space<vmem>>, vector<16xf32>,
        %mul3A_795 = arith.mulf %get3A_794, %gather3A_742 : vector<16xf32>
        %swap3A_796 = arith.index_cast %scan3A_740 : i32 to index
        %swap3A_797 = arith.constant 112 : index
        %swap3A_798 = tpu.vector_load %arg20[%swap3A_796, %swap3A_797] {strides = array<i32>} : memref<64x128xf32, #tpu.memory_space<vmem>>, vector<16xf32>,
        tpu.vector_store %arg20[%swap3A_796, %swap3A_797], %mul3A_795 {strides = array<i32>} : memref<64x128xf32, #tpu.memory_space<vmem>>, vector<16xf32>,
        %scan3A_799 = arith.constant 2 : i32
        %scan3A_800 = arith.addi %scan3A_681, %scan3A_799 : i32
        %broadcast_in_dim3A_801 = vector.broadcast %scan3A_800 : i32 to vector<16xi32>
        %gather3A_802 = tpu.vector_load_idx %arg15[%broadcast_in_dim3A_801] : memref<64xf32, #tpu.memory_space<vmem>>[vector<16xi32>], vector<16xf32>,
        %get3A_803 = arith.index_cast %scan3A_800 : i32 to index
        %get3A_804 = arith.constant 0 : index
        %get3A_805 = tpu.vector_load %arg20[%get3A_803, %get3A_804] {strides = array<i32>} : memref<64x128xf32, #tpu.memory_space<vmem>>, vector<16xf32>,
        %mul3A_806 = arith.mulf %get3A_805, %gather3A_802 : vector<16xf32>
        %swap3A_807 = arith.index_cast %scan3A_800 : i32 to index
        %swap3A_808 = arith.constant 0 : index
        %swap3A_809 = tpu.vector_load %arg20[%swap3A_807, %swap3A_808] {strides = array<i32>} : memref<64x128xf32, #tpu.memory_space<vmem>>, vector<16xf32>,
        tpu.vector_store %arg20[%swap3A_807, %swap3A_808], %mul3A_806 {strides = array<i32>} : memref<64x128xf32, #tpu.memory_space<vmem>>, vector<16xf32>,
        %get3A_810 = arith.index_cast %scan3A_800 : i32 to index
        %get3A_811 = arith.constant 16 : index
        %get3A_812 = tpu.vector_load %arg20[%get3A_810, %get3A_811] {strides = array<i32>} : memref<64x128xf32, #tpu.memory_space<vmem>>, vector<16xf32>,
        %mul3A_813 = arith.mulf %get3A_812, %gather3A_802 : vector<16xf32>
        %swap3A_814 = arith.index_cast %scan3A_800 : i32 to index
        %swap3A_815 = arith.constant 16 : index
        %swap3A_816 = tpu.vector_load %arg20[%swap3A_814, %swap3A_815] {strides = array<i32>} : memref<64x128xf32, #tpu.memory_space<vmem>>, vector<16xf32>,
        tpu.vector_store %arg20[%swap3A_814, %swap3A_815], %mul3A_813 {strides = array<i32>} : memref<64x128xf32, #tpu.memory_space<vmem>>, vector<16xf32>,
        %get3A_817 = arith.index_cast %scan3A_800 : i32 to index
        %get3A_818 = arith.constant 32 : index
        %get3A_819 = tpu.vector_load %arg20[%get3A_817, %get3A_818] {strides = array<i32>} : memref<64x128xf32, #tpu.memory_space<vmem>>, vector<16xf32>,
        %mul3A_820 = arith.mulf %get3A_819, %gather3A_802 : vector<16xf32>
        %swap3A_821 = arith.index_cast %scan3A_800 : i32 to index
        %swap3A_822 = arith.constant 32 : index
        %swap3A_823 = tpu.vector_load %arg20[%swap3A_821, %swap3A_822] {strides = array<i32>} : memref<64x128xf32, #tpu.memory_space<vmem>>, vector<16xf32>,
        tpu.vector_store %arg20[%swap3A_821, %swap3A_822], %mul3A_820 {strides = array<i32>} : memref<64x128xf32, #tpu.memory_space<vmem>>, vector<16xf32>,
        %get3A_824 = arith.index_cast %scan3A_800 : i32 to index
        %get3A_825 = arith.constant 48 : index
        %get3A_826 = tpu.vector_load %arg20[%get3A_824, %get3A_825] {strides = array<i32>} : memref<64x128xf32, #tpu.memory_space<vmem>>, vector<16xf32>,
        %mul3A_827 = arith.mulf %get3A_826, %gather3A_802 : vector<16xf32>
        %swap3A_828 = arith.index_cast %scan3A_800 : i32 to index
        %swap3A_829 = arith.constant 48 : index
        %swap3A_830 = tpu.vector_load %arg20[%swap3A_828, %swap3A_829] {strides = array<i32>} : memref<64x128xf32, #tpu.memory_space<vmem>>, vector<16xf32>,
        tpu.vector_store %arg20[%swap3A_828, %swap3A_829], %mul3A_827 {strides = array<i32>} : memref<64x128xf32, #tpu.memory_space<vmem>>, vector<16xf32>,
        %get3A_831 = arith.index_cast %scan3A_800 : i32 to index
        %get3A_832 = arith.constant 64 : index
        %get3A_833 = tpu.vector_load %arg20[%get3A_831, %get3A_832] {strides = array<i32>} : memref<64x128xf32, #tpu.memory_space<vmem>>, vector<16xf32>,
        %mul3A_834 = arith.mulf %get3A_833, %gather3A_802 : vector<16xf32>
        %swap3A_835 = arith.index_cast %scan3A_800 : i32 to index
        %swap3A_836 = arith.constant 64 : index
        %swap3A_837 = tpu.vector_load %arg20[%swap3A_835, %swap3A_836] {strides = array<i32>} : memref<64x128xf32, #tpu.memory_space<vmem>>, vector<16xf32>,
        tpu.vector_store %arg20[%swap3A_835, %swap3A_836], %mul3A_834 {strides = array<i32>} : memref<64x128xf32, #tpu.memory_space<vmem>>, vector<16xf32>,
        %get3A_838 = arith.index_cast %scan3A_800 : i32 to index
        %get3A_839 = arith.constant 80 : index
        %get3A_840 = tpu.vector_load %arg20[%get3A_838, %get3A_839] {strides = array<i32>} : memref<64x128xf32, #tpu.memory_space<vmem>>, vector<16xf32>,
        %mul3A_841 = arith.mulf %get3A_840, %gather3A_802 : vector<16xf32>
        %swap3A_842 = arith.index_cast %scan3A_800 : i32 to index
        %swap3A_843 = arith.constant 80 : index
        %swap3A_844 = tpu.vector_load %arg20[%swap3A_842, %swap3A_843] {strides = array<i32>} : memref<64x128xf32, #tpu.memory_space<vmem>>, vector<16xf32>,
        tpu.vector_store %arg20[%swap3A_842, %swap3A_843], %mul3A_841 {strides = array<i32>} : memref<64x128xf32, #tpu.memory_space<vmem>>, vector<16xf32>,
        %get3A_845 = arith.index_cast %scan3A_800 : i32 to index
        %get3A_846 = arith.constant 96 : index
        %get3A_847 = tpu.vector_load %arg20[%get3A_845, %get3A_846] {strides = array<i32>} : memref<64x128xf32, #tpu.memory_space<vmem>>, vector<16xf32>,
        %mul3A_848 = arith.mulf %get3A_847, %gather3A_802 : vector<16xf32>
        %swap3A_849 = arith.index_cast %scan3A_800 : i32 to index
        %swap3A_850 = arith.constant 96 : index
        %swap3A_851 = tpu.vector_load %arg20[%swap3A_849, %swap3A_850] {strides = array<i32>} : memref<64x128xf32, #tpu.memory_space<vmem>>, vector<16xf32>,
        tpu.vector_store %arg20[%swap3A_849, %swap3A_850], %mul3A_848 {strides = array<i32>} : memref<64x128xf32, #tpu.memory_space<vmem>>, vector<16xf32>,
        %get3A_852 = arith.index_cast %scan3A_800 : i32 to index
        %get3A_853 = arith.constant 112 : index
        %get3A_854 = tpu.vector_load %arg20[%get3A_852, %get3A_853] {strides = array<i32>} : memref<64x128xf32, #tpu.memory_space<vmem>>, vector<16xf32>,
        %mul3A_855 = arith.mulf %get3A_854, %gather3A_802 : vector<16xf32>
        %swap3A_856 = arith.index_cast %scan3A_800 : i32 to index
        %swap3A_857 = arith.constant 112 : index
        %swap3A_858 = tpu.vector_load %arg20[%swap3A_856, %swap3A_857] {strides = array<i32>} : memref<64x128xf32, #tpu.memory_space<vmem>>, vector<16xf32>,
        tpu.vector_store %arg20[%swap3A_856, %swap3A_857], %mul3A_855 {strides = array<i32>} : memref<64x128xf32, #tpu.memory_space<vmem>>, vector<16xf32>,
        %scan3A_859 = arith.constant 3 : i32
        %scan3A_860 = arith.addi %scan3A_681, %scan3A_859 : i32
        %broadcast_in_dim3A_861 = vector.broadcast %scan3A_860 : i32 to vector<16xi32>
        %gather3A_862 = tpu.vector_load_idx %arg15[%broadcast_in_dim3A_861] : memref<64xf32, #tpu.memory_space<vmem>>[vector<16xi32>], vector<16xf32>,
        %get3A_863 = arith.index_cast %scan3A_860 : i32 to index
        %get3A_864 = arith.constant 0 : index
        %get3A_865 = tpu.vector_load %arg20[%get3A_863, %get3A_864] {strides = array<i32>} : memref<64x128xf32, #tpu.memory_space<vmem>>, vector<16xf32>,
        %mul3A_866 = arith.mulf %get3A_865, %gather3A_862 : vector<16xf32>
        %swap3A_867 = arith.index_cast %scan3A_860 : i32 to index
        %swap3A_868 = arith.constant 0 : index
        %swap3A_869 = tpu.vector_load %arg20[%swap3A_867, %swap3A_868] {strides = array<i32>} : memref<64x128xf32, #tpu.memory_space<vmem>>, vector<16xf32>,
        tpu.vector_store %arg20[%swap3A_867, %swap3A_868], %mul3A_866 {strides = array<i32>} : memref<64x128xf32, #tpu.memory_space<vmem>>, vector<16xf32>,
        %get3A_870 = arith.index_cast %scan3A_860 : i32 to index
        %get3A_871 = arith.constant 16 : index
        %get3A_872 = tpu.vector_load %arg20[%get3A_870, %get3A_871] {strides = array<i32>} : memref<64x128xf32, #tpu.memory_space<vmem>>, vector<16xf32>,
        %mul3A_873 = arith.mulf %get3A_872, %gather3A_862 : vector<16xf32>
        %swap3A_874 = arith.index_cast %scan3A_860 : i32 to index
        %swap3A_875 = arith.constant 16 : index
        %swap3A_876 = tpu.vector_load %arg20[%swap3A_874, %swap3A_875] {strides = array<i32>} : memref<64x128xf32, #tpu.memory_space<vmem>>, vector<16xf32>,
        tpu.vector_store %arg20[%swap3A_874, %swap3A_875], %mul3A_873 {strides = array<i32>} : memref<64x128xf32, #tpu.memory_space<vmem>>, vector<16xf32>,
        %get3A_877 = arith.index_cast %scan3A_860 : i32 to index
        %get3A_878 = arith.constant 32 : index
        %get3A_879 = tpu.vector_load %arg20[%get3A_877, %get3A_878] {strides = array<i32>} : memref<64x128xf32, #tpu.memory_space<vmem>>, vector<16xf32>,
        %mul3A_880 = arith.mulf %get3A_879, %gather3A_862 : vector<16xf32>
        %swap3A_881 = arith.index_cast %scan3A_860 : i32 to index
        %swap3A_882 = arith.constant 32 : index
        %swap3A_883 = tpu.vector_load %arg20[%swap3A_881, %swap3A_882] {strides = array<i32>} : memref<64x128xf32, #tpu.memory_space<vmem>>, vector<16xf32>,
        tpu.vector_store %arg20[%swap3A_881, %swap3A_882], %mul3A_880 {strides = array<i32>} : memref<64x128xf32, #tpu.memory_space<vmem>>, vector<16xf32>,
        %get3A_884 = arith.index_cast %scan3A_860 : i32 to index
        %get3A_885 = arith.constant 48 : index
        %get3A_886 = tpu.vector_load %arg20[%get3A_884, %get3A_885] {strides = array<i32>} : memref<64x128xf32, #tpu.memory_space<vmem>>, vector<16xf32>,
        %mul3A_887 = arith.mulf %get3A_886, %gather3A_862 : vector<16xf32>
        %swap3A_888 = arith.index_cast %scan3A_860 : i32 to index
        %swap3A_889 = arith.constant 48 : index
        %swap3A_890 = tpu.vector_load %arg20[%swap3A_888, %swap3A_889] {strides = array<i32>} : memref<64x128xf32, #tpu.memory_space<vmem>>, vector<16xf32>,
        tpu.vector_store %arg20[%swap3A_888, %swap3A_889], %mul3A_887 {strides = array<i32>} : memref<64x128xf32, #tpu.memory_space<vmem>>, vector<16xf32>,
        %get3A_891 = arith.index_cast %scan3A_860 : i32 to index
        %get3A_892 = arith.constant 64 : index
        %get3A_893 = tpu.vector_load %arg20[%get3A_891, %get3A_892] {strides = array<i32>} : memref<64x128xf32, #tpu.memory_space<vmem>>, vector<16xf32>,
        %mul3A_894 = arith.mulf %get3A_893, %gather3A_862 : vector<16xf32>
        %swap3A_895 = arith.index_cast %scan3A_860 : i32 to index
        %swap3A_896 = arith.constant 64 : index
        %swap3A_897 = tpu.vector_load %arg20[%swap3A_895, %swap3A_896] {strides = array<i32>} : memref<64x128xf32, #tpu.memory_space<vmem>>, vector<16xf32>,
        tpu.vector_store %arg20[%swap3A_895, %swap3A_896], %mul3A_894 {strides = array<i32>} : memref<64x128xf32, #tpu.memory_space<vmem>>, vector<16xf32>,
        %get3A_898 = arith.index_cast %scan3A_860 : i32 to index
        %get3A_899 = arith.constant 80 : index
        %get3A_900 = tpu.vector_load %arg20[%get3A_898, %get3A_899] {strides = array<i32>} : memref<64x128xf32, #tpu.memory_space<vmem>>, vector<16xf32>,
        %mul3A_901 = arith.mulf %get3A_900, %gather3A_862 : vector<16xf32>
        %swap3A_902 = arith.index_cast %scan3A_860 : i32 to index
        %swap3A_903 = arith.constant 80 : index
        %swap3A_904 = tpu.vector_load %arg20[%swap3A_902, %swap3A_903] {strides = array<i32>} : memref<64x128xf32, #tpu.memory_space<vmem>>, vector<16xf32>,
        tpu.vector_store %arg20[%swap3A_902, %swap3A_903], %mul3A_901 {strides = array<i32>} : memref<64x128xf32, #tpu.memory_space<vmem>>, vector<16xf32>,
        %get3A_905 = arith.index_cast %scan3A_860 : i32 to index
        %get3A_906 = arith.constant 96 : index
        %get3A_907 = tpu.vector_load %arg20[%get3A_905, %get3A_906] {strides = array<i32>} : memref<64x128xf32, #tpu.memory_space<vmem>>, vector<16xf32>,
        %mul3A_908 = arith.mulf %get3A_907, %gather3A_862 : vector<16xf32>
        %swap3A_909 = arith.index_cast %scan3A_860 : i32 to index
        %swap3A_910 = arith.constant 96 : index
        %swap3A_911 = tpu.vector_load %arg20[%swap3A_909, %swap3A_910] {strides = array<i32>} : memref<64x128xf32, #tpu.memory_space<vmem>>, vector<16xf32>,
        tpu.vector_store %arg20[%swap3A_909, %swap3A_910], %mul3A_908 {strides = array<i32>} : memref<64x128xf32, #tpu.memory_space<vmem>>, vector<16xf32>,
        %get3A_912 = arith.index_cast %scan3A_860 : i32 to index
        %get3A_913 = arith.constant 112 : index
        %get3A_914 = tpu.vector_load %arg20[%get3A_912, %get3A_913] {strides = array<i32>} : memref<64x128xf32, #tpu.memory_space<vmem>>, vector<16xf32>,
        %mul3A_915 = arith.mulf %get3A_914, %gather3A_862 : vector<16xf32>
        %swap3A_916 = arith.index_cast %scan3A_860 : i32 to index
        %swap3A_917 = arith.constant 112 : index
        %swap3A_918 = tpu.vector_load %arg20[%swap3A_916, %swap3A_917] {strides = array<i32>} : memref<64x128xf32, #tpu.memory_space<vmem>>, vector<16xf32>,
        tpu.vector_store %arg20[%swap3A_916, %swap3A_917], %mul3A_915 {strides = array<i32>} : memref<64x128xf32, #tpu.memory_space<vmem>>, vector<16xf32>,
      }
      %scan3A_413 = arith.constant 64 : i32
      %dma_start3A_414 = arith.constant 0 : i32
      %dma_start3A_415 = arith.constant 0 : i32
      %dma_start3A_416 = tpu.memref_slice %arg21[%dma_start3A_414, %dma_start3A_415] : memref<10112x128xf32, #tpu.memory_space<vmem_shared>> -> memref<10112x128xf32, #tpu.memory_space<vmem_shared>>
      tpu.enqueue_indirect_dma source(%arg20 : memref<64x128xf32, #tpu.memory_space<vmem>>) target(%dma_start3A_416 : memref<10112x128xf32, #tpu.memory_space<vmem_shared>>) offsets(%arg13 : memref<64xi32, #tpu.memory_space<vmem>>) semaphore(%arg25 : memref<!tpu.dma_semaphore, #tpu.memory_space<semaphore_mem>>) {add = true}
      %dma_wait3A_417 = arith.constant 0 : i32
      %dma_wait3A_418 = arith.constant 0 : i32
      %dma_wait3A_419 = tpu.memref_slice %arg2[%dma_wait3A_417, %dma_wait3A_418] : memref<10016x128xf32, #tpu.memory_space<hbm>> -> memref<64x128xf32, #tpu.memory_space<hbm>>
      %dma_wait3A_420 = arith.constant 0 : i32
      %dma_wait3A_421 = arith.constant 0 : i32
      %dma_wait3A_422 = tpu.memref_slice %arg2[%dma_wait3A_420, %dma_wait3A_421] : memref<10016x128xf32, #tpu.memory_space<hbm>> -> memref<64x128xf32, #tpu.memory_space<hbm>>
      tpu.wait_dma2 semaphore(%arg24 : memref<!tpu.dma_semaphore, #tpu.memory_space<semaphore_mem>>) src(%dma_wait3A_422 : memref<64x128xf32, #tpu.memory_space<hbm>>) dst(%arg19 : memref<64x128xf32, #tpu.memory_space<vmem>>)
      "tpu.region"() ({
        %run_scoped3A_681 = tpu.sem_alloc : memref<!tpu.dma_semaphore, #tpu.memory_space<semaphore_mem>>
        %dma_start3A_682 = arith.constant 0 : i32
        %dma_start3A_683 = arith.constant 0 : i32
        %dma_start3A_684 = tpu.memref_slice %arg3[%add3A, %mul3A_404, %dma_start3A_682, %dma_start3A_683] : memref<32x158x2x64xi32, #tpu.memory_space<hbm>> -> memref<1x1x2x64xi32, #tpu.memory_space<hbm>>
        %dma_start3A_685 = tpu.memref_squeeze %dma_start3A_684 : memref<1x1x2x64xi32, #tpu.memory_space<hbm>> -> memref<2x64xi32, #tpu.memory_space<hbm>>
        %dma_start3A_686 = arith.constant 0 : i32
        %dma_start3A_687 = arith.constant 0 : i32
        %dma_start3A_688 = tpu.memref_slice %arg3[%add3A, %mul3A_404, %dma_start3A_686, %dma_start3A_687] : memref<32x158x2x64xi32, #tpu.memory_space<hbm>> -> memref<1x1x2x64xi32, #tpu.memory_space<hbm>>
        %dma_start3A_689 = tpu.memref_squeeze %dma_start3A_688 : memref<1x1x2x64xi32, #tpu.memory_space<hbm>> -> memref<2x64xi32, #tpu.memory_space<hbm>>
        tpu.enqueue_dma source(%dma_start3A_689 : memref<2x64xi32, #tpu.memory_space<hbm>>) target(%arg8 : memref<2x64xi32, #tpu.memory_space<vmem>>) target_semaphore(%run_scoped3A_681 : memref<!tpu.dma_semaphore, #tpu.memory_space<semaphore_mem>>)
        %dma_wait3A_690 = arith.constant 0 : i32
        %dma_wait3A_691 = arith.constant 0 : i32
        %dma_wait3A_692 = tpu.memref_slice %arg3[%add3A, %mul3A_404, %dma_wait3A_690, %dma_wait3A_691] : memref<32x158x2x64xi32, #tpu.memory_space<hbm>> -> memref<1x1x2x64xi32, #tpu.memory_space<hbm>>
        %dma_wait3A_693 = tpu.memref_squeeze %dma_wait3A_692 : memref<1x1x2x64xi32, #tpu.memory_space<hbm>> -> memref<2x64xi32, #tpu.memory_space<hbm>>
        %dma_wait3A_694 = arith.constant 0 : i32
        %dma_wait3A_695 = arith.constant 0 : i32
        %dma_wait3A_696 = tpu.memref_slice %arg3[%add3A, %mul3A_404, %dma_wait3A_694, %dma_wait3A_695] : memref<32x158x2x64xi32, #tpu.memory_space<hbm>> -> memref<1x1x2x64xi32, #tpu.memory_space<hbm>>
        %dma_wait3A_697 = tpu.memref_squeeze %dma_wait3A_696 : memref<1x1x2x64xi32, #tpu.memory_space<hbm>> -> memref<2x64xi32, #tpu.memory_space<hbm>>
        tpu.wait_dma2 semaphore(%run_scoped3A_681 : memref<!tpu.dma_semaphore, #tpu.memory_space<semaphore_mem>>) src(%dma_wait3A_697 : memref<2x64xi32, #tpu.memory_space<hbm>>) dst(%arg8 : memref<2x64xi32, #tpu.memory_space<vmem>>)
        tpu.yield
      }) : () -> ()
      %get3A_423 = arith.constant 0 : i32
      %get3A_424 = arith.index_cast %get3A_423 : i32 to index
      %get3A_425 = arith.constant 0 : index
      %get3A_426 = tpu.vector_load %arg8[%get3A_424, %get3A_425] {strides = array<i32>} : memref<2x64xi32, #tpu.memory_space<vmem>>, vector<16xi32>,
      %swap3A_427 = arith.constant 0 : index
      %swap3A_428 = tpu.vector_load %arg10[%swap3A_427] {strides = array<i32>} : memref<64xi32, #tpu.memory_space<vmem>>, vector<16xi32>,
      tpu.vector_store %arg10[%swap3A_427], %get3A_426 {strides = array<i32>} : memref<64xi32, #tpu.memory_space<vmem>>, vector<16xi32>,
      %get3A_429 = arith.constant 1 : i32
      %get3A_430 = arith.index_cast %get3A_429 : i32 to index
      %get3A_431 = arith.constant 0 : index
      %get3A_432 = tpu.vector_load %arg8[%get3A_430, %get3A_431] {strides = array<i32>} : memref<2x64xi32, #tpu.memory_space<vmem>>, vector<16xi32>,
      %swap3A_433 = arith.constant 0 : index
      %swap3A_434 = tpu.vector_load %arg11[%swap3A_433] {strides = array<i32>} : memref<64xi32, #tpu.memory_space<vmem>>, vector<16xi32>,
      tpu.vector_store %arg11[%swap3A_433], %get3A_432 {strides = array<i32>} : memref<64xi32, #tpu.memory_space<vmem>>, vector<16xi32>,
      %get3A_435 = arith.constant 0 : i32
      %get3A_436 = arith.index_cast %get3A_435 : i32 to index
      %get3A_437 = arith.constant 16 : index
      %get3A_438 = tpu.vector_load %arg8[%get3A_436, %get3A_437] {strides = array<i32>} : memref<2x64xi32, #tpu.memory_space<vmem>>, vector<16xi32>,
      %swap3A_439 = arith.constant 16 : index
      %swap3A_440 = tpu.vector_load %arg10[%swap3A_439] {strides = array<i32>} : memref<64xi32, #tpu.memory_space<vmem>>, vector<16xi32>,
      tpu.vector_store %arg10[%swap3A_439], %get3A_438 {strides = array<i32>} : memref<64xi32, #tpu.memory_space<vmem>>, vector<16xi32>,
      %get3A_441 = arith.constant 1 : i32
      %get3A_442 = arith.index_cast %get3A_441 : i32 to index
      %get3A_443 = arith.constant 16 : index
      %get3A_444 = tpu.vector_load %arg8[%get3A_442, %get3A_443] {strides = array<i32>} : memref<2x64xi32, #tpu.memory_space<vmem>>, vector<16xi32>,
      %swap3A_445 = arith.constant 16 : index
      %swap3A_446 = tpu.vector_load %arg11[%swap3A_445] {strides = array<i32>} : memref<64xi32, #tpu.memory_space<vmem>>, vector<16xi32>,
      tpu.vector_store %arg11[%swap3A_445], %get3A_444 {strides = array<i32>} : memref<64xi32, #tpu.memory_space<vmem>>, vector<16xi32>,
      %get3A_447 = arith.constant 0 : i32
      %get3A_448 = arith.index_cast %get3A_447 : i32 to index
      %get3A_449 = arith.constant 32 : index
      %get3A_450 = tpu.vector_load %arg8[%get3A_448, %get3A_449] {strides = array<i32>} : memref<2x64xi32, #tpu.memory_space<vmem>>, vector<16xi32>,
      %swap3A_451 = arith.constant 32 : index
      %swap3A_452 = tpu.vector_load %arg10[%swap3A_451] {strides = array<i32>} : memref<64xi32, #tpu.memory_space<vmem>>, vector<16xi32>,
      tpu.vector_store %arg10[%swap3A_451], %get3A_450 {strides = array<i32>} : memref<64xi32, #tpu.memory_space<vmem>>, vector<16xi32>,
      %get3A_453 = arith.constant 1 : i32
      %get3A_454 = arith.index_cast %get3A_453 : i32 to index
      %get3A_455 = arith.constant 32 : index
      %get3A_456 = tpu.vector_load %arg8[%get3A_454, %get3A_455] {strides = array<i32>} : memref<2x64xi32, #tpu.memory_space<vmem>>, vector<16xi32>,
      %swap3A_457 = arith.constant 32 : index
      %swap3A_458 = tpu.vector_load %arg11[%swap3A_457] {strides = array<i32>} : memref<64xi32, #tpu.memory_space<vmem>>, vector<16xi32>,
      tpu.vector_store %arg11[%swap3A_457], %get3A_456 {strides = array<i32>} : memref<64xi32, #tpu.memory_space<vmem>>, vector<16xi32>,
      %get3A_459 = arith.constant 0 : i32
      %get3A_460 = arith.index_cast %get3A_459 : i32 to index
      %get3A_461 = arith.constant 48 : index
      %get3A_462 = tpu.vector_load %arg8[%get3A_460, %get3A_461] {strides = array<i32>} : memref<2x64xi32, #tpu.memory_space<vmem>>, vector<16xi32>,
      %swap3A_463 = arith.constant 48 : index
      %swap3A_464 = tpu.vector_load %arg10[%swap3A_463] {strides = array<i32>} : memref<64xi32, #tpu.memory_space<vmem>>, vector<16xi32>,
      tpu.vector_store %arg10[%swap3A_463], %get3A_462 {strides = array<i32>} : memref<64xi32, #tpu.memory_space<vmem>>, vector<16xi32>,
      %get3A_465 = arith.constant 1 : i32
      %get3A_466 = arith.index_cast %get3A_465 : i32 to index
      %get3A_467 = arith.constant 48 : index
      %get3A_468 = tpu.vector_load %arg8[%get3A_466, %get3A_467] {strides = array<i32>} : memref<2x64xi32, #tpu.memory_space<vmem>>, vector<16xi32>,
      %swap3A_469 = arith.constant 48 : index
      %swap3A_470 = tpu.vector_load %arg11[%swap3A_469] {strides = array<i32>} : memref<64xi32, #tpu.memory_space<vmem>>, vector<16xi32>,
      tpu.vector_store %arg11[%swap3A_469], %get3A_468 {strides = array<i32>} : memref<64xi32, #tpu.memory_space<vmem>>, vector<16xi32>,
      %dma_start3A_471 = arith.constant 0 : i32
      %dma_start3A_472 = arith.constant 0 : i32
      %dma_start3A_473 = tpu.memref_slice %arg2[%dma_start3A_471, %dma_start3A_472] : memref<10016x128xf32, #tpu.memory_space<hbm>> -> memref<10016x128xf32, #tpu.memory_space<hbm>>
      tpu.enqueue_indirect_dma source(%dma_start3A_473 : memref<10016x128xf32, #tpu.memory_space<hbm>>) target(%arg19 : memref<64x128xf32, #tpu.memory_space<vmem>>) offsets(%arg10 : memref<64xi32, #tpu.memory_space<vmem>>) semaphore(%arg22 : memref<!tpu.dma_semaphore, #tpu.memory_space<semaphore_mem>>)
      %get3A_474 = arith.constant 0 : index
      %get3A_475 = tpu.vector_load %arg10[%get3A_474] {strides = array<i32>} : memref<64xi32, #tpu.memory_space<vmem>>, vector<16xi32>,
      %get3A_476 = arith.constant 0 : index
      %get3A_477 = tpu.vector_load %arg11[%get3A_476] {strides = array<i32>} : memref<64xi32, #tpu.memory_space<vmem>>, vector<16xi32>,
      %gather3A_478 = tpu.vector_load_idx %arg16[%get3A_475] : memref<10016xf32, #tpu.memory_space<vmem>>[vector<16xi32>], vector<16xf32>,
      %gather3A_479 = tpu.vector_load_idx %arg17[%get3A_477] : memref<10016xf32, #tpu.memory_space<vmem>>[vector<16xi32>], vector<16xf32>,
      %add3A_480 = arith.addf %gather3A_478, %gather3A_479 : vector<16xf32>
      %gt3A_481 = arith.constant 0.000000e+00 : f32
      %gt3A_482 = vector.broadcast %gt3A_481 : f32 to vector<16xf32>
      %gt3A_483 = arith.cmpf ogt, %add3A_480, %gt3A_482 : vector<16xf32>
      %mul3A_484 = arith.constant 2.000000e-01 : f32
      %mul3A_485 = vector.broadcast %mul3A_484 : f32 to vector<16xf32>
      %mul3A_486 = arith.mulf %mul3A_485, %add3A_480 : vector<16xf32>
      %select_n3A_487 = arith.select %gt3A_483, %add3A_480, %mul3A_486 : vector<16xi1>, vector<16xf32>
      %exp3A_488 = math.exp %select_n3A_487 : vector<16xf32>
      %swap3A_489 = arith.constant 0 : index
      %swap3A_490 = tpu.vector_load %arg14[%swap3A_489] {strides = array<i32>} : memref<64xf32, #tpu.memory_space<vmem>>, vector<16xf32>,
      tpu.vector_store %arg14[%swap3A_489], %exp3A_488 {strides = array<i32>} : memref<64xf32, #tpu.memory_space<vmem>>, vector<16xf32>,
      tpu.vector_store_idx %arg18[%get3A_477], %exp3A_488 {add = true} : memref<10016xf32, #tpu.memory_space<vmem>>[vector<16xi32>], vector<16xf32>,
      %get3A_491 = arith.constant 16 : index
      %get3A_492 = tpu.vector_load %arg10[%get3A_491] {strides = array<i32>} : memref<64xi32, #tpu.memory_space<vmem>>, vector<16xi32>,
      %get3A_493 = arith.constant 16 : index
      %get3A_494 = tpu.vector_load %arg11[%get3A_493] {strides = array<i32>} : memref<64xi32, #tpu.memory_space<vmem>>, vector<16xi32>,
      %gather3A_495 = tpu.vector_load_idx %arg16[%get3A_492] : memref<10016xf32, #tpu.memory_space<vmem>>[vector<16xi32>], vector<16xf32>,
      %gather3A_496 = tpu.vector_load_idx %arg17[%get3A_494] : memref<10016xf32, #tpu.memory_space<vmem>>[vector<16xi32>], vector<16xf32>,
      %add3A_497 = arith.addf %gather3A_495, %gather3A_496 : vector<16xf32>
      %gt3A_498 = arith.constant 0.000000e+00 : f32
      %gt3A_499 = vector.broadcast %gt3A_498 : f32 to vector<16xf32>
      %gt3A_500 = arith.cmpf ogt, %add3A_497, %gt3A_499 : vector<16xf32>
      %mul3A_501 = arith.constant 2.000000e-01 : f32
      %mul3A_502 = vector.broadcast %mul3A_501 : f32 to vector<16xf32>
      %mul3A_503 = arith.mulf %mul3A_502, %add3A_497 : vector<16xf32>
      %select_n3A_504 = arith.select %gt3A_500, %add3A_497, %mul3A_503 : vector<16xi1>, vector<16xf32>
      %exp3A_505 = math.exp %select_n3A_504 : vector<16xf32>
      %swap3A_506 = arith.constant 16 : index
      %swap3A_507 = tpu.vector_load %arg14[%swap3A_506] {strides = array<i32>} : memref<64xf32, #tpu.memory_space<vmem>>, vector<16xf32>,
      tpu.vector_store %arg14[%swap3A_506], %exp3A_505 {strides = array<i32>} : memref<64xf32, #tpu.memory_space<vmem>>, vector<16xf32>,
      tpu.vector_store_idx %arg18[%get3A_494], %exp3A_505 {add = true} : memref<10016xf32, #tpu.memory_space<vmem>>[vector<16xi32>], vector<16xf32>,
      %get3A_508 = arith.constant 32 : index
      %get3A_509 = tpu.vector_load %arg10[%get3A_508] {strides = array<i32>} : memref<64xi32, #tpu.memory_space<vmem>>, vector<16xi32>,
      %get3A_510 = arith.constant 32 : index
      %get3A_511 = tpu.vector_load %arg11[%get3A_510] {strides = array<i32>} : memref<64xi32, #tpu.memory_space<vmem>>, vector<16xi32>,
      %gather3A_512 = tpu.vector_load_idx %arg16[%get3A_509] : memref<10016xf32, #tpu.memory_space<vmem>>[vector<16xi32>], vector<16xf32>,
      %gather3A_513 = tpu.vector_load_idx %arg17[%get3A_511] : memref<10016xf32, #tpu.memory_space<vmem>>[vector<16xi32>], vector<16xf32>,
      %add3A_514 = arith.addf %gather3A_512, %gather3A_513 : vector<16xf32>
      %gt3A_515 = arith.constant 0.000000e+00 : f32
      %gt3A_516 = vector.broadcast %gt3A_515 : f32 to vector<16xf32>
      %gt3A_517 = arith.cmpf ogt, %add3A_514, %gt3A_516 : vector<16xf32>
      %mul3A_518 = arith.constant 2.000000e-01 : f32
      %mul3A_519 = vector.broadcast %mul3A_518 : f32 to vector<16xf32>
      %mul3A_520 = arith.mulf %mul3A_519, %add3A_514 : vector<16xf32>
      %select_n3A_521 = arith.select %gt3A_517, %add3A_514, %mul3A_520 : vector<16xi1>, vector<16xf32>
      %exp3A_522 = math.exp %select_n3A_521 : vector<16xf32>
      %swap3A_523 = arith.constant 32 : index
      %swap3A_524 = tpu.vector_load %arg14[%swap3A_523] {strides = array<i32>} : memref<64xf32, #tpu.memory_space<vmem>>, vector<16xf32>,
      tpu.vector_store %arg14[%swap3A_523], %exp3A_522 {strides = array<i32>} : memref<64xf32, #tpu.memory_space<vmem>>, vector<16xf32>,
      tpu.vector_store_idx %arg18[%get3A_511], %exp3A_522 {add = true} : memref<10016xf32, #tpu.memory_space<vmem>>[vector<16xi32>], vector<16xf32>,
      %get3A_525 = arith.constant 48 : index
      %get3A_526 = tpu.vector_load %arg10[%get3A_525] {strides = array<i32>} : memref<64xi32, #tpu.memory_space<vmem>>, vector<16xi32>,
      %get3A_527 = arith.constant 48 : index
      %get3A_528 = tpu.vector_load %arg11[%get3A_527] {strides = array<i32>} : memref<64xi32, #tpu.memory_space<vmem>>, vector<16xi32>,
      %gather3A_529 = tpu.vector_load_idx %arg16[%get3A_526] : memref<10016xf32, #tpu.memory_space<vmem>>[vector<16xi32>], vector<16xf32>,
      %gather3A_530 = tpu.vector_load_idx %arg17[%get3A_528] : memref<10016xf32, #tpu.memory_space<vmem>>[vector<16xi32>], vector<16xf32>,
      %add3A_531 = arith.addf %gather3A_529, %gather3A_530 : vector<16xf32>
      %gt3A_532 = arith.constant 0.000000e+00 : f32
      %gt3A_533 = vector.broadcast %gt3A_532 : f32 to vector<16xf32>
      %gt3A_534 = arith.cmpf ogt, %add3A_531, %gt3A_533 : vector<16xf32>
      %mul3A_535 = arith.constant 2.000000e-01 : f32
      %mul3A_536 = vector.broadcast %mul3A_535 : f32 to vector<16xf32>
      %mul3A_537 = arith.mulf %mul3A_536, %add3A_531 : vector<16xf32>
      %select_n3A_538 = arith.select %gt3A_534, %add3A_531, %mul3A_537 : vector<16xi1>, vector<16xf32>
      %exp3A_539 = math.exp %select_n3A_538 : vector<16xf32>
      %swap3A_540 = arith.constant 48 : index
      %swap3A_541 = tpu.vector_load %arg14[%swap3A_540] {strides = array<i32>} : memref<64xf32, #tpu.memory_space<vmem>>, vector<16xf32>,
      tpu.vector_store %arg14[%swap3A_540], %exp3A_539 {strides = array<i32>} : memref<64xf32, #tpu.memory_space<vmem>>, vector<16xf32>,
      tpu.vector_store_idx %arg18[%get3A_528], %exp3A_539 {add = true} : memref<10016xf32, #tpu.memory_space<vmem>>[vector<16xi32>], vector<16xf32>,
      %dma_wait3A_542 = arith.constant 0 : i32
      %dma_wait3A_543 = arith.constant 0 : i32
      %dma_wait3A_544 = tpu.memref_slice %arg2[%dma_wait3A_542, %dma_wait3A_543] : memref<10016x128xf32, #tpu.memory_space<hbm>> -> memref<64x128xf32, #tpu.memory_space<hbm>>
      %dma_wait3A_545 = arith.constant 0 : i32
      %dma_wait3A_546 = arith.constant 0 : i32
      %dma_wait3A_547 = tpu.memref_slice %arg2[%dma_wait3A_545, %dma_wait3A_546] : memref<10016x128xf32, #tpu.memory_space<hbm>> -> memref<64x128xf32, #tpu.memory_space<hbm>>
      tpu.wait_dma2 semaphore(%arg25 : memref<!tpu.dma_semaphore, #tpu.memory_space<semaphore_mem>>) src(%dma_wait3A_547 : memref<64x128xf32, #tpu.memory_space<hbm>>) dst(%arg19 : memref<64x128xf32, #tpu.memory_space<vmem>>)
      %add3A_548 = arith.constant 1 : i32
      %add3A_549 = arith.addi %mul3A_404, %add3A_548 : i32
      "tpu.region"() ({
        %run_scoped3A_681 = tpu.sem_alloc : memref<!tpu.dma_semaphore, #tpu.memory_space<semaphore_mem>>
        %dma_start3A_682 = arith.constant 0 : i32
        %dma_start3A_683 = arith.constant 0 : i32
        %dma_start3A_684 = tpu.memref_slice %arg3[%add3A, %add3A_549, %dma_start3A_682, %dma_start3A_683] : memref<32x158x2x64xi32, #tpu.memory_space<hbm>> -> memref<1x1x2x64xi32, #tpu.memory_space<hbm>>
        %dma_start3A_685 = tpu.memref_squeeze %dma_start3A_684 : memref<1x1x2x64xi32, #tpu.memory_space<hbm>> -> memref<2x64xi32, #tpu.memory_space<hbm>>
        %dma_start3A_686 = arith.constant 0 : i32
        %dma_start3A_687 = arith.constant 0 : i32
        %dma_start3A_688 = tpu.memref_slice %arg3[%add3A, %add3A_549, %dma_start3A_686, %dma_start3A_687] : memref<32x158x2x64xi32, #tpu.memory_space<hbm>> -> memref<1x1x2x64xi32, #tpu.memory_space<hbm>>
        %dma_start3A_689 = tpu.memref_squeeze %dma_start3A_688 : memref<1x1x2x64xi32, #tpu.memory_space<hbm>> -> memref<2x64xi32, #tpu.memory_space<hbm>>
        tpu.enqueue_dma source(%dma_start3A_689 : memref<2x64xi32, #tpu.memory_space<hbm>>) target(%arg9 : memref<2x64xi32, #tpu.memory_space<vmem>>) target_semaphore(%run_scoped3A_681 : memref<!tpu.dma_semaphore, #tpu.memory_space<semaphore_mem>>)
        %dma_wait3A_690 = arith.constant 0 : i32
        %dma_wait3A_691 = arith.constant 0 : i32
        %dma_wait3A_692 = tpu.memref_slice %arg3[%add3A, %add3A_549, %dma_wait3A_690, %dma_wait3A_691] : memref<32x158x2x64xi32, #tpu.memory_space<hbm>> -> memref<1x1x2x64xi32, #tpu.memory_space<hbm>>
        %dma_wait3A_693 = tpu.memref_squeeze %dma_wait3A_692 : memref<1x1x2x64xi32, #tpu.memory_space<hbm>> -> memref<2x64xi32, #tpu.memory_space<hbm>>
        %dma_wait3A_694 = arith.constant 0 : i32
        %dma_wait3A_695 = arith.constant 0 : i32
        %dma_wait3A_696 = tpu.memref_slice %arg3[%add3A, %add3A_549, %dma_wait3A_694, %dma_wait3A_695] : memref<32x158x2x64xi32, #tpu.memory_space<hbm>> -> memref<1x1x2x64xi32, #tpu.memory_space<hbm>>
        %dma_wait3A_697 = tpu.memref_squeeze %dma_wait3A_696 : memref<1x1x2x64xi32, #tpu.memory_space<hbm>> -> memref<2x64xi32, #tpu.memory_space<hbm>>
        tpu.wait_dma2 semaphore(%run_scoped3A_681 : memref<!tpu.dma_semaphore, #tpu.memory_space<semaphore_mem>>) src(%dma_wait3A_697 : memref<2x64xi32, #tpu.memory_space<hbm>>) dst(%arg9 : memref<2x64xi32, #tpu.memory_space<vmem>>)
        tpu.yield
      }) : () -> ()
      %get3A_550 = arith.constant 0 : i32
      %get3A_551 = arith.index_cast %get3A_550 : i32 to index
      %get3A_552 = arith.constant 0 : index
      %get3A_553 = tpu.vector_load %arg9[%get3A_551, %get3A_552] {strides = array<i32>} : memref<2x64xi32, #tpu.memory_space<vmem>>, vector<16xi32>,
      %swap3A_554 = arith.constant 0 : index
      %swap3A_555 = tpu.vector_load %arg12[%swap3A_554] {strides = array<i32>} : memref<64xi32, #tpu.memory_space<vmem>>, vector<16xi32>,
      tpu.vector_store %arg12[%swap3A_554], %get3A_553 {strides = array<i32>} : memref<64xi32, #tpu.memory_space<vmem>>, vector<16xi32>,
      %get3A_556 = arith.constant 1 : i32
      %get3A_557 = arith.index_cast %get3A_556 : i32 to index
      %get3A_558 = arith.constant 0 : index
      %get3A_559 = tpu.vector_load %arg9[%get3A_557, %get3A_558] {strides = array<i32>} : memref<2x64xi32, #tpu.memory_space<vmem>>, vector<16xi32>,
      %swap3A_560 = arith.constant 0 : index
      %swap3A_561 = tpu.vector_load %arg13[%swap3A_560] {strides = array<i32>} : memref<64xi32, #tpu.memory_space<vmem>>, vector<16xi32>,
      tpu.vector_store %arg13[%swap3A_560], %get3A_559 {strides = array<i32>} : memref<64xi32, #tpu.memory_space<vmem>>, vector<16xi32>,
      %get3A_562 = arith.constant 0 : i32
      %get3A_563 = arith.index_cast %get3A_562 : i32 to index
      %get3A_564 = arith.constant 16 : index
      %get3A_565 = tpu.vector_load %arg9[%get3A_563, %get3A_564] {strides = array<i32>} : memref<2x64xi32, #tpu.memory_space<vmem>>, vector<16xi32>,
      %swap3A_566 = arith.constant 16 : index
      %swap3A_567 = tpu.vector_load %arg12[%swap3A_566] {strides = array<i32>} : memref<64xi32, #tpu.memory_space<vmem>>, vector<16xi32>,
      tpu.vector_store %arg12[%swap3A_566], %get3A_565 {strides = array<i32>} : memref<64xi32, #tpu.memory_space<vmem>>, vector<16xi32>,
      %get3A_568 = arith.constant 1 : i32
      %get3A_569 = arith.index_cast %get3A_568 : i32 to index
      %get3A_570 = arith.constant 16 : index
      %get3A_571 = tpu.vector_load %arg9[%get3A_569, %get3A_570] {strides = array<i32>} : memref<2x64xi32, #tpu.memory_space<vmem>>, vector<16xi32>,
      %swap3A_572 = arith.constant 16 : index
      %swap3A_573 = tpu.vector_load %arg13[%swap3A_572] {strides = array<i32>} : memref<64xi32, #tpu.memory_space<vmem>>, vector<16xi32>,
      tpu.vector_store %arg13[%swap3A_572], %get3A_571 {strides = array<i32>} : memref<64xi32, #tpu.memory_space<vmem>>, vector<16xi32>,
      %get3A_574 = arith.constant 0 : i32
      %get3A_575 = arith.index_cast %get3A_574 : i32 to index
      %get3A_576 = arith.constant 32 : index
      %get3A_577 = tpu.vector_load %arg9[%get3A_575, %get3A_576] {strides = array<i32>} : memref<2x64xi32, #tpu.memory_space<vmem>>, vector<16xi32>,
      %swap3A_578 = arith.constant 32 : index
      %swap3A_579 = tpu.vector_load %arg12[%swap3A_578] {strides = array<i32>} : memref<64xi32, #tpu.memory_space<vmem>>, vector<16xi32>,
      tpu.vector_store %arg12[%swap3A_578], %get3A_577 {strides = array<i32>} : memref<64xi32, #tpu.memory_space<vmem>>, vector<16xi32>,
      %get3A_580 = arith.constant 1 : i32
      %get3A_581 = arith.index_cast %get3A_580 : i32 to index
      %get3A_582 = arith.constant 32 : index
      %get3A_583 = tpu.vector_load %arg9[%get3A_581, %get3A_582] {strides = array<i32>} : memref<2x64xi32, #tpu.memory_space<vmem>>, vector<16xi32>,
      %swap3A_584 = arith.constant 32 : index
      %swap3A_585 = tpu.vector_load %arg13[%swap3A_584] {strides = array<i32>} : memref<64xi32, #tpu.memory_space<vmem>>, vector<16xi32>,
      tpu.vector_store %arg13[%swap3A_584], %get3A_583 {strides = array<i32>} : memref<64xi32, #tpu.memory_space<vmem>>, vector<16xi32>,
      %get3A_586 = arith.constant 0 : i32
      %get3A_587 = arith.index_cast %get3A_586 : i32 to index
      %get3A_588 = arith.constant 48 : index
      %get3A_589 = tpu.vector_load %arg9[%get3A_587, %get3A_588] {strides = array<i32>} : memref<2x64xi32, #tpu.memory_space<vmem>>, vector<16xi32>,
      %swap3A_590 = arith.constant 48 : index
      %swap3A_591 = tpu.vector_load %arg12[%swap3A_590] {strides = array<i32>} : memref<64xi32, #tpu.memory_space<vmem>>, vector<16xi32>,
      tpu.vector_store %arg12[%swap3A_590], %get3A_589 {strides = array<i32>} : memref<64xi32, #tpu.memory_space<vmem>>, vector<16xi32>,
      %get3A_592 = arith.constant 1 : i32
      %get3A_593 = arith.index_cast %get3A_592 : i32 to index
      %get3A_594 = arith.constant 48 : index
      %get3A_595 = tpu.vector_load %arg9[%get3A_593, %get3A_594] {strides = array<i32>} : memref<2x64xi32, #tpu.memory_space<vmem>>, vector<16xi32>,
      %swap3A_596 = arith.constant 48 : index
      %swap3A_597 = tpu.vector_load %arg13[%swap3A_596] {strides = array<i32>} : memref<64xi32, #tpu.memory_space<vmem>>, vector<16xi32>,
      tpu.vector_store %arg13[%swap3A_596], %get3A_595 {strides = array<i32>} : memref<64xi32, #tpu.memory_space<vmem>>, vector<16xi32>,
      %dma_start3A_598 = arith.constant 0 : i32
      %dma_start3A_599 = arith.constant 0 : i32
      %dma_start3A_600 = tpu.memref_slice %arg2[%dma_start3A_598, %dma_start3A_599] : memref<10016x128xf32, #tpu.memory_space<hbm>> -> memref<10016x128xf32, #tpu.memory_space<hbm>>
      tpu.enqueue_indirect_dma source(%dma_start3A_600 : memref<10016x128xf32, #tpu.memory_space<hbm>>) target(%arg20 : memref<64x128xf32, #tpu.memory_space<vmem>>) offsets(%arg12 : memref<64xi32, #tpu.memory_space<vmem>>) semaphore(%arg23 : memref<!tpu.dma_semaphore, #tpu.memory_space<semaphore_mem>>)
      %dma_wait3A_601 = arith.constant 0 : i32
      %dma_wait3A_602 = arith.constant 0 : i32
      %dma_wait3A_603 = tpu.memref_slice %arg2[%dma_wait3A_601, %dma_wait3A_602] : memref<10016x128xf32, #tpu.memory_space<hbm>> -> memref<10016x128xf32, #tpu.memory_space<hbm>>
      tpu.wait_indirect_dma semaphore(%arg22 : memref<!tpu.dma_semaphore, #tpu.memory_space<semaphore_mem>>) src(%dma_wait3A_603 : memref<10016x128xf32, #tpu.memory_space<hbm>>) dst(%arg19 : memref<64x128xf32, #tpu.memory_space<vmem>>)
      %scan3A_604 = arith.constant 0 : i32
      %scan3A_605 = arith.constant 0 : i32
      %scan3A_606 = arith.constant 64 : i32
      %scan3A_607 = arith.addi %scan3A_605, %scan3A_606 : i32
      %scan3A_608 = arith.constant 4 : i32
      scf.for %scan3A_681 = %scan3A_605 to %scan3A_607 step %scan3A_608  : i32 {
        %broadcast_in_dim3A = vector.broadcast %scan3A_681 : i32 to vector<16xi32>
        %gather3A_682 = tpu.vector_load_idx %arg14[%broadcast_in_dim3A] : memref<64xf32, #tpu.memory_space<vmem>>[vector<16xi32>], vector<16xf32>,
        %get3A_683 = arith.index_cast %scan3A_681 : i32 to index
        %get3A_684 = arith.constant 0 : index
        %get3A_685 = tpu.vector_load %arg19[%get3A_683, %get3A_684] {strides = array<i32>} : memref<64x128xf32, #tpu.memory_space<vmem>>, vector<16xf32>,
        %mul3A_686 = arith.mulf %get3A_685, %gather3A_682 : vector<16xf32>
        %swap3A_687 = arith.index_cast %scan3A_681 : i32 to index
        %swap3A_688 = arith.constant 0 : index
        %swap3A_689 = tpu.vector_load %arg19[%swap3A_687, %swap3A_688] {strides = array<i32>} : memref<64x128xf32, #tpu.memory_space<vmem>>, vector<16xf32>,
        tpu.vector_store %arg19[%swap3A_687, %swap3A_688], %mul3A_686 {strides = array<i32>} : memref<64x128xf32, #tpu.memory_space<vmem>>, vector<16xf32>,
        %get3A_690 = arith.index_cast %scan3A_681 : i32 to index
        %get3A_691 = arith.constant 16 : index
        %get3A_692 = tpu.vector_load %arg19[%get3A_690, %get3A_691] {strides = array<i32>} : memref<64x128xf32, #tpu.memory_space<vmem>>, vector<16xf32>,
        %mul3A_693 = arith.mulf %get3A_692, %gather3A_682 : vector<16xf32>
        %swap3A_694 = arith.index_cast %scan3A_681 : i32 to index
        %swap3A_695 = arith.constant 16 : index
        %swap3A_696 = tpu.vector_load %arg19[%swap3A_694, %swap3A_695] {strides = array<i32>} : memref<64x128xf32, #tpu.memory_space<vmem>>, vector<16xf32>,
        tpu.vector_store %arg19[%swap3A_694, %swap3A_695], %mul3A_693 {strides = array<i32>} : memref<64x128xf32, #tpu.memory_space<vmem>>, vector<16xf32>,
        %get3A_697 = arith.index_cast %scan3A_681 : i32 to index
        %get3A_698 = arith.constant 32 : index
        %get3A_699 = tpu.vector_load %arg19[%get3A_697, %get3A_698] {strides = array<i32>} : memref<64x128xf32, #tpu.memory_space<vmem>>, vector<16xf32>,
        %mul3A_700 = arith.mulf %get3A_699, %gather3A_682 : vector<16xf32>
        %swap3A_701 = arith.index_cast %scan3A_681 : i32 to index
        %swap3A_702 = arith.constant 32 : index
        %swap3A_703 = tpu.vector_load %arg19[%swap3A_701, %swap3A_702] {strides = array<i32>} : memref<64x128xf32, #tpu.memory_space<vmem>>, vector<16xf32>,
        tpu.vector_store %arg19[%swap3A_701, %swap3A_702], %mul3A_700 {strides = array<i32>} : memref<64x128xf32, #tpu.memory_space<vmem>>, vector<16xf32>,
        %get3A_704 = arith.index_cast %scan3A_681 : i32 to index
        %get3A_705 = arith.constant 48 : index
        %get3A_706 = tpu.vector_load %arg19[%get3A_704, %get3A_705] {strides = array<i32>} : memref<64x128xf32, #tpu.memory_space<vmem>>, vector<16xf32>,
        %mul3A_707 = arith.mulf %get3A_706, %gather3A_682 : vector<16xf32>
        %swap3A_708 = arith.index_cast %scan3A_681 : i32 to index
        %swap3A_709 = arith.constant 48 : index
        %swap3A_710 = tpu.vector_load %arg19[%swap3A_708, %swap3A_709] {strides = array<i32>} : memref<64x128xf32, #tpu.memory_space<vmem>>, vector<16xf32>,
        tpu.vector_store %arg19[%swap3A_708, %swap3A_709], %mul3A_707 {strides = array<i32>} : memref<64x128xf32, #tpu.memory_space<vmem>>, vector<16xf32>,
        %get3A_711 = arith.index_cast %scan3A_681 : i32 to index
        %get3A_712 = arith.constant 64 : index
        %get3A_713 = tpu.vector_load %arg19[%get3A_711, %get3A_712] {strides = array<i32>} : memref<64x128xf32, #tpu.memory_space<vmem>>, vector<16xf32>,
        %mul3A_714 = arith.mulf %get3A_713, %gather3A_682 : vector<16xf32>
        %swap3A_715 = arith.index_cast %scan3A_681 : i32 to index
        %swap3A_716 = arith.constant 64 : index
        %swap3A_717 = tpu.vector_load %arg19[%swap3A_715, %swap3A_716] {strides = array<i32>} : memref<64x128xf32, #tpu.memory_space<vmem>>, vector<16xf32>,
        tpu.vector_store %arg19[%swap3A_715, %swap3A_716], %mul3A_714 {strides = array<i32>} : memref<64x128xf32, #tpu.memory_space<vmem>>, vector<16xf32>,
        %get3A_718 = arith.index_cast %scan3A_681 : i32 to index
        %get3A_719 = arith.constant 80 : index
        %get3A_720 = tpu.vector_load %arg19[%get3A_718, %get3A_719] {strides = array<i32>} : memref<64x128xf32, #tpu.memory_space<vmem>>, vector<16xf32>,
        %mul3A_721 = arith.mulf %get3A_720, %gather3A_682 : vector<16xf32>
        %swap3A_722 = arith.index_cast %scan3A_681 : i32 to index
        %swap3A_723 = arith.constant 80 : index
        %swap3A_724 = tpu.vector_load %arg19[%swap3A_722, %swap3A_723] {strides = array<i32>} : memref<64x128xf32, #tpu.memory_space<vmem>>, vector<16xf32>,
        tpu.vector_store %arg19[%swap3A_722, %swap3A_723], %mul3A_721 {strides = array<i32>} : memref<64x128xf32, #tpu.memory_space<vmem>>, vector<16xf32>,
        %get3A_725 = arith.index_cast %scan3A_681 : i32 to index
        %get3A_726 = arith.constant 96 : index
        %get3A_727 = tpu.vector_load %arg19[%get3A_725, %get3A_726] {strides = array<i32>} : memref<64x128xf32, #tpu.memory_space<vmem>>, vector<16xf32>,
        %mul3A_728 = arith.mulf %get3A_727, %gather3A_682 : vector<16xf32>
        %swap3A_729 = arith.index_cast %scan3A_681 : i32 to index
        %swap3A_730 = arith.constant 96 : index
        %swap3A_731 = tpu.vector_load %arg19[%swap3A_729, %swap3A_730] {strides = array<i32>} : memref<64x128xf32, #tpu.memory_space<vmem>>, vector<16xf32>,
        tpu.vector_store %arg19[%swap3A_729, %swap3A_730], %mul3A_728 {strides = array<i32>} : memref<64x128xf32, #tpu.memory_space<vmem>>, vector<16xf32>,
        %get3A_732 = arith.index_cast %scan3A_681 : i32 to index
        %get3A_733 = arith.constant 112 : index
        %get3A_734 = tpu.vector_load %arg19[%get3A_732, %get3A_733] {strides = array<i32>} : memref<64x128xf32, #tpu.memory_space<vmem>>, vector<16xf32>,
        %mul3A_735 = arith.mulf %get3A_734, %gather3A_682 : vector<16xf32>
        %swap3A_736 = arith.index_cast %scan3A_681 : i32 to index
        %swap3A_737 = arith.constant 112 : index
        %swap3A_738 = tpu.vector_load %arg19[%swap3A_736, %swap3A_737] {strides = array<i32>} : memref<64x128xf32, #tpu.memory_space<vmem>>, vector<16xf32>,
        tpu.vector_store %arg19[%swap3A_736, %swap3A_737], %mul3A_735 {strides = array<i32>} : memref<64x128xf32, #tpu.memory_space<vmem>>, vector<16xf32>,
        %scan3A_739 = arith.constant 1 : i32
        %scan3A_740 = arith.addi %scan3A_681, %scan3A_739 : i32
        %broadcast_in_dim3A_741 = vector.broadcast %scan3A_740 : i32 to vector<16xi32>
        %gather3A_742 = tpu.vector_load_idx %arg14[%broadcast_in_dim3A_741] : memref<64xf32, #tpu.memory_space<vmem>>[vector<16xi32>], vector<16xf32>,
        %get3A_743 = arith.index_cast %scan3A_740 : i32 to index
        %get3A_744 = arith.constant 0 : index
        %get3A_745 = tpu.vector_load %arg19[%get3A_743, %get3A_744] {strides = array<i32>} : memref<64x128xf32, #tpu.memory_space<vmem>>, vector<16xf32>,
        %mul3A_746 = arith.mulf %get3A_745, %gather3A_742 : vector<16xf32>
        %swap3A_747 = arith.index_cast %scan3A_740 : i32 to index
        %swap3A_748 = arith.constant 0 : index
        %swap3A_749 = tpu.vector_load %arg19[%swap3A_747, %swap3A_748] {strides = array<i32>} : memref<64x128xf32, #tpu.memory_space<vmem>>, vector<16xf32>,
        tpu.vector_store %arg19[%swap3A_747, %swap3A_748], %mul3A_746 {strides = array<i32>} : memref<64x128xf32, #tpu.memory_space<vmem>>, vector<16xf32>,
        %get3A_750 = arith.index_cast %scan3A_740 : i32 to index
        %get3A_751 = arith.constant 16 : index
        %get3A_752 = tpu.vector_load %arg19[%get3A_750, %get3A_751] {strides = array<i32>} : memref<64x128xf32, #tpu.memory_space<vmem>>, vector<16xf32>,
        %mul3A_753 = arith.mulf %get3A_752, %gather3A_742 : vector<16xf32>
        %swap3A_754 = arith.index_cast %scan3A_740 : i32 to index
        %swap3A_755 = arith.constant 16 : index
        %swap3A_756 = tpu.vector_load %arg19[%swap3A_754, %swap3A_755] {strides = array<i32>} : memref<64x128xf32, #tpu.memory_space<vmem>>, vector<16xf32>,
        tpu.vector_store %arg19[%swap3A_754, %swap3A_755], %mul3A_753 {strides = array<i32>} : memref<64x128xf32, #tpu.memory_space<vmem>>, vector<16xf32>,
        %get3A_757 = arith.index_cast %scan3A_740 : i32 to index
        %get3A_758 = arith.constant 32 : index
        %get3A_759 = tpu.vector_load %arg19[%get3A_757, %get3A_758] {strides = array<i32>} : memref<64x128xf32, #tpu.memory_space<vmem>>, vector<16xf32>,
        %mul3A_760 = arith.mulf %get3A_759, %gather3A_742 : vector<16xf32>
        %swap3A_761 = arith.index_cast %scan3A_740 : i32 to index
        %swap3A_762 = arith.constant 32 : index
        %swap3A_763 = tpu.vector_load %arg19[%swap3A_761, %swap3A_762] {strides = array<i32>} : memref<64x128xf32, #tpu.memory_space<vmem>>, vector<16xf32>,
        tpu.vector_store %arg19[%swap3A_761, %swap3A_762], %mul3A_760 {strides = array<i32>} : memref<64x128xf32, #tpu.memory_space<vmem>>, vector<16xf32>,
        %get3A_764 = arith.index_cast %scan3A_740 : i32 to index
        %get3A_765 = arith.constant 48 : index
        %get3A_766 = tpu.vector_load %arg19[%get3A_764, %get3A_765] {strides = array<i32>} : memref<64x128xf32, #tpu.memory_space<vmem>>, vector<16xf32>,
        %mul3A_767 = arith.mulf %get3A_766, %gather3A_742 : vector<16xf32>
        %swap3A_768 = arith.index_cast %scan3A_740 : i32 to index
        %swap3A_769 = arith.constant 48 : index
        %swap3A_770 = tpu.vector_load %arg19[%swap3A_768, %swap3A_769] {strides = array<i32>} : memref<64x128xf32, #tpu.memory_space<vmem>>, vector<16xf32>,
        tpu.vector_store %arg19[%swap3A_768, %swap3A_769], %mul3A_767 {strides = array<i32>} : memref<64x128xf32, #tpu.memory_space<vmem>>, vector<16xf32>,
        %get3A_771 = arith.index_cast %scan3A_740 : i32 to index
        %get3A_772 = arith.constant 64 : index
        %get3A_773 = tpu.vector_load %arg19[%get3A_771, %get3A_772] {strides = array<i32>} : memref<64x128xf32, #tpu.memory_space<vmem>>, vector<16xf32>,
        %mul3A_774 = arith.mulf %get3A_773, %gather3A_742 : vector<16xf32>
        %swap3A_775 = arith.index_cast %scan3A_740 : i32 to index
        %swap3A_776 = arith.constant 64 : index
        %swap3A_777 = tpu.vector_load %arg19[%swap3A_775, %swap3A_776] {strides = array<i32>} : memref<64x128xf32, #tpu.memory_space<vmem>>, vector<16xf32>,
        tpu.vector_store %arg19[%swap3A_775, %swap3A_776], %mul3A_774 {strides = array<i32>} : memref<64x128xf32, #tpu.memory_space<vmem>>, vector<16xf32>,
        %get3A_778 = arith.index_cast %scan3A_740 : i32 to index
        %get3A_779 = arith.constant 80 : index
        %get3A_780 = tpu.vector_load %arg19[%get3A_778, %get3A_779] {strides = array<i32>} : memref<64x128xf32, #tpu.memory_space<vmem>>, vector<16xf32>,
        %mul3A_781 = arith.mulf %get3A_780, %gather3A_742 : vector<16xf32>
        %swap3A_782 = arith.index_cast %scan3A_740 : i32 to index
        %swap3A_783 = arith.constant 80 : index
        %swap3A_784 = tpu.vector_load %arg19[%swap3A_782, %swap3A_783] {strides = array<i32>} : memref<64x128xf32, #tpu.memory_space<vmem>>, vector<16xf32>,
        tpu.vector_store %arg19[%swap3A_782, %swap3A_783], %mul3A_781 {strides = array<i32>} : memref<64x128xf32, #tpu.memory_space<vmem>>, vector<16xf32>,
        %get3A_785 = arith.index_cast %scan3A_740 : i32 to index
        %get3A_786 = arith.constant 96 : index
        %get3A_787 = tpu.vector_load %arg19[%get3A_785, %get3A_786] {strides = array<i32>} : memref<64x128xf32, #tpu.memory_space<vmem>>, vector<16xf32>,
        %mul3A_788 = arith.mulf %get3A_787, %gather3A_742 : vector<16xf32>
        %swap3A_789 = arith.index_cast %scan3A_740 : i32 to index
        %swap3A_790 = arith.constant 96 : index
        %swap3A_791 = tpu.vector_load %arg19[%swap3A_789, %swap3A_790] {strides = array<i32>} : memref<64x128xf32, #tpu.memory_space<vmem>>, vector<16xf32>,
        tpu.vector_store %arg19[%swap3A_789, %swap3A_790], %mul3A_788 {strides = array<i32>} : memref<64x128xf32, #tpu.memory_space<vmem>>, vector<16xf32>,
        %get3A_792 = arith.index_cast %scan3A_740 : i32 to index
        %get3A_793 = arith.constant 112 : index
        %get3A_794 = tpu.vector_load %arg19[%get3A_792, %get3A_793] {strides = array<i32>} : memref<64x128xf32, #tpu.memory_space<vmem>>, vector<16xf32>,
        %mul3A_795 = arith.mulf %get3A_794, %gather3A_742 : vector<16xf32>
        %swap3A_796 = arith.index_cast %scan3A_740 : i32 to index
        %swap3A_797 = arith.constant 112 : index
        %swap3A_798 = tpu.vector_load %arg19[%swap3A_796, %swap3A_797] {strides = array<i32>} : memref<64x128xf32, #tpu.memory_space<vmem>>, vector<16xf32>,
        tpu.vector_store %arg19[%swap3A_796, %swap3A_797], %mul3A_795 {strides = array<i32>} : memref<64x128xf32, #tpu.memory_space<vmem>>, vector<16xf32>,
        %scan3A_799 = arith.constant 2 : i32
        %scan3A_800 = arith.addi %scan3A_681, %scan3A_799 : i32
        %broadcast_in_dim3A_801 = vector.broadcast %scan3A_800 : i32 to vector<16xi32>
        %gather3A_802 = tpu.vector_load_idx %arg14[%broadcast_in_dim3A_801] : memref<64xf32, #tpu.memory_space<vmem>>[vector<16xi32>], vector<16xf32>,
        %get3A_803 = arith.index_cast %scan3A_800 : i32 to index
        %get3A_804 = arith.constant 0 : index
        %get3A_805 = tpu.vector_load %arg19[%get3A_803, %get3A_804] {strides = array<i32>} : memref<64x128xf32, #tpu.memory_space<vmem>>, vector<16xf32>,
        %mul3A_806 = arith.mulf %get3A_805, %gather3A_802 : vector<16xf32>
        %swap3A_807 = arith.index_cast %scan3A_800 : i32 to index
        %swap3A_808 = arith.constant 0 : index
        %swap3A_809 = tpu.vector_load %arg19[%swap3A_807, %swap3A_808] {strides = array<i32>} : memref<64x128xf32, #tpu.memory_space<vmem>>, vector<16xf32>,
        tpu.vector_store %arg19[%swap3A_807, %swap3A_808], %mul3A_806 {strides = array<i32>} : memref<64x128xf32, #tpu.memory_space<vmem>>, vector<16xf32>,
        %get3A_810 = arith.index_cast %scan3A_800 : i32 to index
        %get3A_811 = arith.constant 16 : index
        %get3A_812 = tpu.vector_load %arg19[%get3A_810, %get3A_811] {strides = array<i32>} : memref<64x128xf32, #tpu.memory_space<vmem>>, vector<16xf32>,
        %mul3A_813 = arith.mulf %get3A_812, %gather3A_802 : vector<16xf32>
        %swap3A_814 = arith.index_cast %scan3A_800 : i32 to index
        %swap3A_815 = arith.constant 16 : index
        %swap3A_816 = tpu.vector_load %arg19[%swap3A_814, %swap3A_815] {strides = array<i32>} : memref<64x128xf32, #tpu.memory_space<vmem>>, vector<16xf32>,
        tpu.vector_store %arg19[%swap3A_814, %swap3A_815], %mul3A_813 {strides = array<i32>} : memref<64x128xf32, #tpu.memory_space<vmem>>, vector<16xf32>,
        %get3A_817 = arith.index_cast %scan3A_800 : i32 to index
        %get3A_818 = arith.constant 32 : index
        %get3A_819 = tpu.vector_load %arg19[%get3A_817, %get3A_818] {strides = array<i32>} : memref<64x128xf32, #tpu.memory_space<vmem>>, vector<16xf32>,
        %mul3A_820 = arith.mulf %get3A_819, %gather3A_802 : vector<16xf32>
        %swap3A_821 = arith.index_cast %scan3A_800 : i32 to index
        %swap3A_822 = arith.constant 32 : index
        %swap3A_823 = tpu.vector_load %arg19[%swap3A_821, %swap3A_822] {strides = array<i32>} : memref<64x128xf32, #tpu.memory_space<vmem>>, vector<16xf32>,
        tpu.vector_store %arg19[%swap3A_821, %swap3A_822], %mul3A_820 {strides = array<i32>} : memref<64x128xf32, #tpu.memory_space<vmem>>, vector<16xf32>,
        %get3A_824 = arith.index_cast %scan3A_800 : i32 to index
        %get3A_825 = arith.constant 48 : index
        %get3A_826 = tpu.vector_load %arg19[%get3A_824, %get3A_825] {strides = array<i32>} : memref<64x128xf32, #tpu.memory_space<vmem>>, vector<16xf32>,
        %mul3A_827 = arith.mulf %get3A_826, %gather3A_802 : vector<16xf32>
        %swap3A_828 = arith.index_cast %scan3A_800 : i32 to index
        %swap3A_829 = arith.constant 48 : index
        %swap3A_830 = tpu.vector_load %arg19[%swap3A_828, %swap3A_829] {strides = array<i32>} : memref<64x128xf32, #tpu.memory_space<vmem>>, vector<16xf32>,
        tpu.vector_store %arg19[%swap3A_828, %swap3A_829], %mul3A_827 {strides = array<i32>} : memref<64x128xf32, #tpu.memory_space<vmem>>, vector<16xf32>,
        %get3A_831 = arith.index_cast %scan3A_800 : i32 to index
        %get3A_832 = arith.constant 64 : index
        %get3A_833 = tpu.vector_load %arg19[%get3A_831, %get3A_832] {strides = array<i32>} : memref<64x128xf32, #tpu.memory_space<vmem>>, vector<16xf32>,
        %mul3A_834 = arith.mulf %get3A_833, %gather3A_802 : vector<16xf32>
        %swap3A_835 = arith.index_cast %scan3A_800 : i32 to index
        %swap3A_836 = arith.constant 64 : index
        %swap3A_837 = tpu.vector_load %arg19[%swap3A_835, %swap3A_836] {strides = array<i32>} : memref<64x128xf32, #tpu.memory_space<vmem>>, vector<16xf32>,
        tpu.vector_store %arg19[%swap3A_835, %swap3A_836], %mul3A_834 {strides = array<i32>} : memref<64x128xf32, #tpu.memory_space<vmem>>, vector<16xf32>,
        %get3A_838 = arith.index_cast %scan3A_800 : i32 to index
        %get3A_839 = arith.constant 80 : index
        %get3A_840 = tpu.vector_load %arg19[%get3A_838, %get3A_839] {strides = array<i32>} : memref<64x128xf32, #tpu.memory_space<vmem>>, vector<16xf32>,
        %mul3A_841 = arith.mulf %get3A_840, %gather3A_802 : vector<16xf32>
        %swap3A_842 = arith.index_cast %scan3A_800 : i32 to index
        %swap3A_843 = arith.constant 80 : index
        %swap3A_844 = tpu.vector_load %arg19[%swap3A_842, %swap3A_843] {strides = array<i32>} : memref<64x128xf32, #tpu.memory_space<vmem>>, vector<16xf32>,
        tpu.vector_store %arg19[%swap3A_842, %swap3A_843], %mul3A_841 {strides = array<i32>} : memref<64x128xf32, #tpu.memory_space<vmem>>, vector<16xf32>,
        %get3A_845 = arith.index_cast %scan3A_800 : i32 to index
        %get3A_846 = arith.constant 96 : index
        %get3A_847 = tpu.vector_load %arg19[%get3A_845, %get3A_846] {strides = array<i32>} : memref<64x128xf32, #tpu.memory_space<vmem>>, vector<16xf32>,
        %mul3A_848 = arith.mulf %get3A_847, %gather3A_802 : vector<16xf32>
        %swap3A_849 = arith.index_cast %scan3A_800 : i32 to index
        %swap3A_850 = arith.constant 96 : index
        %swap3A_851 = tpu.vector_load %arg19[%swap3A_849, %swap3A_850] {strides = array<i32>} : memref<64x128xf32, #tpu.memory_space<vmem>>, vector<16xf32>,
        tpu.vector_store %arg19[%swap3A_849, %swap3A_850], %mul3A_848 {strides = array<i32>} : memref<64x128xf32, #tpu.memory_space<vmem>>, vector<16xf32>,
        %get3A_852 = arith.index_cast %scan3A_800 : i32 to index
        %get3A_853 = arith.constant 112 : index
        %get3A_854 = tpu.vector_load %arg19[%get3A_852, %get3A_853] {strides = array<i32>} : memref<64x128xf32, #tpu.memory_space<vmem>>, vector<16xf32>,
        %mul3A_855 = arith.mulf %get3A_854, %gather3A_802 : vector<16xf32>
        %swap3A_856 = arith.index_cast %scan3A_800 : i32 to index
        %swap3A_857 = arith.constant 112 : index
        %swap3A_858 = tpu.vector_load %arg19[%swap3A_856, %swap3A_857] {strides = array<i32>} : memref<64x128xf32, #tpu.memory_space<vmem>>, vector<16xf32>,
        tpu.vector_store %arg19[%swap3A_856, %swap3A_857], %mul3A_855 {strides = array<i32>} : memref<64x128xf32, #tpu.memory_space<vmem>>, vector<16xf32>,
        %scan3A_859 = arith.constant 3 : i32
        %scan3A_860 = arith.addi %scan3A_681, %scan3A_859 : i32
        %broadcast_in_dim3A_861 = vector.broadcast %scan3A_860 : i32 to vector<16xi32>
        %gather3A_862 = tpu.vector_load_idx %arg14[%broadcast_in_dim3A_861] : memref<64xf32, #tpu.memory_space<vmem>>[vector<16xi32>], vector<16xf32>,
        %get3A_863 = arith.index_cast %scan3A_860 : i32 to index
        %get3A_864 = arith.constant 0 : index
        %get3A_865 = tpu.vector_load %arg19[%get3A_863, %get3A_864] {strides = array<i32>} : memref<64x128xf32, #tpu.memory_space<vmem>>, vector<16xf32>,
        %mul3A_866 = arith.mulf %get3A_865, %gather3A_862 : vector<16xf32>
        %swap3A_867 = arith.index_cast %scan3A_860 : i32 to index
        %swap3A_868 = arith.constant 0 : index
        %swap3A_869 = tpu.vector_load %arg19[%swap3A_867, %swap3A_868] {strides = array<i32>} : memref<64x128xf32, #tpu.memory_space<vmem>>, vector<16xf32>,
        tpu.vector_store %arg19[%swap3A_867, %swap3A_868], %mul3A_866 {strides = array<i32>} : memref<64x128xf32, #tpu.memory_space<vmem>>, vector<16xf32>,
        %get3A_870 = arith.index_cast %scan3A_860 : i32 to index
        %get3A_871 = arith.constant 16 : index
        %get3A_872 = tpu.vector_load %arg19[%get3A_870, %get3A_871] {strides = array<i32>} : memref<64x128xf32, #tpu.memory_space<vmem>>, vector<16xf32>,
        %mul3A_873 = arith.mulf %get3A_872, %gather3A_862 : vector<16xf32>
        %swap3A_874 = arith.index_cast %scan3A_860 : i32 to index
        %swap3A_875 = arith.constant 16 : index
        %swap3A_876 = tpu.vector_load %arg19[%swap3A_874, %swap3A_875] {strides = array<i32>} : memref<64x128xf32, #tpu.memory_space<vmem>>, vector<16xf32>,
        tpu.vector_store %arg19[%swap3A_874, %swap3A_875], %mul3A_873 {strides = array<i32>} : memref<64x128xf32, #tpu.memory_space<vmem>>, vector<16xf32>,
        %get3A_877 = arith.index_cast %scan3A_860 : i32 to index
        %get3A_878 = arith.constant 32 : index
        %get3A_879 = tpu.vector_load %arg19[%get3A_877, %get3A_878] {strides = array<i32>} : memref<64x128xf32, #tpu.memory_space<vmem>>, vector<16xf32>,
        %mul3A_880 = arith.mulf %get3A_879, %gather3A_862 : vector<16xf32>
        %swap3A_881 = arith.index_cast %scan3A_860 : i32 to index
        %swap3A_882 = arith.constant 32 : index
        %swap3A_883 = tpu.vector_load %arg19[%swap3A_881, %swap3A_882] {strides = array<i32>} : memref<64x128xf32, #tpu.memory_space<vmem>>, vector<16xf32>,
        tpu.vector_store %arg19[%swap3A_881, %swap3A_882], %mul3A_880 {strides = array<i32>} : memref<64x128xf32, #tpu.memory_space<vmem>>, vector<16xf32>,
        %get3A_884 = arith.index_cast %scan3A_860 : i32 to index
        %get3A_885 = arith.constant 48 : index
        %get3A_886 = tpu.vector_load %arg19[%get3A_884, %get3A_885] {strides = array<i32>} : memref<64x128xf32, #tpu.memory_space<vmem>>, vector<16xf32>,
        %mul3A_887 = arith.mulf %get3A_886, %gather3A_862 : vector<16xf32>
        %swap3A_888 = arith.index_cast %scan3A_860 : i32 to index
        %swap3A_889 = arith.constant 48 : index
        %swap3A_890 = tpu.vector_load %arg19[%swap3A_888, %swap3A_889] {strides = array<i32>} : memref<64x128xf32, #tpu.memory_space<vmem>>, vector<16xf32>,
        tpu.vector_store %arg19[%swap3A_888, %swap3A_889], %mul3A_887 {strides = array<i32>} : memref<64x128xf32, #tpu.memory_space<vmem>>, vector<16xf32>,
        %get3A_891 = arith.index_cast %scan3A_860 : i32 to index
        %get3A_892 = arith.constant 64 : index
        %get3A_893 = tpu.vector_load %arg19[%get3A_891, %get3A_892] {strides = array<i32>} : memref<64x128xf32, #tpu.memory_space<vmem>>, vector<16xf32>,
        %mul3A_894 = arith.mulf %get3A_893, %gather3A_862 : vector<16xf32>
        %swap3A_895 = arith.index_cast %scan3A_860 : i32 to index
        %swap3A_896 = arith.constant 64 : index
        %swap3A_897 = tpu.vector_load %arg19[%swap3A_895, %swap3A_896] {strides = array<i32>} : memref<64x128xf32, #tpu.memory_space<vmem>>, vector<16xf32>,
        tpu.vector_store %arg19[%swap3A_895, %swap3A_896], %mul3A_894 {strides = array<i32>} : memref<64x128xf32, #tpu.memory_space<vmem>>, vector<16xf32>,
        %get3A_898 = arith.index_cast %scan3A_860 : i32 to index
        %get3A_899 = arith.constant 80 : index
        %get3A_900 = tpu.vector_load %arg19[%get3A_898, %get3A_899] {strides = array<i32>} : memref<64x128xf32, #tpu.memory_space<vmem>>, vector<16xf32>,
        %mul3A_901 = arith.mulf %get3A_900, %gather3A_862 : vector<16xf32>
        %swap3A_902 = arith.index_cast %scan3A_860 : i32 to index
        %swap3A_903 = arith.constant 80 : index
        %swap3A_904 = tpu.vector_load %arg19[%swap3A_902, %swap3A_903] {strides = array<i32>} : memref<64x128xf32, #tpu.memory_space<vmem>>, vector<16xf32>,
        tpu.vector_store %arg19[%swap3A_902, %swap3A_903], %mul3A_901 {strides = array<i32>} : memref<64x128xf32, #tpu.memory_space<vmem>>, vector<16xf32>,
        %get3A_905 = arith.index_cast %scan3A_860 : i32 to index
        %get3A_906 = arith.constant 96 : index
        %get3A_907 = tpu.vector_load %arg19[%get3A_905, %get3A_906] {strides = array<i32>} : memref<64x128xf32, #tpu.memory_space<vmem>>, vector<16xf32>,
        %mul3A_908 = arith.mulf %get3A_907, %gather3A_862 : vector<16xf32>
        %swap3A_909 = arith.index_cast %scan3A_860 : i32 to index
        %swap3A_910 = arith.constant 96 : index
        %swap3A_911 = tpu.vector_load %arg19[%swap3A_909, %swap3A_910] {strides = array<i32>} : memref<64x128xf32, #tpu.memory_space<vmem>>, vector<16xf32>,
        tpu.vector_store %arg19[%swap3A_909, %swap3A_910], %mul3A_908 {strides = array<i32>} : memref<64x128xf32, #tpu.memory_space<vmem>>, vector<16xf32>,
        %get3A_912 = arith.index_cast %scan3A_860 : i32 to index
        %get3A_913 = arith.constant 112 : index
        %get3A_914 = tpu.vector_load %arg19[%get3A_912, %get3A_913] {strides = array<i32>} : memref<64x128xf32, #tpu.memory_space<vmem>>, vector<16xf32>,
        %mul3A_915 = arith.mulf %get3A_914, %gather3A_862 : vector<16xf32>
        %swap3A_916 = arith.index_cast %scan3A_860 : i32 to index
        %swap3A_917 = arith.constant 112 : index
        %swap3A_918 = tpu.vector_load %arg19[%swap3A_916, %swap3A_917] {strides = array<i32>} : memref<64x128xf32, #tpu.memory_space<vmem>>, vector<16xf32>,
        tpu.vector_store %arg19[%swap3A_916, %swap3A_917], %mul3A_915 {strides = array<i32>} : memref<64x128xf32, #tpu.memory_space<vmem>>, vector<16xf32>,
      }
      %scan3A_609 = arith.constant 64 : i32
      %dma_start3A_610 = arith.constant 0 : i32
      %dma_start3A_611 = arith.constant 0 : i32
      %dma_start3A_612 = tpu.memref_slice %arg21[%dma_start3A_610, %dma_start3A_611] : memref<10112x128xf32, #tpu.memory_space<vmem_shared>> -> memref<10112x128xf32, #tpu.memory_space<vmem_shared>>
      tpu.enqueue_indirect_dma source(%arg19 : memref<64x128xf32, #tpu.memory_space<vmem>>) target(%dma_start3A_612 : memref<10112x128xf32, #tpu.memory_space<vmem_shared>>) offsets(%arg11 : memref<64xi32, #tpu.memory_space<vmem>>) semaphore(%arg24 : memref<!tpu.dma_semaphore, #tpu.memory_space<semaphore_mem>>) {add = true}
      %get3A_613 = arith.constant 0 : index
      %get3A_614 = tpu.vector_load %arg12[%get3A_613] {strides = array<i32>} : memref<64xi32, #tpu.memory_space<vmem>>, vector<16xi32>,
      %get3A_615 = arith.constant 0 : index
      %get3A_616 = tpu.vector_load %arg13[%get3A_615] {strides = array<i32>} : memref<64xi32, #tpu.memory_space<vmem>>, vector<16xi32>,
      %gather3A_617 = tpu.vector_load_idx %arg16[%get3A_614] : memref<10016xf32, #tpu.memory_space<vmem>>[vector<16xi32>], vector<16xf32>,
      %gather3A_618 = tpu.vector_load_idx %arg17[%get3A_616] : memref<10016xf32, #tpu.memory_space<vmem>>[vector<16xi32>], vector<16xf32>,
      %add3A_619 = arith.addf %gather3A_617, %gather3A_618 : vector<16xf32>
      %gt3A_620 = arith.constant 0.000000e+00 : f32
      %gt3A_621 = vector.broadcast %gt3A_620 : f32 to vector<16xf32>
      %gt3A_622 = arith.cmpf ogt, %add3A_619, %gt3A_621 : vector<16xf32>
      %mul3A_623 = arith.constant 2.000000e-01 : f32
      %mul3A_624 = vector.broadcast %mul3A_623 : f32 to vector<16xf32>
      %mul3A_625 = arith.mulf %mul3A_624, %add3A_619 : vector<16xf32>
      %select_n3A_626 = arith.select %gt3A_622, %add3A_619, %mul3A_625 : vector<16xi1>, vector<16xf32>
      %exp3A_627 = math.exp %select_n3A_626 : vector<16xf32>
      %swap3A_628 = arith.constant 0 : index
      %swap3A_629 = tpu.vector_load %arg15[%swap3A_628] {strides = array<i32>} : memref<64xf32, #tpu.memory_space<vmem>>, vector<16xf32>,
      tpu.vector_store %arg15[%swap3A_628], %exp3A_627 {strides = array<i32>} : memref<64xf32, #tpu.memory_space<vmem>>, vector<16xf32>,
      tpu.vector_store_idx %arg18[%get3A_616], %exp3A_627 {add = true} : memref<10016xf32, #tpu.memory_space<vmem>>[vector<16xi32>], vector<16xf32>,
      %get3A_630 = arith.constant 16 : index
      %get3A_631 = tpu.vector_load %arg12[%get3A_630] {strides = array<i32>} : memref<64xi32, #tpu.memory_space<vmem>>, vector<16xi32>,
      %get3A_632 = arith.constant 16 : index
      %get3A_633 = tpu.vector_load %arg13[%get3A_632] {strides = array<i32>} : memref<64xi32, #tpu.memory_space<vmem>>, vector<16xi32>,
      %gather3A_634 = tpu.vector_load_idx %arg16[%get3A_631] : memref<10016xf32, #tpu.memory_space<vmem>>[vector<16xi32>], vector<16xf32>,
      %gather3A_635 = tpu.vector_load_idx %arg17[%get3A_633] : memref<10016xf32, #tpu.memory_space<vmem>>[vector<16xi32>], vector<16xf32>,
      %add3A_636 = arith.addf %gather3A_634, %gather3A_635 : vector<16xf32>
      %gt3A_637 = arith.constant 0.000000e+00 : f32
      %gt3A_638 = vector.broadcast %gt3A_637 : f32 to vector<16xf32>
      %gt3A_639 = arith.cmpf ogt, %add3A_636, %gt3A_638 : vector<16xf32>
      %mul3A_640 = arith.constant 2.000000e-01 : f32
      %mul3A_641 = vector.broadcast %mul3A_640 : f32 to vector<16xf32>
      %mul3A_642 = arith.mulf %mul3A_641, %add3A_636 : vector<16xf32>
      %select_n3A_643 = arith.select %gt3A_639, %add3A_636, %mul3A_642 : vector<16xi1>, vector<16xf32>
      %exp3A_644 = math.exp %select_n3A_643 : vector<16xf32>
      %swap3A_645 = arith.constant 16 : index
      %swap3A_646 = tpu.vector_load %arg15[%swap3A_645] {strides = array<i32>} : memref<64xf32, #tpu.memory_space<vmem>>, vector<16xf32>,
      tpu.vector_store %arg15[%swap3A_645], %exp3A_644 {strides = array<i32>} : memref<64xf32, #tpu.memory_space<vmem>>, vector<16xf32>,
      tpu.vector_store_idx %arg18[%get3A_633], %exp3A_644 {add = true} : memref<10016xf32, #tpu.memory_space<vmem>>[vector<16xi32>], vector<16xf32>,
      %get3A_647 = arith.constant 32 : index
      %get3A_648 = tpu.vector_load %arg12[%get3A_647] {strides = array<i32>} : memref<64xi32, #tpu.memory_space<vmem>>, vector<16xi32>,
      %get3A_649 = arith.constant 32 : index
      %get3A_650 = tpu.vector_load %arg13[%get3A_649] {strides = array<i32>} : memref<64xi32, #tpu.memory_space<vmem>>, vector<16xi32>,
      %gather3A_651 = tpu.vector_load_idx %arg16[%get3A_648] : memref<10016xf32, #tpu.memory_space<vmem>>[vector<16xi32>], vector<16xf32>,
      %gather3A_652 = tpu.vector_load_idx %arg17[%get3A_650] : memref<10016xf32, #tpu.memory_space<vmem>>[vector<16xi32>], vector<16xf32>,
      %add3A_653 = arith.addf %gather3A_651, %gather3A_652 : vector<16xf32>
      %gt3A_654 = arith.constant 0.000000e+00 : f32
      %gt3A_655 = vector.broadcast %gt3A_654 : f32 to vector<16xf32>
      %gt3A_656 = arith.cmpf ogt, %add3A_653, %gt3A_655 : vector<16xf32>
      %mul3A_657 = arith.constant 2.000000e-01 : f32
      %mul3A_658 = vector.broadcast %mul3A_657 : f32 to vector<16xf32>
      %mul3A_659 = arith.mulf %mul3A_658, %add3A_653 : vector<16xf32>
      %select_n3A_660 = arith.select %gt3A_656, %add3A_653, %mul3A_659 : vector<16xi1>, vector<16xf32>
      %exp3A_661 = math.exp %select_n3A_660 : vector<16xf32>
      %swap3A_662 = arith.constant 32 : index
      %swap3A_663 = tpu.vector_load %arg15[%swap3A_662] {strides = array<i32>} : memref<64xf32, #tpu.memory_space<vmem>>, vector<16xf32>,
      tpu.vector_store %arg15[%swap3A_662], %exp3A_661 {strides = array<i32>} : memref<64xf32, #tpu.memory_space<vmem>>, vector<16xf32>,
      tpu.vector_store_idx %arg18[%get3A_650], %exp3A_661 {add = true} : memref<10016xf32, #tpu.memory_space<vmem>>[vector<16xi32>], vector<16xf32>,
      %get3A_664 = arith.constant 48 : index
      %get3A_665 = tpu.vector_load %arg12[%get3A_664] {strides = array<i32>} : memref<64xi32, #tpu.memory_space<vmem>>, vector<16xi32>,
      %get3A_666 = arith.constant 48 : index
      %get3A_667 = tpu.vector_load %arg13[%get3A_666] {strides = array<i32>} : memref<64xi32, #tpu.memory_space<vmem>>, vector<16xi32>,
      %gather3A_668 = tpu.vector_load_idx %arg16[%get3A_665] : memref<10016xf32, #tpu.memory_space<vmem>>[vector<16xi32>], vector<16xf32>,
      %gather3A_669 = tpu.vector_load_idx %arg17[%get3A_667] : memref<10016xf32, #tpu.memory_space<vmem>>[vector<16xi32>], vector<16xf32>,
      %add3A_670 = arith.addf %gather3A_668, %gather3A_669 : vector<16xf32>
      %gt3A_671 = arith.constant 0.000000e+00 : f32
      %gt3A_672 = vector.broadcast %gt3A_671 : f32 to vector<16xf32>
      %gt3A_673 = arith.cmpf ogt, %add3A_670, %gt3A_672 : vector<16xf32>
      %mul3A_674 = arith.constant 2.000000e-01 : f32
      %mul3A_675 = vector.broadcast %mul3A_674 : f32 to vector<16xf32>
      %mul3A_676 = arith.mulf %mul3A_675, %add3A_670 : vector<16xf32>
      %select_n3A_677 = arith.select %gt3A_673, %add3A_670, %mul3A_676 : vector<16xi1>, vector<16xf32>
      %exp3A_678 = math.exp %select_n3A_677 : vector<16xf32>
      %swap3A_679 = arith.constant 48 : index
      %swap3A_680 = tpu.vector_load %arg15[%swap3A_679] {strides = array<i32>} : memref<64xf32, #tpu.memory_space<vmem>>, vector<16xf32>,
      tpu.vector_store %arg15[%swap3A_679], %exp3A_678 {strides = array<i32>} : memref<64xf32, #tpu.memory_space<vmem>>, vector<16xf32>,
      tpu.vector_store_idx %arg18[%get3A_667], %exp3A_678 {add = true} : memref<10016xf32, #tpu.memory_space<vmem>>[vector<16xi32>], vector<16xf32>,
    }
    %scan3A_375 = arith.constant 78 : i32
    %dma_wait3A_376 = arith.constant 0 : i32
    %dma_wait3A_377 = arith.constant 0 : i32
    %dma_wait3A_378 = tpu.memref_slice %arg2[%dma_wait3A_376, %dma_wait3A_377] : memref<10016x128xf32, #tpu.memory_space<hbm>> -> memref<10016x128xf32, #tpu.memory_space<hbm>>
    tpu.wait_indirect_dma semaphore(%arg23 : memref<!tpu.dma_semaphore, #tpu.memory_space<semaphore_mem>>) src(%dma_wait3A_378 : memref<10016x128xf32, #tpu.memory_space<hbm>>) dst(%arg20 : memref<64x128xf32, #tpu.memory_space<vmem>>)
    %scan3A_379 = arith.constant 0 : i32
    %scan3A_380 = arith.constant 0 : i32
    %scan3A_381 = arith.constant 64 : i32
    %scan3A_382 = arith.addi %scan3A_380, %scan3A_381 : i32
    %scan3A_383 = arith.constant 4 : i32
    scf.for %scan3A_402 = %scan3A_380 to %scan3A_382 step %scan3A_383  : i32 {
      %broadcast_in_dim3A = vector.broadcast %scan3A_402 : i32 to vector<16xi32>
      %gather3A_403 = tpu.vector_load_idx %arg15[%broadcast_in_dim3A] : memref<64xf32, #tpu.memory_space<vmem>>[vector<16xi32>], vector<16xf32>,
      %get3A_404 = arith.index_cast %scan3A_402 : i32 to index
      %get3A_405 = arith.constant 0 : index
      %get3A_406 = tpu.vector_load %arg20[%get3A_404, %get3A_405] {strides = array<i32>} : memref<64x128xf32, #tpu.memory_space<vmem>>, vector<16xf32>,
      %mul3A_407 = arith.mulf %get3A_406, %gather3A_403 : vector<16xf32>
      %swap3A_408 = arith.index_cast %scan3A_402 : i32 to index
      %swap3A_409 = arith.constant 0 : index
      %swap3A_410 = tpu.vector_load %arg20[%swap3A_408, %swap3A_409] {strides = array<i32>} : memref<64x128xf32, #tpu.memory_space<vmem>>, vector<16xf32>,
      tpu.vector_store %arg20[%swap3A_408, %swap3A_409], %mul3A_407 {strides = array<i32>} : memref<64x128xf32, #tpu.memory_space<vmem>>, vector<16xf32>,
      %get3A_411 = arith.index_cast %scan3A_402 : i32 to index
      %get3A_412 = arith.constant 16 : index
      %get3A_413 = tpu.vector_load %arg20[%get3A_411, %get3A_412] {strides = array<i32>} : memref<64x128xf32, #tpu.memory_space<vmem>>, vector<16xf32>,
      %mul3A_414 = arith.mulf %get3A_413, %gather3A_403 : vector<16xf32>
      %swap3A_415 = arith.index_cast %scan3A_402 : i32 to index
      %swap3A_416 = arith.constant 16 : index
      %swap3A_417 = tpu.vector_load %arg20[%swap3A_415, %swap3A_416] {strides = array<i32>} : memref<64x128xf32, #tpu.memory_space<vmem>>, vector<16xf32>,
      tpu.vector_store %arg20[%swap3A_415, %swap3A_416], %mul3A_414 {strides = array<i32>} : memref<64x128xf32, #tpu.memory_space<vmem>>, vector<16xf32>,
      %get3A_418 = arith.index_cast %scan3A_402 : i32 to index
      %get3A_419 = arith.constant 32 : index
      %get3A_420 = tpu.vector_load %arg20[%get3A_418, %get3A_419] {strides = array<i32>} : memref<64x128xf32, #tpu.memory_space<vmem>>, vector<16xf32>,
      %mul3A_421 = arith.mulf %get3A_420, %gather3A_403 : vector<16xf32>
      %swap3A_422 = arith.index_cast %scan3A_402 : i32 to index
      %swap3A_423 = arith.constant 32 : index
      %swap3A_424 = tpu.vector_load %arg20[%swap3A_422, %swap3A_423] {strides = array<i32>} : memref<64x128xf32, #tpu.memory_space<vmem>>, vector<16xf32>,
      tpu.vector_store %arg20[%swap3A_422, %swap3A_423], %mul3A_421 {strides = array<i32>} : memref<64x128xf32, #tpu.memory_space<vmem>>, vector<16xf32>,
      %get3A_425 = arith.index_cast %scan3A_402 : i32 to index
      %get3A_426 = arith.constant 48 : index
      %get3A_427 = tpu.vector_load %arg20[%get3A_425, %get3A_426] {strides = array<i32>} : memref<64x128xf32, #tpu.memory_space<vmem>>, vector<16xf32>,
      %mul3A_428 = arith.mulf %get3A_427, %gather3A_403 : vector<16xf32>
      %swap3A_429 = arith.index_cast %scan3A_402 : i32 to index
      %swap3A_430 = arith.constant 48 : index
      %swap3A_431 = tpu.vector_load %arg20[%swap3A_429, %swap3A_430] {strides = array<i32>} : memref<64x128xf32, #tpu.memory_space<vmem>>, vector<16xf32>,
      tpu.vector_store %arg20[%swap3A_429, %swap3A_430], %mul3A_428 {strides = array<i32>} : memref<64x128xf32, #tpu.memory_space<vmem>>, vector<16xf32>,
      %get3A_432 = arith.index_cast %scan3A_402 : i32 to index
      %get3A_433 = arith.constant 64 : index
      %get3A_434 = tpu.vector_load %arg20[%get3A_432, %get3A_433] {strides = array<i32>} : memref<64x128xf32, #tpu.memory_space<vmem>>, vector<16xf32>,
      %mul3A_435 = arith.mulf %get3A_434, %gather3A_403 : vector<16xf32>
      %swap3A_436 = arith.index_cast %scan3A_402 : i32 to index
      %swap3A_437 = arith.constant 64 : index
      %swap3A_438 = tpu.vector_load %arg20[%swap3A_436, %swap3A_437] {strides = array<i32>} : memref<64x128xf32, #tpu.memory_space<vmem>>, vector<16xf32>,
      tpu.vector_store %arg20[%swap3A_436, %swap3A_437], %mul3A_435 {strides = array<i32>} : memref<64x128xf32, #tpu.memory_space<vmem>>, vector<16xf32>,
      %get3A_439 = arith.index_cast %scan3A_402 : i32 to index
      %get3A_440 = arith.constant 80 : index
      %get3A_441 = tpu.vector_load %arg20[%get3A_439, %get3A_440] {strides = array<i32>} : memref<64x128xf32, #tpu.memory_space<vmem>>, vector<16xf32>,
      %mul3A_442 = arith.mulf %get3A_441, %gather3A_403 : vector<16xf32>
      %swap3A_443 = arith.index_cast %scan3A_402 : i32 to index
      %swap3A_444 = arith.constant 80 : index
      %swap3A_445 = tpu.vector_load %arg20[%swap3A_443, %swap3A_444] {strides = array<i32>} : memref<64x128xf32, #tpu.memory_space<vmem>>, vector<16xf32>,
      tpu.vector_store %arg20[%swap3A_443, %swap3A_444], %mul3A_442 {strides = array<i32>} : memref<64x128xf32, #tpu.memory_space<vmem>>, vector<16xf32>,
      %get3A_446 = arith.index_cast %scan3A_402 : i32 to index
      %get3A_447 = arith.constant 96 : index
      %get3A_448 = tpu.vector_load %arg20[%get3A_446, %get3A_447] {strides = array<i32>} : memref<64x128xf32, #tpu.memory_space<vmem>>, vector<16xf32>,
      %mul3A_449 = arith.mulf %get3A_448, %gather3A_403 : vector<16xf32>
      %swap3A_450 = arith.index_cast %scan3A_402 : i32 to index
      %swap3A_451 = arith.constant 96 : index
      %swap3A_452 = tpu.vector_load %arg20[%swap3A_450, %swap3A_451] {strides = array<i32>} : memref<64x128xf32, #tpu.memory_space<vmem>>, vector<16xf32>,
      tpu.vector_store %arg20[%swap3A_450, %swap3A_451], %mul3A_449 {strides = array<i32>} : memref<64x128xf32, #tpu.memory_space<vmem>>, vector<16xf32>,
      %get3A_453 = arith.index_cast %scan3A_402 : i32 to index
      %get3A_454 = arith.constant 112 : index
      %get3A_455 = tpu.vector_load %arg20[%get3A_453, %get3A_454] {strides = array<i32>} : memref<64x128xf32, #tpu.memory_space<vmem>>, vector<16xf32>,
      %mul3A_456 = arith.mulf %get3A_455, %gather3A_403 : vector<16xf32>
      %swap3A_457 = arith.index_cast %scan3A_402 : i32 to index
      %swap3A_458 = arith.constant 112 : index
      %swap3A_459 = tpu.vector_load %arg20[%swap3A_457, %swap3A_458] {strides = array<i32>} : memref<64x128xf32, #tpu.memory_space<vmem>>, vector<16xf32>,
      tpu.vector_store %arg20[%swap3A_457, %swap3A_458], %mul3A_456 {strides = array<i32>} : memref<64x128xf32, #tpu.memory_space<vmem>>, vector<16xf32>,
      %scan3A_460 = arith.constant 1 : i32
      %scan3A_461 = arith.addi %scan3A_402, %scan3A_460 : i32
      %broadcast_in_dim3A_462 = vector.broadcast %scan3A_461 : i32 to vector<16xi32>
      %gather3A_463 = tpu.vector_load_idx %arg15[%broadcast_in_dim3A_462] : memref<64xf32, #tpu.memory_space<vmem>>[vector<16xi32>], vector<16xf32>,
      %get3A_464 = arith.index_cast %scan3A_461 : i32 to index
      %get3A_465 = arith.constant 0 : index
      %get3A_466 = tpu.vector_load %arg20[%get3A_464, %get3A_465] {strides = array<i32>} : memref<64x128xf32, #tpu.memory_space<vmem>>, vector<16xf32>,
      %mul3A_467 = arith.mulf %get3A_466, %gather3A_463 : vector<16xf32>
      %swap3A_468 = arith.index_cast %scan3A_461 : i32 to index
      %swap3A_469 = arith.constant 0 : index
      %swap3A_470 = tpu.vector_load %arg20[%swap3A_468, %swap3A_469] {strides = array<i32>} : memref<64x128xf32, #tpu.memory_space<vmem>>, vector<16xf32>,
      tpu.vector_store %arg20[%swap3A_468, %swap3A_469], %mul3A_467 {strides = array<i32>} : memref<64x128xf32, #tpu.memory_space<vmem>>, vector<16xf32>,
      %get3A_471 = arith.index_cast %scan3A_461 : i32 to index
      %get3A_472 = arith.constant 16 : index
      %get3A_473 = tpu.vector_load %arg20[%get3A_471, %get3A_472] {strides = array<i32>} : memref<64x128xf32, #tpu.memory_space<vmem>>, vector<16xf32>,
      %mul3A_474 = arith.mulf %get3A_473, %gather3A_463 : vector<16xf32>
      %swap3A_475 = arith.index_cast %scan3A_461 : i32 to index
      %swap3A_476 = arith.constant 16 : index
      %swap3A_477 = tpu.vector_load %arg20[%swap3A_475, %swap3A_476] {strides = array<i32>} : memref<64x128xf32, #tpu.memory_space<vmem>>, vector<16xf32>,
      tpu.vector_store %arg20[%swap3A_475, %swap3A_476], %mul3A_474 {strides = array<i32>} : memref<64x128xf32, #tpu.memory_space<vmem>>, vector<16xf32>,
      %get3A_478 = arith.index_cast %scan3A_461 : i32 to index
      %get3A_479 = arith.constant 32 : index
      %get3A_480 = tpu.vector_load %arg20[%get3A_478, %get3A_479] {strides = array<i32>} : memref<64x128xf32, #tpu.memory_space<vmem>>, vector<16xf32>,
      %mul3A_481 = arith.mulf %get3A_480, %gather3A_463 : vector<16xf32>
      %swap3A_482 = arith.index_cast %scan3A_461 : i32 to index
      %swap3A_483 = arith.constant 32 : index
      %swap3A_484 = tpu.vector_load %arg20[%swap3A_482, %swap3A_483] {strides = array<i32>} : memref<64x128xf32, #tpu.memory_space<vmem>>, vector<16xf32>,
      tpu.vector_store %arg20[%swap3A_482, %swap3A_483], %mul3A_481 {strides = array<i32>} : memref<64x128xf32, #tpu.memory_space<vmem>>, vector<16xf32>,
      %get3A_485 = arith.index_cast %scan3A_461 : i32 to index
      %get3A_486 = arith.constant 48 : index
      %get3A_487 = tpu.vector_load %arg20[%get3A_485, %get3A_486] {strides = array<i32>} : memref<64x128xf32, #tpu.memory_space<vmem>>, vector<16xf32>,
      %mul3A_488 = arith.mulf %get3A_487, %gather3A_463 : vector<16xf32>
      %swap3A_489 = arith.index_cast %scan3A_461 : i32 to index
      %swap3A_490 = arith.constant 48 : index
      %swap3A_491 = tpu.vector_load %arg20[%swap3A_489, %swap3A_490] {strides = array<i32>} : memref<64x128xf32, #tpu.memory_space<vmem>>, vector<16xf32>,
      tpu.vector_store %arg20[%swap3A_489, %swap3A_490], %mul3A_488 {strides = array<i32>} : memref<64x128xf32, #tpu.memory_space<vmem>>, vector<16xf32>,
      %get3A_492 = arith.index_cast %scan3A_461 : i32 to index
      %get3A_493 = arith.constant 64 : index
      %get3A_494 = tpu.vector_load %arg20[%get3A_492, %get3A_493] {strides = array<i32>} : memref<64x128xf32, #tpu.memory_space<vmem>>, vector<16xf32>,
      %mul3A_495 = arith.mulf %get3A_494, %gather3A_463 : vector<16xf32>
      %swap3A_496 = arith.index_cast %scan3A_461 : i32 to index
      %swap3A_497 = arith.constant 64 : index
      %swap3A_498 = tpu.vector_load %arg20[%swap3A_496, %swap3A_497] {strides = array<i32>} : memref<64x128xf32, #tpu.memory_space<vmem>>, vector<16xf32>,
      tpu.vector_store %arg20[%swap3A_496, %swap3A_497], %mul3A_495 {strides = array<i32>} : memref<64x128xf32, #tpu.memory_space<vmem>>, vector<16xf32>,
      %get3A_499 = arith.index_cast %scan3A_461 : i32 to index
      %get3A_500 = arith.constant 80 : index
      %get3A_501 = tpu.vector_load %arg20[%get3A_499, %get3A_500] {strides = array<i32>} : memref<64x128xf32, #tpu.memory_space<vmem>>, vector<16xf32>,
      %mul3A_502 = arith.mulf %get3A_501, %gather3A_463 : vector<16xf32>
      %swap3A_503 = arith.index_cast %scan3A_461 : i32 to index
      %swap3A_504 = arith.constant 80 : index
      %swap3A_505 = tpu.vector_load %arg20[%swap3A_503, %swap3A_504] {strides = array<i32>} : memref<64x128xf32, #tpu.memory_space<vmem>>, vector<16xf32>,
      tpu.vector_store %arg20[%swap3A_503, %swap3A_504], %mul3A_502 {strides = array<i32>} : memref<64x128xf32, #tpu.memory_space<vmem>>, vector<16xf32>,
      %get3A_506 = arith.index_cast %scan3A_461 : i32 to index
      %get3A_507 = arith.constant 96 : index
      %get3A_508 = tpu.vector_load %arg20[%get3A_506, %get3A_507] {strides = array<i32>} : memref<64x128xf32, #tpu.memory_space<vmem>>, vector<16xf32>,
      %mul3A_509 = arith.mulf %get3A_508, %gather3A_463 : vector<16xf32>
      %swap3A_510 = arith.index_cast %scan3A_461 : i32 to index
      %swap3A_511 = arith.constant 96 : index
      %swap3A_512 = tpu.vector_load %arg20[%swap3A_510, %swap3A_511] {strides = array<i32>} : memref<64x128xf32, #tpu.memory_space<vmem>>, vector<16xf32>,
      tpu.vector_store %arg20[%swap3A_510, %swap3A_511], %mul3A_509 {strides = array<i32>} : memref<64x128xf32, #tpu.memory_space<vmem>>, vector<16xf32>,
      %get3A_513 = arith.index_cast %scan3A_461 : i32 to index
      %get3A_514 = arith.constant 112 : index
      %get3A_515 = tpu.vector_load %arg20[%get3A_513, %get3A_514] {strides = array<i32>} : memref<64x128xf32, #tpu.memory_space<vmem>>, vector<16xf32>,
      %mul3A_516 = arith.mulf %get3A_515, %gather3A_463 : vector<16xf32>
      %swap3A_517 = arith.index_cast %scan3A_461 : i32 to index
      %swap3A_518 = arith.constant 112 : index
      %swap3A_519 = tpu.vector_load %arg20[%swap3A_517, %swap3A_518] {strides = array<i32>} : memref<64x128xf32, #tpu.memory_space<vmem>>, vector<16xf32>,
      tpu.vector_store %arg20[%swap3A_517, %swap3A_518], %mul3A_516 {strides = array<i32>} : memref<64x128xf32, #tpu.memory_space<vmem>>, vector<16xf32>,
      %scan3A_520 = arith.constant 2 : i32
      %scan3A_521 = arith.addi %scan3A_402, %scan3A_520 : i32
      %broadcast_in_dim3A_522 = vector.broadcast %scan3A_521 : i32 to vector<16xi32>
      %gather3A_523 = tpu.vector_load_idx %arg15[%broadcast_in_dim3A_522] : memref<64xf32, #tpu.memory_space<vmem>>[vector<16xi32>], vector<16xf32>,
      %get3A_524 = arith.index_cast %scan3A_521 : i32 to index
      %get3A_525 = arith.constant 0 : index
      %get3A_526 = tpu.vector_load %arg20[%get3A_524, %get3A_525] {strides = array<i32>} : memref<64x128xf32, #tpu.memory_space<vmem>>, vector<16xf32>,
      %mul3A_527 = arith.mulf %get3A_526, %gather3A_523 : vector<16xf32>
      %swap3A_528 = arith.index_cast %scan3A_521 : i32 to index
      %swap3A_529 = arith.constant 0 : index
      %swap3A_530 = tpu.vector_load %arg20[%swap3A_528, %swap3A_529] {strides = array<i32>} : memref<64x128xf32, #tpu.memory_space<vmem>>, vector<16xf32>,
      tpu.vector_store %arg20[%swap3A_528, %swap3A_529], %mul3A_527 {strides = array<i32>} : memref<64x128xf32, #tpu.memory_space<vmem>>, vector<16xf32>,
      %get3A_531 = arith.index_cast %scan3A_521 : i32 to index
      %get3A_532 = arith.constant 16 : index
      %get3A_533 = tpu.vector_load %arg20[%get3A_531, %get3A_532] {strides = array<i32>} : memref<64x128xf32, #tpu.memory_space<vmem>>, vector<16xf32>,
      %mul3A_534 = arith.mulf %get3A_533, %gather3A_523 : vector<16xf32>
      %swap3A_535 = arith.index_cast %scan3A_521 : i32 to index
      %swap3A_536 = arith.constant 16 : index
      %swap3A_537 = tpu.vector_load %arg20[%swap3A_535, %swap3A_536] {strides = array<i32>} : memref<64x128xf32, #tpu.memory_space<vmem>>, vector<16xf32>,
      tpu.vector_store %arg20[%swap3A_535, %swap3A_536], %mul3A_534 {strides = array<i32>} : memref<64x128xf32, #tpu.memory_space<vmem>>, vector<16xf32>,
      %get3A_538 = arith.index_cast %scan3A_521 : i32 to index
      %get3A_539 = arith.constant 32 : index
      %get3A_540 = tpu.vector_load %arg20[%get3A_538, %get3A_539] {strides = array<i32>} : memref<64x128xf32, #tpu.memory_space<vmem>>, vector<16xf32>,
      %mul3A_541 = arith.mulf %get3A_540, %gather3A_523 : vector<16xf32>
      %swap3A_542 = arith.index_cast %scan3A_521 : i32 to index
      %swap3A_543 = arith.constant 32 : index
      %swap3A_544 = tpu.vector_load %arg20[%swap3A_542, %swap3A_543] {strides = array<i32>} : memref<64x128xf32, #tpu.memory_space<vmem>>, vector<16xf32>,
      tpu.vector_store %arg20[%swap3A_542, %swap3A_543], %mul3A_541 {strides = array<i32>} : memref<64x128xf32, #tpu.memory_space<vmem>>, vector<16xf32>,
      %get3A_545 = arith.index_cast %scan3A_521 : i32 to index
      %get3A_546 = arith.constant 48 : index
      %get3A_547 = tpu.vector_load %arg20[%get3A_545, %get3A_546] {strides = array<i32>} : memref<64x128xf32, #tpu.memory_space<vmem>>, vector<16xf32>,
      %mul3A_548 = arith.mulf %get3A_547, %gather3A_523 : vector<16xf32>
      %swap3A_549 = arith.index_cast %scan3A_521 : i32 to index
      %swap3A_550 = arith.constant 48 : index
      %swap3A_551 = tpu.vector_load %arg20[%swap3A_549, %swap3A_550] {strides = array<i32>} : memref<64x128xf32, #tpu.memory_space<vmem>>, vector<16xf32>,
      tpu.vector_store %arg20[%swap3A_549, %swap3A_550], %mul3A_548 {strides = array<i32>} : memref<64x128xf32, #tpu.memory_space<vmem>>, vector<16xf32>,
      %get3A_552 = arith.index_cast %scan3A_521 : i32 to index
      %get3A_553 = arith.constant 64 : index
      %get3A_554 = tpu.vector_load %arg20[%get3A_552, %get3A_553] {strides = array<i32>} : memref<64x128xf32, #tpu.memory_space<vmem>>, vector<16xf32>,
      %mul3A_555 = arith.mulf %get3A_554, %gather3A_523 : vector<16xf32>
      %swap3A_556 = arith.index_cast %scan3A_521 : i32 to index
      %swap3A_557 = arith.constant 64 : index
      %swap3A_558 = tpu.vector_load %arg20[%swap3A_556, %swap3A_557] {strides = array<i32>} : memref<64x128xf32, #tpu.memory_space<vmem>>, vector<16xf32>,
      tpu.vector_store %arg20[%swap3A_556, %swap3A_557], %mul3A_555 {strides = array<i32>} : memref<64x128xf32, #tpu.memory_space<vmem>>, vector<16xf32>,
      %get3A_559 = arith.index_cast %scan3A_521 : i32 to index
      %get3A_560 = arith.constant 80 : index
      %get3A_561 = tpu.vector_load %arg20[%get3A_559, %get3A_560] {strides = array<i32>} : memref<64x128xf32, #tpu.memory_space<vmem>>, vector<16xf32>,
      %mul3A_562 = arith.mulf %get3A_561, %gather3A_523 : vector<16xf32>
      %swap3A_563 = arith.index_cast %scan3A_521 : i32 to index
      %swap3A_564 = arith.constant 80 : index
      %swap3A_565 = tpu.vector_load %arg20[%swap3A_563, %swap3A_564] {strides = array<i32>} : memref<64x128xf32, #tpu.memory_space<vmem>>, vector<16xf32>,
      tpu.vector_store %arg20[%swap3A_563, %swap3A_564], %mul3A_562 {strides = array<i32>} : memref<64x128xf32, #tpu.memory_space<vmem>>, vector<16xf32>,
      %get3A_566 = arith.index_cast %scan3A_521 : i32 to index
      %get3A_567 = arith.constant 96 : index
      %get3A_568 = tpu.vector_load %arg20[%get3A_566, %get3A_567] {strides = array<i32>} : memref<64x128xf32, #tpu.memory_space<vmem>>, vector<16xf32>,
      %mul3A_569 = arith.mulf %get3A_568, %gather3A_523 : vector<16xf32>
      %swap3A_570 = arith.index_cast %scan3A_521 : i32 to index
      %swap3A_571 = arith.constant 96 : index
      %swap3A_572 = tpu.vector_load %arg20[%swap3A_570, %swap3A_571] {strides = array<i32>} : memref<64x128xf32, #tpu.memory_space<vmem>>, vector<16xf32>,
      tpu.vector_store %arg20[%swap3A_570, %swap3A_571], %mul3A_569 {strides = array<i32>} : memref<64x128xf32, #tpu.memory_space<vmem>>, vector<16xf32>,
      %get3A_573 = arith.index_cast %scan3A_521 : i32 to index
      %get3A_574 = arith.constant 112 : index
      %get3A_575 = tpu.vector_load %arg20[%get3A_573, %get3A_574] {strides = array<i32>} : memref<64x128xf32, #tpu.memory_space<vmem>>, vector<16xf32>,
      %mul3A_576 = arith.mulf %get3A_575, %gather3A_523 : vector<16xf32>
      %swap3A_577 = arith.index_cast %scan3A_521 : i32 to index
      %swap3A_578 = arith.constant 112 : index
      %swap3A_579 = tpu.vector_load %arg20[%swap3A_577, %swap3A_578] {strides = array<i32>} : memref<64x128xf32, #tpu.memory_space<vmem>>, vector<16xf32>,
      tpu.vector_store %arg20[%swap3A_577, %swap3A_578], %mul3A_576 {strides = array<i32>} : memref<64x128xf32, #tpu.memory_space<vmem>>, vector<16xf32>,
      %scan3A_580 = arith.constant 3 : i32
      %scan3A_581 = arith.addi %scan3A_402, %scan3A_580 : i32
      %broadcast_in_dim3A_582 = vector.broadcast %scan3A_581 : i32 to vector<16xi32>
      %gather3A_583 = tpu.vector_load_idx %arg15[%broadcast_in_dim3A_582] : memref<64xf32, #tpu.memory_space<vmem>>[vector<16xi32>], vector<16xf32>,
      %get3A_584 = arith.index_cast %scan3A_581 : i32 to index
      %get3A_585 = arith.constant 0 : index
      %get3A_586 = tpu.vector_load %arg20[%get3A_584, %get3A_585] {strides = array<i32>} : memref<64x128xf32, #tpu.memory_space<vmem>>, vector<16xf32>,
      %mul3A_587 = arith.mulf %get3A_586, %gather3A_583 : vector<16xf32>
      %swap3A_588 = arith.index_cast %scan3A_581 : i32 to index
      %swap3A_589 = arith.constant 0 : index
      %swap3A_590 = tpu.vector_load %arg20[%swap3A_588, %swap3A_589] {strides = array<i32>} : memref<64x128xf32, #tpu.memory_space<vmem>>, vector<16xf32>,
      tpu.vector_store %arg20[%swap3A_588, %swap3A_589], %mul3A_587 {strides = array<i32>} : memref<64x128xf32, #tpu.memory_space<vmem>>, vector<16xf32>,
      %get3A_591 = arith.index_cast %scan3A_581 : i32 to index
      %get3A_592 = arith.constant 16 : index
      %get3A_593 = tpu.vector_load %arg20[%get3A_591, %get3A_592] {strides = array<i32>} : memref<64x128xf32, #tpu.memory_space<vmem>>, vector<16xf32>,
      %mul3A_594 = arith.mulf %get3A_593, %gather3A_583 : vector<16xf32>
      %swap3A_595 = arith.index_cast %scan3A_581 : i32 to index
      %swap3A_596 = arith.constant 16 : index
      %swap3A_597 = tpu.vector_load %arg20[%swap3A_595, %swap3A_596] {strides = array<i32>} : memref<64x128xf32, #tpu.memory_space<vmem>>, vector<16xf32>,
      tpu.vector_store %arg20[%swap3A_595, %swap3A_596], %mul3A_594 {strides = array<i32>} : memref<64x128xf32, #tpu.memory_space<vmem>>, vector<16xf32>,
      %get3A_598 = arith.index_cast %scan3A_581 : i32 to index
      %get3A_599 = arith.constant 32 : index
      %get3A_600 = tpu.vector_load %arg20[%get3A_598, %get3A_599] {strides = array<i32>} : memref<64x128xf32, #tpu.memory_space<vmem>>, vector<16xf32>,
      %mul3A_601 = arith.mulf %get3A_600, %gather3A_583 : vector<16xf32>
      %swap3A_602 = arith.index_cast %scan3A_581 : i32 to index
      %swap3A_603 = arith.constant 32 : index
      %swap3A_604 = tpu.vector_load %arg20[%swap3A_602, %swap3A_603] {strides = array<i32>} : memref<64x128xf32, #tpu.memory_space<vmem>>, vector<16xf32>,
      tpu.vector_store %arg20[%swap3A_602, %swap3A_603], %mul3A_601 {strides = array<i32>} : memref<64x128xf32, #tpu.memory_space<vmem>>, vector<16xf32>,
      %get3A_605 = arith.index_cast %scan3A_581 : i32 to index
      %get3A_606 = arith.constant 48 : index
      %get3A_607 = tpu.vector_load %arg20[%get3A_605, %get3A_606] {strides = array<i32>} : memref<64x128xf32, #tpu.memory_space<vmem>>, vector<16xf32>,
      %mul3A_608 = arith.mulf %get3A_607, %gather3A_583 : vector<16xf32>
      %swap3A_609 = arith.index_cast %scan3A_581 : i32 to index
      %swap3A_610 = arith.constant 48 : index
      %swap3A_611 = tpu.vector_load %arg20[%swap3A_609, %swap3A_610] {strides = array<i32>} : memref<64x128xf32, #tpu.memory_space<vmem>>, vector<16xf32>,
      tpu.vector_store %arg20[%swap3A_609, %swap3A_610], %mul3A_608 {strides = array<i32>} : memref<64x128xf32, #tpu.memory_space<vmem>>, vector<16xf32>,
      %get3A_612 = arith.index_cast %scan3A_581 : i32 to index
      %get3A_613 = arith.constant 64 : index
      %get3A_614 = tpu.vector_load %arg20[%get3A_612, %get3A_613] {strides = array<i32>} : memref<64x128xf32, #tpu.memory_space<vmem>>, vector<16xf32>,
      %mul3A_615 = arith.mulf %get3A_614, %gather3A_583 : vector<16xf32>
      %swap3A_616 = arith.index_cast %scan3A_581 : i32 to index
      %swap3A_617 = arith.constant 64 : index
      %swap3A_618 = tpu.vector_load %arg20[%swap3A_616, %swap3A_617] {strides = array<i32>} : memref<64x128xf32, #tpu.memory_space<vmem>>, vector<16xf32>,
      tpu.vector_store %arg20[%swap3A_616, %swap3A_617], %mul3A_615 {strides = array<i32>} : memref<64x128xf32, #tpu.memory_space<vmem>>, vector<16xf32>,
      %get3A_619 = arith.index_cast %scan3A_581 : i32 to index
      %get3A_620 = arith.constant 80 : index
      %get3A_621 = tpu.vector_load %arg20[%get3A_619, %get3A_620] {strides = array<i32>} : memref<64x128xf32, #tpu.memory_space<vmem>>, vector<16xf32>,
      %mul3A_622 = arith.mulf %get3A_621, %gather3A_583 : vector<16xf32>
      %swap3A_623 = arith.index_cast %scan3A_581 : i32 to index
      %swap3A_624 = arith.constant 80 : index
      %swap3A_625 = tpu.vector_load %arg20[%swap3A_623, %swap3A_624] {strides = array<i32>} : memref<64x128xf32, #tpu.memory_space<vmem>>, vector<16xf32>,
      tpu.vector_store %arg20[%swap3A_623, %swap3A_624], %mul3A_622 {strides = array<i32>} : memref<64x128xf32, #tpu.memory_space<vmem>>, vector<16xf32>,
      %get3A_626 = arith.index_cast %scan3A_581 : i32 to index
      %get3A_627 = arith.constant 96 : index
      %get3A_628 = tpu.vector_load %arg20[%get3A_626, %get3A_627] {strides = array<i32>} : memref<64x128xf32, #tpu.memory_space<vmem>>, vector<16xf32>,
      %mul3A_629 = arith.mulf %get3A_628, %gather3A_583 : vector<16xf32>
      %swap3A_630 = arith.index_cast %scan3A_581 : i32 to index
      %swap3A_631 = arith.constant 96 : index
      %swap3A_632 = tpu.vector_load %arg20[%swap3A_630, %swap3A_631] {strides = array<i32>} : memref<64x128xf32, #tpu.memory_space<vmem>>, vector<16xf32>,
      tpu.vector_store %arg20[%swap3A_630, %swap3A_631], %mul3A_629 {strides = array<i32>} : memref<64x128xf32, #tpu.memory_space<vmem>>, vector<16xf32>,
      %get3A_633 = arith.index_cast %scan3A_581 : i32 to index
      %get3A_634 = arith.constant 112 : index
      %get3A_635 = tpu.vector_load %arg20[%get3A_633, %get3A_634] {strides = array<i32>} : memref<64x128xf32, #tpu.memory_space<vmem>>, vector<16xf32>,
      %mul3A_636 = arith.mulf %get3A_635, %gather3A_583 : vector<16xf32>
      %swap3A_637 = arith.index_cast %scan3A_581 : i32 to index
      %swap3A_638 = arith.constant 112 : index
      %swap3A_639 = tpu.vector_load %arg20[%swap3A_637, %swap3A_638] {strides = array<i32>} : memref<64x128xf32, #tpu.memory_space<vmem>>, vector<16xf32>,
      tpu.vector_store %arg20[%swap3A_637, %swap3A_638], %mul3A_636 {strides = array<i32>} : memref<64x128xf32, #tpu.memory_space<vmem>>, vector<16xf32>,
    }
    %scan3A_384 = arith.constant 64 : i32
    %dma_start3A_385 = arith.constant 0 : i32
    %dma_start3A_386 = arith.constant 0 : i32
    %dma_start3A_387 = tpu.memref_slice %arg21[%dma_start3A_385, %dma_start3A_386] : memref<10112x128xf32, #tpu.memory_space<vmem_shared>> -> memref<10112x128xf32, #tpu.memory_space<vmem_shared>>
    tpu.enqueue_indirect_dma source(%arg20 : memref<64x128xf32, #tpu.memory_space<vmem>>) target(%dma_start3A_387 : memref<10112x128xf32, #tpu.memory_space<vmem_shared>>) offsets(%arg13 : memref<64xi32, #tpu.memory_space<vmem>>) semaphore(%arg25 : memref<!tpu.dma_semaphore, #tpu.memory_space<semaphore_mem>>) {add = true}
    %dma_wait3A_388 = arith.constant 0 : i32
    %dma_wait3A_389 = arith.constant 0 : i32
    %dma_wait3A_390 = tpu.memref_slice %arg2[%dma_wait3A_388, %dma_wait3A_389] : memref<10016x128xf32, #tpu.memory_space<hbm>> -> memref<64x128xf32, #tpu.memory_space<hbm>>
    %dma_wait3A_391 = arith.constant 0 : i32
    %dma_wait3A_392 = arith.constant 0 : i32
    %dma_wait3A_393 = tpu.memref_slice %arg2[%dma_wait3A_391, %dma_wait3A_392] : memref<10016x128xf32, #tpu.memory_space<hbm>> -> memref<64x128xf32, #tpu.memory_space<hbm>>
    tpu.wait_dma2 semaphore(%arg24 : memref<!tpu.dma_semaphore, #tpu.memory_space<semaphore_mem>>) src(%dma_wait3A_393 : memref<64x128xf32, #tpu.memory_space<hbm>>) dst(%arg19 : memref<64x128xf32, #tpu.memory_space<vmem>>)
    %dma_wait3A_394 = arith.constant 0 : i32
    %dma_wait3A_395 = arith.constant 0 : i32
    %dma_wait3A_396 = tpu.memref_slice %arg21[%dma_wait3A_394, %dma_wait3A_395] : memref<10112x128xf32, #tpu.memory_space<vmem_shared>> -> memref<10112x128xf32, #tpu.memory_space<vmem_shared>>
    tpu.wait_indirect_dma semaphore(%arg25 : memref<!tpu.dma_semaphore, #tpu.memory_space<semaphore_mem>>) src(%arg20 : memref<64x128xf32, #tpu.memory_space<vmem>>) dst(%dma_wait3A_396 : memref<10112x128xf32, #tpu.memory_space<vmem_shared>>)
    %barrier3A_397 = arith.constant 0 : index
    tpu.barrier barrier_id(%barrier3A_397)
    %mul3A_398 = arith.constant 632 : i32
    %mul3A_399 = arith.muli %arg1, %mul3A_398 : i32
    %mul3A_400 = arith.constant 632 : i32
    %mul3A_401 = arith.muli %arg1, %mul3A_400 : i32
    "tpu.region"() ({
      %run_scoped3A_402 = tpu.sem_alloc : memref<!tpu.dma_semaphore, #tpu.memory_space<semaphore_mem>>
      %dma_start3A_403 = arith.constant 0 : i32
      %dma_start3A_404 = tpu.memref_slice %arg6[%arg0, %mul3A_401, %dma_start3A_403] : memref<2x10112x128xf32, #tpu.memory_space<hbm>> -> memref<1x632x128xf32, #tpu.memory_space<hbm>>
      %dma_start3A_405 = tpu.memref_squeeze %dma_start3A_404 : memref<1x632x128xf32, #tpu.memory_space<hbm>> -> memref<632x128xf32, #tpu.memory_space<hbm>>
      %dma_start3A_406 = arith.constant 0 : i32
      %dma_start3A_407 = tpu.memref_slice %arg21[%mul3A_399, %dma_start3A_406] : memref<10112x128xf32, #tpu.memory_space<vmem_shared>> -> memref<632x128xf32, #tpu.memory_space<vmem_shared>>
      tpu.enqueue_dma source(%dma_start3A_407 : memref<632x128xf32, #tpu.memory_space<vmem_shared>>) target(%dma_start3A_405 : memref<632x128xf32, #tpu.memory_space<hbm>>) target_semaphore(%run_scoped3A_402 : memref<!tpu.dma_semaphore, #tpu.memory_space<semaphore_mem>>)
      %dma_wait3A_408 = arith.constant 0 : i32
      %dma_wait3A_409 = tpu.memref_slice %arg6[%arg0, %mul3A_401, %dma_wait3A_408] : memref<2x10112x128xf32, #tpu.memory_space<hbm>> -> memref<1x632x128xf32, #tpu.memory_space<hbm>>
      %dma_wait3A_410 = tpu.memref_squeeze %dma_wait3A_409 : memref<1x632x128xf32, #tpu.memory_space<hbm>> -> memref<632x128xf32, #tpu.memory_space<hbm>>
      %dma_wait3A_411 = arith.constant 0 : i32
      %dma_wait3A_412 = tpu.memref_slice %arg21[%mul3A_399, %dma_wait3A_411] : memref<10112x128xf32, #tpu.memory_space<vmem_shared>> -> memref<632x128xf32, #tpu.memory_space<vmem_shared>>
      tpu.wait_dma2 semaphore(%run_scoped3A_402 : memref<!tpu.dma_semaphore, #tpu.memory_space<semaphore_mem>>) src(%dma_wait3A_412 : memref<632x128xf32, #tpu.memory_space<vmem_shared>>) dst(%dma_wait3A_410 : memref<632x128xf32, #tpu.memory_space<hbm>>)
      tpu.yield
    }) : () -> ()
    "tpu.region"() ({
      %run_scoped3A_402 = tpu.sem_alloc : memref<!tpu.dma_semaphore, #tpu.memory_space<semaphore_mem>>
      %dma_start3A_403 = arith.constant 0 : i32
      %dma_start3A_404 = tpu.memref_slice %arg7[%add3A, %dma_start3A_403] : memref<32x10016xf32, #tpu.memory_space<hbm>> -> memref<1x10016xf32, #tpu.memory_space<hbm>>
      %dma_start3A_405 = tpu.memref_squeeze %dma_start3A_404 : memref<1x10016xf32, #tpu.memory_space<hbm>> -> memref<10016xf32, #tpu.memory_space<hbm>>
      %dma_start3A_406 = arith.constant 0 : i32
      %dma_start3A_407 = tpu.memref_slice %arg7[%add3A, %dma_start3A_406] : memref<32x10016xf32, #tpu.memory_space<hbm>> -> memref<1x10016xf32, #tpu.memory_space<hbm>>
      %dma_start3A_408 = tpu.memref_squeeze %dma_start3A_407 : memref<1x10016xf32, #tpu.memory_space<hbm>> -> memref<10016xf32, #tpu.memory_space<hbm>>
      tpu.enqueue_dma source(%arg18 : memref<10016xf32, #tpu.memory_space<vmem>>) target(%dma_start3A_408 : memref<10016xf32, #tpu.memory_space<hbm>>) target_semaphore(%run_scoped3A_402 : memref<!tpu.dma_semaphore, #tpu.memory_space<semaphore_mem>>)
      %dma_wait3A_409 = arith.constant 0 : i32
      %dma_wait3A_410 = tpu.memref_slice %arg7[%add3A, %dma_wait3A_409] : memref<32x10016xf32, #tpu.memory_space<hbm>> -> memref<1x10016xf32, #tpu.memory_space<hbm>>
      %dma_wait3A_411 = tpu.memref_squeeze %dma_wait3A_410 : memref<1x10016xf32, #tpu.memory_space<hbm>> -> memref<10016xf32, #tpu.memory_space<hbm>>
      %dma_wait3A_412 = arith.constant 0 : i32
      %dma_wait3A_413 = tpu.memref_slice %arg7[%add3A, %dma_wait3A_412] : memref<32x10016xf32, #tpu.memory_space<hbm>> -> memref<1x10016xf32, #tpu.memory_space<hbm>>
      %dma_wait3A_414 = tpu.memref_squeeze %dma_wait3A_413 : memref<1x10016xf32, #tpu.memory_space<hbm>> -> memref<10016xf32, #tpu.memory_space<hbm>>
      tpu.wait_dma2 semaphore(%run_scoped3A_402 : memref<!tpu.dma_semaphore, #tpu.memory_space<semaphore_mem>>) src(%arg18 : memref<10016xf32, #tpu.memory_space<vmem>>) dst(%dma_wait3A_414 : memref<10016xf32, #tpu.memory_space<hbm>>)
      tpu.yield
    }) : () -> ()
    return
  }
}

module attributes {stable_mosaic.version = 14 : i64} {
  func.func @_k1_body(%arg0: i32, %arg1: memref<1024x128xf32, #tpu.memory_space<vmem>>, %arg2: memref<128x128xf32, #tpu.memory_space<vmem>>, %arg3: memref<1x128xf32, #tpu.memory_space<vmem>>, %arg4: memref<1x128xf32, #tpu.memory_space<vmem>>, %arg5: memref<1024x128xf32, #tpu.memory_space<vmem>>, %arg6: memref<1x1024xf32, #tpu.memory_space<vmem>>, %arg7: memref<1x1024xf32, #tpu.memory_space<vmem>>, %arg8: memref<1x1024xf32, #tpu.memory_space<vmem>>) attributes {dimension_semantics = [#tpu.dimension_semantics<arbitrary>], iteration_bounds = array<i64: 10>, scalar_prefetch = 0 : i64, scratch_operands = 0 : i64, tpu.core_type = #tpu.core_type<tc>, window_params = [{transform_indices = @transform_0, window_bounds = array<i64: 1024, 128>}, {pipeline_mode = #tpu.pipeline_mode<synchronous>, transform_indices = @transform_1, window_bounds = array<i64: 128, 128>}, {pipeline_mode = #tpu.pipeline_mode<synchronous>, transform_indices = @transform_2, window_bounds = array<i64: 1, 128>}, {pipeline_mode = #tpu.pipeline_mode<synchronous>, transform_indices = @transform_3, window_bounds = array<i64: 1, 128>}, {transform_indices = @transform_4, window_bounds = array<i64: 1024, 128>}, {transform_indices = @transform_5, window_bounds = array<i64: 1, 1024>}, {transform_indices = @transform_6, window_bounds = array<i64: 1, 1024>}, {transform_indices = @transform_7, window_bounds = array<i64: 1, 1024>}]} {
    %get3A = arith.constant 0 : index
    %get3A_0 = arith.constant 0 : index
    %get3A_1 = vector.load %arg1[%get3A, %get3A_0] : memref<1024x128xf32, #tpu.memory_space<vmem>>, vector<1024x128xf32>
    %get3A_2 = arith.constant 0 : index
    %get3A_3 = arith.constant 0 : index
    %get3A_4 = vector.load %arg2[%get3A_2, %get3A_3] : memref<128x128xf32, #tpu.memory_space<vmem>>, vector<128x128xf32>
    %dot_general3A = arith.constant dense<0.000000e+00> : vector<1024x128xf32>
    %dot_general3A_5 = tpu.matmul %get3A_1, %get3A_4, %dot_general3A {dimension_numbers = #tpu.dot_dimension_numbers<[1], [0], [0], [1], [0, 0, 1, 1], [], []>, transpose_lhs_hint = false} : vector<1024x128xf32>, vector<128x128xf32>, vector<1024x128xf32> -> vector<1024x128xf32>
    %swap3A = arith.constant 0 : index
    %swap3A_6 = arith.constant 0 : index
    %swap3A_7 = vector.load %arg5[%swap3A, %swap3A_6] : memref<1024x128xf32, #tpu.memory_space<vmem>>, vector<1024x128xf32>
    tpu.vector_store %arg5[%swap3A, %swap3A_6], %dot_general3A_5 {strides = array<i32>} : memref<1024x128xf32, #tpu.memory_space<vmem>>, vector<1024x128xf32>,
    %get3A_8 = arith.constant 0 : index
    %get3A_9 = arith.constant 0 : index
    %get3A_10 = vector.load %arg3[%get3A_8, %get3A_9] : memref<1x128xf32, #tpu.memory_space<vmem>>, vector<1x128xf32>
    %mul3A = vector.broadcast %get3A_10 : vector<1x128xf32> to vector<1024x128xf32>
    %mul3A_11 = arith.mulf %dot_general3A_5, %mul3A : vector<1024x128xf32>
    %reduce_sum3A = arith.constant dense<0.000000e+00> : vector<1024xf32>
    %reduce_sum3A_12 = vector.multi_reduction <add>, %mul3A_11, %reduce_sum3A [1] : vector<1024x128xf32> to vector<1024xf32>
    %get3A_13 = arith.constant 0 : index
    %get3A_14 = arith.constant 0 : index
    %get3A_15 = vector.load %arg4[%get3A_13, %get3A_14] : memref<1x128xf32, #tpu.memory_space<vmem>>, vector<1x128xf32>
    %mul3A_16 = vector.broadcast %get3A_15 : vector<1x128xf32> to vector<1024x128xf32>
    %mul3A_17 = arith.mulf %dot_general3A_5, %mul3A_16 : vector<1024x128xf32>
    %reduce_sum3A_18 = arith.constant dense<0.000000e+00> : vector<1024xf32>
    %reduce_sum3A_19 = vector.multi_reduction <add>, %mul3A_17, %reduce_sum3A_18 [1] : vector<1024x128xf32> to vector<1024xf32>
    %swap3A_20 = arith.constant 0 : index
    %swap3A_21 = arith.constant 0 : index
    %swap3A_22 = vector.load %arg6[%swap3A_20, %swap3A_21] : memref<1x1024xf32, #tpu.memory_space<vmem>>, vector<1x1024xf32>
    %swap3A_23 = vector.shape_cast %swap3A_22 : vector<1x1024xf32> to vector<1024xf32>
    %swap3A_24 = vector.shape_cast %reduce_sum3A_12 : vector<1024xf32> to vector<1x1024xf32>
    tpu.vector_store %arg6[%swap3A_20, %swap3A_21], %swap3A_24 {strides = array<i32>} : memref<1x1024xf32, #tpu.memory_space<vmem>>, vector<1x1024xf32>,
    %swap3A_25 = arith.constant 0 : index
    %swap3A_26 = arith.constant 0 : index
    %swap3A_27 = vector.load %arg7[%swap3A_25, %swap3A_26] : memref<1x1024xf32, #tpu.memory_space<vmem>>, vector<1x1024xf32>
    %swap3A_28 = vector.shape_cast %swap3A_27 : vector<1x1024xf32> to vector<1024xf32>
    %swap3A_29 = vector.shape_cast %reduce_sum3A_19 : vector<1024xf32> to vector<1x1024xf32>
    tpu.vector_store %arg7[%swap3A_25, %swap3A_26], %swap3A_29 {strides = array<i32>} : memref<1x1024xf32, #tpu.memory_space<vmem>>, vector<1x1024xf32>,
    %add3A = arith.addf %reduce_sum3A_12, %reduce_sum3A_19 : vector<1024xf32>
    %gt3A = arith.constant 0.000000e+00 : f32
    %gt3A_30 = vector.broadcast %gt3A : f32 to vector<1024xf32>
    %gt3A_31 = arith.cmpf ogt, %add3A, %gt3A_30 : vector<1024xf32>
    %mul3A_32 = arith.constant 2.000000e-01 : f32
    %mul3A_33 = vector.broadcast %mul3A_32 : f32 to vector<1024xf32>
    %mul3A_34 = arith.mulf %mul3A_33, %add3A : vector<1024xf32>
    %select_n3A = arith.select %gt3A_31, %add3A, %mul3A_34 : vector<1024xi1>, vector<1024xf32>
    %exp3A = math.exp %select_n3A : vector<1024xf32>
    %swap3A_35 = arith.constant 0 : index
    %swap3A_36 = arith.constant 0 : index
    %swap3A_37 = vector.load %arg8[%swap3A_35, %swap3A_36] : memref<1x1024xf32, #tpu.memory_space<vmem>>, vector<1x1024xf32>
    %swap3A_38 = vector.shape_cast %swap3A_37 : vector<1x1024xf32> to vector<1024xf32>
    %swap3A_39 = vector.shape_cast %exp3A : vector<1024xf32> to vector<1x1024xf32>
    tpu.vector_store %arg8[%swap3A_35, %swap3A_36], %swap3A_39 {strides = array<i32>} : memref<1x1024xf32, #tpu.memory_space<vmem>>, vector<1x1024xf32>,
    return
  }
  func.func @transform_0(%arg0: i32) -> (i32, i32) {
    %c0_i32 = arith.constant 0 : i32
    %c0_i32_0 = arith.constant 0 : i32
    return %arg0, %c0_i32 : i32, i32
  }
  func.func @transform_1(%arg0: i32) -> (i32, i32) {
    %c0_i32 = arith.constant 0 : i32
    %c0_i32_0 = arith.constant 0 : i32
    %c0_i32_1 = arith.constant 0 : i32
    return %c0_i32, %c0_i32_0 : i32, i32
  }
  func.func @transform_2(%arg0: i32) -> (i32, i32) {
    %c0_i32 = arith.constant 0 : i32
    %c0_i32_0 = arith.constant 0 : i32
    %c0_i32_1 = arith.constant 0 : i32
    return %c0_i32, %c0_i32_0 : i32, i32
  }
  func.func @transform_3(%arg0: i32) -> (i32, i32) {
    %c0_i32 = arith.constant 0 : i32
    %c0_i32_0 = arith.constant 0 : i32
    %c0_i32_1 = arith.constant 0 : i32
    return %c0_i32, %c0_i32_0 : i32, i32
  }
  func.func @transform_4(%arg0: i32) -> (i32, i32) {
    %c0_i32 = arith.constant 0 : i32
    %c0_i32_0 = arith.constant 0 : i32
    return %arg0, %c0_i32 : i32, i32
  }
  func.func @transform_5(%arg0: i32) -> (i32, i32) {
    %c0_i32 = arith.constant 0 : i32
    %c0_i32_0 = arith.constant 0 : i32
    return %c0_i32, %arg0 : i32, i32
  }
  func.func @transform_6(%arg0: i32) -> (i32, i32) {
    %c0_i32 = arith.constant 0 : i32
    %c0_i32_0 = arith.constant 0 : i32
    return %c0_i32, %arg0 : i32, i32
  }
  func.func @transform_7(%arg0: i32) -> (i32, i32) {
    %c0_i32 = arith.constant 0 : i32
    %c0_i32_0 = arith.constant 0 : i32
    return %c0_i32, %arg0 : i32, i32
  }
}

module attributes {stable_mosaic.version = 14 : i64} {
  func.func @_k3_body(%arg0: i32, %arg1: memref<2x2000x128xf32, #tpu.memory_space<vmem>>, %arg2: memref<2000x32xf32, #tpu.memory_space<vmem>>, %arg3: memref<2000x128xf32, #tpu.memory_space<vmem>>, %arg4: memref<2000x1xf32, #tpu.memory_space<vmem>>, %arg5: memref<1x128xf32, #tpu.memory_space<vmem>>, %arg6: memref<2000x128xf32, #tpu.memory_space<vmem>>) attributes {dimension_semantics = [#tpu.dimension_semantics<arbitrary>], iteration_bounds = array<i64: 5>, scalar_prefetch = 0 : i64, scratch_operands = 0 : i64, tpu.core_type = #tpu.core_type<tc>, window_params = [{transform_indices = @transform_0, window_bounds = array<i64: 2, 2000, 128>}, {transform_indices = @transform_1, window_bounds = array<i64: 2000, 32>}, {transform_indices = @transform_2, window_bounds = array<i64: 2000, 128>}, {transform_indices = @transform_3, window_bounds = array<i64: 2000, 1>}, {pipeline_mode = #tpu.pipeline_mode<synchronous>, transform_indices = @transform_4, window_bounds = array<i64: 1, 128>}, {transform_indices = @transform_5, window_bounds = array<i64: 2000, 128>}]} {
    %get3A = arith.constant 0 : index
    %get3A_0 = arith.constant 0 : index
    %get3A_1 = vector.load %arg2[%get3A, %get3A_0] : memref<2000x32xf32, #tpu.memory_space<vmem>>, vector<2000x32xf32>
    %reduce_sum3A = arith.constant dense<0.000000e+00> : vector<2000xf32>
    %reduce_sum3A_2 = vector.multi_reduction <add>, %get3A_1, %reduce_sum3A [1] : vector<2000x32xf32> to vector<2000xf32>
    %broadcast_in_dim3A = vector.shape_cast %reduce_sum3A_2 : vector<2000xf32> to vector<2000x1xf32>
    %get3A_3 = arith.constant 0 : index
    %get3A_4 = arith.constant 0 : index
    %get3A_5 = vector.load %arg4[%get3A_3, %get3A_4] : memref<2000x1xf32, #tpu.memory_space<vmem>>, vector<2000x1xf32>
    %add3A = arith.addf %broadcast_in_dim3A, %get3A_5 : vector<2000x1xf32>
    %add3A_6 = arith.constant 1.000000e-16 : f32
    %add3A_7 = vector.broadcast %add3A_6 : f32 to vector<2000x1xf32>
    %add3A_8 = arith.addf %add3A, %add3A_7 : vector<2000x1xf32>
    %get3A_9 = arith.constant 0 : index
    %get3A_10 = arith.constant 0 : index
    %get3A_11 = arith.constant 0 : index
    %get3A_12 = vector.load %arg1[%get3A_9, %get3A_10, %get3A_11] : memref<2x2000x128xf32, #tpu.memory_space<vmem>>, vector<1x2000x128xf32>
    %get3A_13 = vector.shape_cast %get3A_12 : vector<1x2000x128xf32> to vector<2000x128xf32>
    %get3A_14 = arith.constant 1 : index
    %get3A_15 = arith.constant 0 : index
    %get3A_16 = arith.constant 0 : index
    %get3A_17 = vector.load %arg1[%get3A_14, %get3A_15, %get3A_16] : memref<2x2000x128xf32, #tpu.memory_space<vmem>>, vector<1x2000x128xf32>
    %get3A_18 = vector.shape_cast %get3A_17 : vector<1x2000x128xf32> to vector<2000x128xf32>
    %add3A_19 = arith.addf %get3A_13, %get3A_18 : vector<2000x128xf32>
    %get3A_20 = arith.constant 0 : index
    %get3A_21 = arith.constant 0 : index
    %get3A_22 = vector.load %arg4[%get3A_20, %get3A_21] : memref<2000x1xf32, #tpu.memory_space<vmem>>, vector<2000x1xf32>
    %get3A_23 = arith.constant 0 : index
    %get3A_24 = arith.constant 0 : index
    %get3A_25 = vector.load %arg3[%get3A_23, %get3A_24] : memref<2000x128xf32, #tpu.memory_space<vmem>>, vector<2000x128xf32>
    %mul3A = vector.broadcast %get3A_22 : vector<2000x1xf32> to vector<2000x128xf32>
    %mul3A_26 = arith.mulf %mul3A, %get3A_25 : vector<2000x128xf32>
    %add3A_27 = arith.addf %add3A_19, %mul3A_26 : vector<2000x128xf32>
    %div3A = vector.broadcast %add3A_8 : vector<2000x1xf32> to vector<2000x128xf32>
    %div3A_28 = arith.divf %add3A_27, %div3A : vector<2000x128xf32>
    %get3A_29 = arith.constant 0 : index
    %get3A_30 = arith.constant 0 : index
    %get3A_31 = vector.load %arg5[%get3A_29, %get3A_30] : memref<1x128xf32, #tpu.memory_space<vmem>>, vector<1x128xf32>
    %add3A_32 = vector.broadcast %get3A_31 : vector<1x128xf32> to vector<2000x128xf32>
    %add3A_33 = arith.addf %div3A_28, %add3A_32 : vector<2000x128xf32>
    %swap3A = arith.constant 0 : index
    %swap3A_34 = arith.constant 0 : index
    %swap3A_35 = vector.load %arg6[%swap3A, %swap3A_34] : memref<2000x128xf32, #tpu.memory_space<vmem>>, vector<2000x128xf32>
    tpu.vector_store %arg6[%swap3A, %swap3A_34], %add3A_33 {strides = array<i32>} : memref<2000x128xf32, #tpu.memory_space<vmem>>, vector<2000x128xf32>,
    return
  }
  func.func @transform_0(%arg0: i32) -> (i32, i32, i32) {
    %c0_i32 = arith.constant 0 : i32
    %c0_i32_0 = arith.constant 0 : i32
    %c0_i32_1 = arith.constant 0 : i32
    return %c0_i32, %arg0, %c0_i32_0 : i32, i32, i32
  }
  func.func @transform_1(%arg0: i32) -> (i32, i32) {
    %c0_i32 = arith.constant 0 : i32
    %c0_i32_0 = arith.constant 0 : i32
    return %arg0, %c0_i32 : i32, i32
  }
  func.func @transform_2(%arg0: i32) -> (i32, i32) {
    %c0_i32 = arith.constant 0 : i32
    %c0_i32_0 = arith.constant 0 : i32
    return %arg0, %c0_i32 : i32, i32
  }
  func.func @transform_3(%arg0: i32) -> (i32, i32) {
    %c0_i32 = arith.constant 0 : i32
    %c0_i32_0 = arith.constant 0 : i32
    return %arg0, %c0_i32 : i32, i32
  }
  func.func @transform_4(%arg0: i32) -> (i32, i32) {
    %c0_i32 = arith.constant 0 : i32
    %c0_i32_0 = arith.constant 0 : i32
    %c0_i32_1 = arith.constant 0 : i32
    return %c0_i32, %c0_i32_0 : i32, i32
  }
  func.func @transform_5(%arg0: i32) -> (i32, i32) {
    %c0_i32 = arith.constant 0 : i32
    %c0_i32_0 = arith.constant 0 : i32
    return %arg0, %c0_i32 : i32, i32
  }
}

</mosaic_0001>

<sc_bundles>
// kernel: kernel.5.cloned.1.call-start
scs
__scs_entry_jumppad:
0x0: {  	(pc) =	sbr.rel $0x88, $3  }
0x1: {  	(tag) =	ssettag $0x0;
	lr =	simm.s32 $0x1  }
0x2: {  	[smem:$0x3F9B] =	sst lr;
	_ =	strace $0xD0000000  }
0x3: {  	_ = 	snop  }
0x4: {  	_ = 	snop  }
0x5: {  	_ = 	snop  }
0x6: {  	_ = 	snop  }
0x7: {  	_ = 	snop  }
__scs_overlays_trampoline_lowered:
0x8: {  	[smem:$0x3FAA] =	sst s0  }
0x9: {  	[smem:$0x3FAB] =	sst s1  }
0xa: {  	[smem:$0x3FAC] =	sst s2  }
0xb: {  	[smem:$0x3FAD] =	sst s3  }
0xc: {  	[smem:$0x3FAE] =	sst s4  }
0xd: {  	[smem:$0x3FAF] =	sst s5  }
0xe: {  	[smem:$0x3FB0] =	sst s6  }
0xf: {  	[smem:$0x3FB1] =	sst s7  }
0x10: {  	[smem:$0x3FB2] =	sst s8  }
0x11: {  	[smem:$0x3FB3] =	sst s9;
	s0 =	simm.s32 @!p0 $0x0  }
0x12: {  	s1 =	sld [smem:$0x3F99];
	s0 =	simm.s32 @p0 $0x1  }
0x13: {  	[smem:$0x3FB4] =	sst s0;
	s0 =	simm.s32 @!p1 $0x0  }
0x14: {  	s2 =	sld [smem:$0x3F98];
	s0 =	simm.s32 @p1 $0x1  }
0x15: {  	[smem:$0x3FB5] =	sst s0;
	s0 =	simm.s32 @!p2 $0x0  }
0x16: {  	s3 =	sld [smem:$0x3FDB];
	s0 =	simm.s32 @p2 $0x1  }
0x17: {  	s4 =	simm.s32 $0x1BF5;
	[smem:$0x3FB7] =	sst s0  }
0x18: {  	s0 =	sld [smem:$0x3F9A];
	_ =	swait.ge [sflag:s4], $0x0  }
0x19: {  	s7 =	sld [smem:$0x3F9B]  }
0x1a: {  	s8 =	sadd.s32 $0xFFFFE003, lr  }
0x1b: {  	s9 =	sadd.s32 $0xFFFFFEF7, lr;
	s5 =	simm.s32 $0xFFFFFFFF;
	p2 =	slt.u32 s8, $0xFFFFF086  }
0x1c: {  	p1 =	slt.u32 s9, $0xF7A;
	s5 =	simm.s32 @!p2 $0x0  }
0x1d: {  	s5 =	simm.s32 @p1 $0x1;
	p0 =	seq.s32 s7, s2  }
0x1e: {  	s7 =	smul.u32 @!p0 $0xF7A, s2;
	p2 =	seq.s32 @!p0 s5, $0x0  }
0x1f: {  	s9 =	smul.u32 $0xF7A, s1;
	s8 =	simm.s32 @!p0 $0x1BF5;
	p2 =	por !p2, p0  }
0x20: {  	[sflag:s8] =	ssyncset.s32 @!p0 $0xFFFFF086;
	s6 =	sadd.s32 @!p0 s3, s7;
	s7 =	simm.s32 @!p0 $0x108  }
0x21: {  	s3 =	sadd.s32 s3, s9;
	s6 =	sadd.s32 @!p0 $0x88, s6;
	s7 =	simm.s32 @p2 $0x1082  }
0x22: {  	[simem:s7], [sflag:s8] =	dma.local @!p0 [hbm:s6], $0xF7A  }
0x23: {  	s9 =	sor.u32 $0xD0000000, s2;
	s6 =	simm.s32 $0x108;
	_ =	swait.ge @!p0 [sflag:s8], $0x0  }
0x24: {  	s3 =	sadd.s32 $0x88, s3;
	s6 =	simm.s32 @!p1 $0x1082;
	[sflag:s4] =	ssyncset.s32 $0xFFFFF086  }
0x25: {  	[simem:s6], [sflag:s4] =	dma.local [hbm:s3], $0xF7A  }
0x26: {  	[smem:$0x3F9B] =	sst s1;
	(tag) =	ssettag s2;
	_ =	strace s9  }
0x27: {  	s1 =	sld [smem:$0x3FAB]  }
0x28: {  	s2 =	sld [smem:$0x3FAC]  }
0x29: {  	s4 =	sld [smem:$0x3FAE]  }
0x2a: {  	p0 =	seq.s32 s5, $0x0;
	s5 =	sld [smem:$0x3FAF]  }
0x2b: {  	s6 =	sld [smem:$0x3FB0]  }
0x2c: {  	s7 =	sld [smem:$0x3FB1]  }
0x2d: {  	s3 =	simm.s32 $0x108;
	s8 =	sld [smem:$0x3FB2]  }
0x2e: {  	s3 =	simm.s32 @!p0 $0x1082;
	s9 =	sld [smem:$0x3FB3]  }
0x2f: {  	lr =	sadd.s32 s0, s3;
	s0 =	sld [smem:$0x3FAA]  }
0x30: {  	s3 =	sld [smem:$0x3FAD]  }
0x31: {  	[smem:$0x3FB6] =	sst s10  }
0x32: {  	s10 =	sld [smem:$0x3FB4];
	_ =	sdelay $0x3  }
0x33: {  	p0 =	seq.s32 s10, $0x1;
	s10 =	sld [smem:$0x3FB6];
	_ =	sdelay $0x3  }
0x34: {  	[smem:$0x3FB6] =	sst s10  }
0x35: {  	s10 =	sld [smem:$0x3FB5];
	_ =	sdelay $0x3  }
0x36: {  	p1 =	seq.s32 s10, $0x1;
	s10 =	sld [smem:$0x3FB6];
	_ =	sdelay $0x3  }
0x37: {  	[smem:$0x3FB6] =	sst s10  }
0x38: {  	s10 =	sld [smem:$0x3FB7]  }
0x39: {  	_ = 	snop;
	(pc) =	sbr.ind lr, $3  }
0x3a: {  	_ = 	snop  }
0x3b: {  	_ = 	snop  }
0x3c: {  	p2 =	seq.s32 s10, $0x1;
	s10 =	sld [smem:$0x3FB6]  }
0x3d: {  	_ =	shalt  }
0x3e: {  	_ =	shalt  }
0x3f: {  	_ =	shalt  }
0x40: {  	_ =	shalt  }
0x41: {  	_ =	shalt  }
0x42: {  	_ =	shalt  }
0x43: {  	_ =	shalt  }
0x44: {  	_ =	shalt  }
0x45: {  	_ =	shalt  }
0x46: {  	_ =	shalt  }
0x47: {  	_ =	shalt  }
0x48: {  	_ =	shalt  }
0x49: {  	_ =	shalt  }
0x4a: {  	_ =	shalt  }
0x4b: {  	_ =	shalt  }
0x4c: {  	_ =	shalt  }
0x4d: {  	_ =	shalt  }
0x4e: {  	_ =	shalt  }
0x4f: {  	_ =	shalt  }
0x50: {  	_ =	shalt  }
0x51: {  	_ =	shalt  }
0x52: {  	_ =	shalt  }
0x53: {  	_ =	shalt  }
0x54: {  	_ =	shalt  }
0x55: {  	_ =	shalt  }
0x56: {  	_ =	shalt  }
0x57: {  	_ =	shalt  }
0x58: {  	_ =	shalt  }
0x59: {  	_ =	shalt  }
0x5a: {  	_ =	shalt  }
0x5b: {  	_ =	shalt  }
0x5c: {  	_ =	shalt  }
0x5d: {  	_ =	shalt  }
0x5e: {  	_ =	shalt  }
0x5f: {  	_ =	shalt  }
0x60: {  	_ =	shalt  }
0x61: {  	_ =	shalt  }
0x62: {  	_ =	shalt  }
0x63: {  	_ =	shalt  }
0x64: {  	_ =	shalt  }
0x65: {  	_ =	shalt  }
0x66: {  	_ =	shalt  }
0x67: {  	_ =	shalt  }
0x68: {  	_ =	shalt  }
0x69: {  	_ =	shalt  }
0x6a: {  	_ =	shalt  }
0x6b: {  	_ =	shalt  }
0x6c: {  	_ =	shalt  }
0x6d: {  	_ =	shalt  }
0x6e: {  	_ =	shalt  }
0x6f: {  	_ =	shalt  }
0x70: {  	_ =	shalt  }
0x71: {  	_ =	shalt  }
0x72: {  	_ =	shalt  }
0x73: {  	_ =	shalt  }
0x74: {  	_ =	shalt  }
0x75: {  	_ =	shalt  }
0x76: {  	_ =	shalt  }
0x77: {  	_ =	shalt  }
0x78: {  	_ =	shalt  }
0x79: {  	_ =	shalt  }
0x7a: {  	_ =	shalt  }
0x7b: {  	_ =	shalt  }
0x7c: {  	_ =	shalt  }
0x7d: {  	_ =	shalt  }
0x7e: {  	_ =	shalt  }
0x7f: {  	_ =	shalt  }
0x80: {  	_ =	shalt  }
0x81: {  	_ =	shalt  }
0x82: {  	_ =	shalt  }
0x83: {  	_ =	shalt  }
0x84: {  	_ =	shalt  }
0x85: {  	_ =	shalt  }
0x86: {  	_ =	shalt  }
0x87: {  	_ =	shalt  }
.Lfunc_end0:
.L_simem_size_0:
called_computation_lowered:
.L_overlay_start_0:
0x88: {  	s2 =	sld [smem:$0x3FD9]  }
0x89: {  	s3 =	sld [smem:$0x3FFE];
	_ =	sdelay $0x1  }
0x8a: {  	s1 =	srdreg.scid  }
0x8b: {  	s0 =	sand.u32 $0x1, s1  }
0x8c: {  	s17 =	sshll.u32 s0, $0xA;
	s2 =	sadd.s32 s3, s2  }
0x8d: {  	s2 =	sadd.s32 s2, s17  }
0x8e: {  	[smem:$0x3FC2] =	sst s2  }
0x8f: {  	_ = 	snop  }
0x90: {  	s2 =	sld [smem:$0x3FD0];
	(tm) =	ssettm $0x1  }
0x91: {  	s18 =	sld [smem:$0x3FFB];
	_ =	sdelay $0x3  }
0x92: {  	_ =	strace s18  }
0x93: {  	s3 =	sld [smem:$0x3FFC];
	_ =	sdelay $0x3  }
0x94: {  	_ =	strace s3  }
0x95: {  	s3 =	sld [smem:$0x3FFD];
	_ =	sdelay $0x3  }
0x96: {  	_ =	strace s3  }
0x97: {  	_ =	strace $0x8FFFFFFF  }
0x98: {  	s19 =	sld [smem:$0x3FDB];
	_ =	sdelay $0x1  }
0x99: {  	s4 =	simm.s32 $_scs_section_size  }
0x9a: {  	s5 =	simm.s32 $_size__tile_overlayer_lowered;
	s6 =	simm.s32 $_tile_overlayer_lowered  }
0x9b: {  	s22 =	simm.s32 $0x1BFF;
	s21 =	sshll.u32 s6, $0x1;
	s3 =	sadd.s32 s4, s19  }
0x9c: {  	s7 =	simm.s32 $0x0;
	s20 =	sshll.u32 s5, $0x1;
	s5 =	sadd.s32 s21, s3  }
0x9d: {  	[timem:s7], [sflag:s22] =	dma.local [hbm:s5], s20  }
0x9e: {  	_ =	swait.ge [sflag:s22], s20  }
0x9f: {  	s4 =	ssub.s32 $0x0, s20;
	[sflag:s22] =	ssyncset.done $0x0  }
0xa0: {  	[sflag:s22] =	ssyncadd.s32 s4;
	_ =	sdelay $0x1  }
0xa1: {  	s23 =	simm.s32 $0x1B8B  }
0xa2: {  	_ =	swait.ge [sflag:s23], $0x1  }
0xa3: {  	[sflag:s23] =	ssyncset.done $0x0  }
0xa4: {  	s25 =	simm.s32 $0x1B8E;
	s24 =	sld [smem:$0x3FFE];
	[sflag:s23] =	ssyncadd.s32 $0xFFFFFFFF  }
0xa5: {  	s26 =	simm.s32 $execute0_lowered;
	[smem:$0x3FD2] =	sst s25  }
0xa6: {  	s5 =	sshll.u32 s26, $0x1;
	_ =	strace $0x80000046;
	[dreg:$0x1] =	wrdreg $0xFFFFFFFF  }
0xa7: {  	s28 =	simm.s32 $_size_execute0_lowered;
	s3 =	sadd.s32 s3, s5;
	[dreg:$0x0] =	wrdreg $0x0  }
0xa8: {  	s5 =	sshll.u32 s28, $0x1;
	[dreg:$0x2] =	wrdreg s3  }
0xa9: {  	[dreg:$0x3] =	wrdreg s5  }
0xaa: {  	[dreg:$0x4] =	wrdreg $0xC0  }
0xab: {  	_ =	task [dreg:s7], $0x5FFFF  }
0xac: {  	[dreg:$0x1] =	wrdreg $0xFFFFFFFF  }
0xad: {  	[dreg:$0x0] =	wrdreg $0x60  }
0xae: {  	[dreg:$0x2] =	wrdreg s24  }
0xaf: {  	[dreg:$0x3] =	wrdreg s2  }
0xb0: {  	[dreg:$0x4] =	wrdreg $0xBB800  }
0xb1: {  	[dreg:$0x5] =	wrdreg $0x9  }
0xb2: {  	_ =	task.clear_ibuf [dreg:s7], $0x6FFFF;
	_ =	strace $0x90000046  }
0xb3: {  	s29 =	simm.s32 $0x9;
	_ =	strace $0x80000048  }
0xb4: {  	_ =	swait.ge [sflag:s29], $0x1  }
0xb5: {  	[sflag:s29] =	ssyncadd.s32 $0xFFFFFFFF  }
0xb6: {  	_ =	strace $0x90000048  }
0xb7: {  	_ =	sfence  }
0xb8: {  	s30 =	sld [smem:$0x0];
	_ =	sdelay $0x2  }
0xb9: {  	s31 =	sshll.u32 s1, $0xD;
	s1 =	sshrl.u32 s1, $0x2  }
0xba: {  	s3 =	sand.u32 $0x4000, s31;
	s1 =	sadd.s32 s1, s30  }
0xbb: {  	s0 =	sor.u32 s3, s0;
	s1 =	sshll.u32 s1, $0x11  }
0xbc: {  	s0 =	sor.u32 s1, s0  }
0xbd: {  	s0 =	sadd.s32 $0x8F2B, s0  }
0xbe: {  	[sflag:s0] =	ssyncadd.remote.s32 $0x1  }
0xbf: {  	_ =	sfence.sel $0xFFFF  }
0xc0: {  	[dreg:$0x0] =	wrdreg $0xFFFFFFFF;
	(pc) =	sbr.abs _section_cstart, $3  }
0xc1: {  	[dreg:$0x1] =	wrdreg $0xFFFFFFFF  }
0xc2: {  	_ =	task.clear_ibuf [dreg:s7], $0x2FFFF;
	_ =	strace $0x9FFFFFFF  }
0xc3: {  	(tm) =	ssettm $0x7FFFFFFF  }
tec
execute0_lowered:
.L_overlay_start_1:
0x0: {  	(tag) =	ssettag $0x1  }
0x1: {  	s0 =	rddreg [dreg:$0x0]  }
0x2: {  	s2 =	rddreg [dreg:$0x1]  }
0x3: {  	s1 =	rddreg [dreg:$0x2];
	s3 =	srdreg.scid  }
0x4: {  	s4 =	simm.s32 $0x0;
	s26 =	stileid.u32;
	s28 =	simm.s32 $0x2C80  }
0x5: {  	s29 =	simm.s32 $0x7B80;
	s30 =	simm.s32 $0x1;
	s31 =	simm.s32 $0x40  }
0x6: {  	s6 =	sand.u32 $0x1, s3;
	[smem:$0x7FF] =	sst s4;
	s8 =	smul.u32 $0x13C00, s26  }
0x7: {  	s4 =	sadd.s32 $0x200, s0;
	s5 =	sadd.s32 $0x28000, s0;
	s10 =	smul.u32 $0x4F000, s26  }
0x8: {  	s9 =	sadd.s32 $0x27A00, s0;
	s11 =	sadd.s32 $0x27400, s0;
	s19 =	sshll.u32 s26, $0x7  }
0x9: {  	s7 =	smul.u32 $0x13C000, s6;
	_ =	strace $0x80000047;
	[dreg:$0x4] =	wrdreg s9  }
0xa: {  	[dreg:$0x5] =	wrdreg s11;
	s12 =	ssub.s32 $0x2, s6;
	s6 =	sshll.u32 s6, $0x4  }
0xb: {  	s9 =	sand.u32 $0x380, s19;
	s7 =	sadd.s32 s8, s7;
	s8 =	sshrl.u32 s10, $0x2  }
0xc: {  	s11 =	simm.s32 $0x9B80;
	s19 =	simm.s32 $0x0;
	s22 =	sadd.s32 s8, s1  }
0xd: {  	s13 =	sshrl.u32 s12, $0x1;
	s8 =	sadd.s32 $0x2000, s22;
	[dreg:$0x6] =	wrdreg s22  }
0xe: {  	s6 =	sor.u32 s26, s6;
	s14 =	sadd.s32 $0x4000, s22;
	[dreg:$0x7] =	wrdreg s8  }
0xf: {  	s7 =	sshrl.u32 s7, $0x3;
	s15 =	sadd.s32 $0x6000, s22;
	[dreg:$0x8] =	wrdreg s14  }
0x10: {  	s0 =	sadd.s32 s7, s0;
	s16 =	sadd.s32 $0x8000, s22;
	[dreg:$0x9] =	wrdreg s15  }
0x11: {  	s7 =	ssub.s32 s12, s13;
	s17 =	sadd.s32 $0xA000, s22;
	[dreg:$0xa] =	wrdreg s16  }
0x12: {  	s18 =	sadd.s32 $0xC000, s22;
	s20 =	sadd.s32 $0xE000, s22;
	[dreg:$0xb] =	wrdreg s17  }
0x13: {  	s21 =	sadd.s32 $0x10000, s22;
	s24 =	sadd.s32 $0x12000, s22;
	[dreg:$0xc] =	wrdreg s18  }
0x14: {  	s12 =	simm.s32 $0x2;
	s13 =	simm.s32 $0x480;
	[dreg:$0xd] =	wrdreg s20  }
0x15: {  	s14 =	smul.u32 $0x9E00, s6;
	s6 =	sshrl.u32 s6, $0x3;
	[dreg:$0xe] =	wrdreg s21  }
0x16: {  	[dreg:$0x10] =	wrdreg s24;
	s0 =	sadd.s32 $0x4F800, s0;
	s26 =	smax.u32 s7, $0x1  }
0x17: {  	s7 =	simm.s32 $0x280;
	s15 =	simm.s32 $0x380;
	s16 =	simm.s32 $0x3  }
0x18: {  	s17 =	simm.s32 $0x4;
	s6 =	smul.u32 $0x13C00, s6;
	[dreg:$0x12] =	wrdreg s0  }
0x19: {  	[dreg:$0x14] =	wrdreg s26;
	s26 =	simm.s32 $0x5;
	s10 =	sshrl.u32 s14, $0x3  }
0x1a: {  	s0 =	simm.s32 $0x200;
	s21 =	sor.u32 $0x100, s14;
	s23 =	sadd.s32 s5, s10  }
0x1b: {  	s6 =	sor.u32 s9, s6;
	s9 =	simm.s32 $0x100;
	s10 =	simm.s32 $0x300  }
0x1c: {  	[dreg:$0xf] =	wrdreg s23;
	s3 =	sadd.s32 $0x20, s23;
	s6 =	sshrl.u32 s6, $0x3  }
0x1d: {  	[dreg:$0x11] =	wrdreg s3;
	s25 =	sadd.s32 s2, s6;
	s2 =	simm.s32 $0x5400  }
0x1e: {  	v0 =	vimm.f32 $0.0e+00;
	s6 =	simm.s32 $0x400;
	[dreg:$0x13] =	wrdreg s25;
	s25 =	simm.s32 $0x500  }
.LBB2_1:
0x1f: {  	s3 =	simm.s32 $0x0;
	s8 =	rddreg [dreg:$0x4]  }
0x20: {  	[tilespmem:s25], [sflag:$0x5] =	stream.linear.gather [hbm4b:s8+s3], $0x2780, $0x38;
	[tilespmem:$0x1F780] =	vst v63  }
0x21: {  	_ =	swait.ge [sflag:s26], $0x2780  }
0x22: {  	[sflag:s26] =	ssyncset.done $0x0  }
0x23: {  	s18 =	rddreg [dreg:$0x5];
	[sflag:s26] =	ssyncadd.s32 $0xFFFFD880  }
0x24: {  	[tilespmem:s28], [sflag:$0x5] =	stream.linear.gather [hbm4b:s18+s3], $0x2780, $0x38;
	[tilespmem:$0x1F780] =	vst v63  }
0x25: {  	_ =	swait.ge [sflag:s26], $0x2780  }
0x26: {  	s20 =	simm.s32 $0x200;
	[sflag:s26] =	ssyncset.done $0x0  }
0x27: {  	s8 =	simm.s32 $0x0;
	s18 =	simm.s32 $0x0;
	[sflag:s26] =	ssyncadd.s32 $0xFFFFD880  }
.LBB2_2:
0x28: {  	p0 =	sne.s32 s20, $0x7E00;
	[tilespmem:s18+$0x7BF0] =	vst v0  }
0x29: {  	[tilespmem:s18+$0x7B80] =	vst v0  }
0x2a: {  	[tilespmem:s18+$0x7B90] =	vst v0  }
.Ltmp0:
0x2b: {  	[tilespmem:s18+$0x7BA0] =	vst v0;
	(pc) =	sbr.rel @p0 .LBB2_2-.Ltmp0, $4  }
0x2c: {  	[tilespmem:s18+$0x7BB0] =	vst v0  }
0x2d: {  	[tilespmem:s18+$0x7BC0] =	vst v0  }
0x2e: {  	[tilespmem:s18+$0x7BD0] =	vst v0  }
0x2f: {  	[tilespmem:s18+$0x7BE0] =	vst v0;
	s18 =	sshra.s32 s20, $0x2;
	s20 =	sadd.s32 $0x200, s20  }
0x30: {  	[tilespmem:s18+$0x7BF0] =	vst v0  }
0x31: {  	[tilespmem:s18+$0x7B80] =	vst v0  }
0x32: {  	[tilespmem:s18+$0x7B90] =	vst v0  }
0x33: {  	[tilespmem:s18+$0x7BA0] =	vst v0  }
0x34: {  	[tilespmem:s18+$0x7BB0] =	vst v0  }
0x35: {  	[tilespmem:s18+$0x7BC0] =	vst v0  }
0x36: {  	[tilespmem:s18+$0x7BD0] =	vst v0  }
0x37: {  	[tilespmem:s18+$0x7BE0] =	vst v0  }
0x38: {  	[spmem:s22] =	stream.linear.scatter [tilespmem:s29], [sflag:$0x1], $0x2000, $0x38;
	[tilespmem:$0x1F780] =	vst v63  }
0x39: {  	s3 =	rddreg [dreg:$0x7]  }
0x3a: {  	[spmem:s3] =	stream.linear.scatter [tilespmem:s29], [sflag:$0x1], $0x2000, $0x38;
	[tilespmem:$0x1F780] =	vst v63  }
0x3b: {  	s22 =	rddreg [dreg:$0x8]  }
0x3c: {  	[spmem:s22] =	stream.linear.scatter [tilespmem:s29], [sflag:$0x1], $0x2000, $0x38;
	[tilespmem:$0x1F780] =	vst v63  }
0x3d: {  	s23 =	rddreg [dreg:$0x9]  }
0x3e: {  	[spmem:s23] =	stream.linear.scatter [tilespmem:s29], [sflag:$0x1], $0x2000, $0x38;
	[tilespmem:$0x1F780] =	vst v63  }
0x3f: {  	s24 =	rddreg [dreg:$0xa]  }
0x40: {  	[spmem:s24] =	stream.linear.scatter [tilespmem:s29], [sflag:$0x1], $0x2000, $0x38;
	[tilespmem:$0x1F780] =	vst v63  }
0x41: {  	s18 =	rddreg [dreg:$0xb]  }
0x42: {  	[spmem:s18] =	stream.linear.scatter [tilespmem:s29], [sflag:$0x1], $0x2000, $0x38;
	[tilespmem:$0x1F780] =	vst v63  }
0x43: {  	s20 =	rddreg [dreg:$0xc]  }
0x44: {  	[spmem:s20] =	stream.linear.scatter [tilespmem:s29], [sflag:$0x1], $0x2000, $0x38;
	[tilespmem:$0x1F780] =	vst v63  }
0x45: {  	s22 =	rddreg [dreg:$0xd]  }
0x46: {  	[spmem:s22] =	stream.linear.scatter [tilespmem:s29], [sflag:$0x1], $0x2000, $0x38;
	[tilespmem:$0x1F780] =	vst v63  }
0x47: {  	s23 =	rddreg [dreg:$0xe]  }
0x48: {  	[spmem:s23] =	stream.linear.scatter [tilespmem:s29], [sflag:$0x1], $0x2000, $0x38;
	[tilespmem:$0x1F780] =	vst v63  }
0x49: {  	s24 =	rddreg [dreg:$0x10];
	s18 =	simm.s32 $0x40;
	s20 =	simm.s32 $0x0  }
0x4a: {  	[spmem:s24] =	stream.linear.scatter [tilespmem:s29], [sflag:$0x1], $0x1C00, $0x38;
	[tilespmem:$0x1F780] =	vst v63  }
.LBB2_4:
0x4b: {  	p0 =	sne.s32 s18, $0x9C40;
	[tilespmem:s20+$0x5400] =	vst v0;
	s20 =	smov.u32 s18;
	s18 =	sadd.s32 $0x40, s18  }
.Ltmp1:
0x4c: {  	(pc) =	sbr.rel @p0 .LBB2_4-.Ltmp1, $2  }
0x4d: {  	_ =	sdelay $0x2  }
0x4e: {  	s20 =	sshra.s32 s20, $0x2  }
0x4f: {  	[tilespmem:s20+$0x5400] =	vst v0  }
0x50: {  	_ =	swait.ge [sflag:s30], $0x2000  }
0x51: {  	[sflag:s30] =	ssyncset.done $0x0  }
0x52: {  	[sflag:s30] =	ssyncadd.s32 $0xFFFFE000  }
0x53: {  	_ =	swait.ge [sflag:s30], $0x2000  }
0x54: {  	[sflag:s30] =	ssyncset.done $0x0  }
0x55: {  	[sflag:s30] =	ssyncadd.s32 $0xFFFFE000  }
0x56: {  	_ =	swait.ge [sflag:s30], $0x2000  }
0x57: {  	[sflag:s30] =	ssyncset.done $0x0  }
0x58: {  	[sflag:s30] =	ssyncadd.s32 $0xFFFFE000  }
0x59: {  	_ =	swait.ge [sflag:s30], $0x2000  }
0x5a: {  	[sflag:s30] =	ssyncset.done $0x0  }
0x5b: {  	[sflag:s30] =	ssyncadd.s32 $0xFFFFE000  }
0x5c: {  	_ =	swait.ge [sflag:s30], $0x2000  }
0x5d: {  	[sflag:s30] =	ssyncset.done $0x0  }
0x5e: {  	[sflag:s30] =	ssyncadd.s32 $0xFFFFE000  }
0x5f: {  	_ =	swait.ge [sflag:s30], $0x2000  }
0x60: {  	[sflag:s30] =	ssyncset.done $0x0  }
0x61: {  	[sflag:s30] =	ssyncadd.s32 $0xFFFFE000  }
0x62: {  	_ =	swait.ge [sflag:s30], $0x2000  }
0x63: {  	[sflag:s30] =	ssyncset.done $0x0  }
0x64: {  	[sflag:s30] =	ssyncadd.s32 $0xFFFFE000  }
0x65: {  	_ =	swait.ge [sflag:s30], $0x2000  }
0x66: {  	[sflag:s30] =	ssyncset.done $0x0  }
0x67: {  	[sflag:s30] =	ssyncadd.s32 $0xFFFFE000  }
0x68: {  	_ =	swait.ge [sflag:s30], $0x2000  }
0x69: {  	[sflag:s30] =	ssyncset.done $0x0  }
0x6a: {  	[sflag:s30] =	ssyncadd.s32 $0xFFFFE000  }
0x6b: {  	_ =	swait.ge [sflag:s30], $0x1C00  }
0x6c: {  	[sflag:s30] =	ssyncset.done $0x0  }
0x6d: {  	[sflag:s30] =	ssyncadd.s32 $0xFFFFE400  }
0x6e: {  	[bflag:$0x0] =	sbarrier.arrive $0xFFFF  }
0x6f: {  	s20 =	simm.s32 $0x0;
	s3 =	rddreg [dreg:$0xf]  }
0x70: {  	[tilespmem:s20], [sflag:$0x5] =	stream.linear.gather [hbm4b:s3+s20], $0x100, $0x38;
	[tilespmem:$0x1F780] =	vst v63  }
0x71: {  	_ =	swait.ge [sflag:s26], $0x100  }
0x72: {  	[sflag:s26] =	ssyncset.done $0x0  }
0x73: {  	[sflag:s26] =	ssyncadd.s32 $0xFFFFFF00  }
0x74: {  	v1 =	vld [tilespmem:$0x0]  }
0x75: {  	v2 =	vld [tilespmem:$0x80]  }
0x76: {  	v3 =	vld [tilespmem:$0x10]  }
0x77: {  	v4 =	vld [tilespmem:$0x90]  }
0x78: {  	v5 =	vld [tilespmem:$0x20]  }
0x79: {  	[tilespmem:$0x200] =	vst v1;
	v1 =	vld [tilespmem:$0xA0]  }
0x7a: {  	[tilespmem:$0x280] =	vst v2;
	v2 =	vld [tilespmem:$0x30]  }
0x7b: {  	[tilespmem:$0x210] =	vst v3;
	v3 =	vld [tilespmem:$0xB0]  }
0x7c: {  	[tilespmem:$0x290] =	vst v4  }
0x7d: {  	[tilespmem:$0x220] =	vst v5  }
0x7e: {  	[tilespmem:$0x2A0] =	vst v1  }
0x7f: {  	[tilespmem:$0x230] =	vst v2  }
0x80: {  	[tilespmem:$0x2B0] =	vst v3  }
0x81: {  	[tilespmem:s29], [sflag:$0x1] =	stream.indirect.gather [hbm4b:s4+s31], $0x80, s0, s31, $0xb8;
	[tilespmem:$0x1F780] =	vst v63  }
0x82: {  	v1 =	vld [tilespmem:$0x200]  }
0x83: {  	v2 =	vld [tilespmem:$0x280];
	_ =	sdelay $0x6  }
0x84: {  	v1 =	vld.idx.msk [tilespmem:v1+s25+$0x0], $0xffff  }
0x85: {  	v3 =	vld.idx.msk [tilespmem:v2+s28+$0x0], $0xffff;
	_ =	sdelay $0x4  }
0x86: {  	v1 =	vadd.f32 v3, v1;
	_ =	sdelay $0x1  }
0x87: {  	v3 =	vmul.f32 $2.000000030e-01, v1  }
0x88: {  	vm0 =	vgt.f32 v1, $0.0e+00  }
0x89: {  	v1 =	vsel vm0, v1, v3  }
0x8a: {  	v1 =	vmul.f32 $1.442695020e+00, v1;
	_ =	sdelay $0x1  }
0x8b: {  	(erf) = vpow2.f32 v1;
	_ =	sdelay $0x8  }
0x8c: {  	v1 =	vpop (erf)  }
0x8d: {  	[tilespmem:$0x400] =	vst v1  }
0x8e: {  	[tilespmem:v2+s2+$0x0] =	vst.idx.add.f32.msk $0xffff, v1  }
0x8f: {  	v1 =	vld [tilespmem:$0x210]  }
0x90: {  	v2 =	vld [tilespmem:$0x290];
	_ =	sdelay $0x6  }
0x91: {  	v1 =	vld.idx.msk [tilespmem:v1+s25+$0x0], $0xffff  }
0x92: {  	v3 =	vld.idx.msk [tilespmem:v2+s28+$0x0], $0xffff;
	_ =	sdelay $0x4  }
0x93: {  	v1 =	vadd.f32 v3, v1;
	_ =	sdelay $0x1  }
0x94: {  	v3 =	vmul.f32 $2.000000030e-01, v1  }
0x95: {  	vm13 =	vgt.f32 v1, $0.0e+00  }
0x96: {  	v1 =	vsel vm13, v1, v3  }
0x97: {  	v1 =	vmul.f32 $1.442695020e+00, v1;
	_ =	sdelay $0x1  }
0x98: {  	(erf) = vpow2.f32 v1;
	_ =	sdelay $0x8  }
0x99: {  	v1 =	vpop (erf)  }
0x9a: {  	[tilespmem:$0x410] =	vst v1  }
0x9b: {  	[tilespmem:v2+s2+$0x0] =	vst.idx.add.f32.msk $0xffff, v1  }
0x9c: {  	v1 =	vld [tilespmem:$0x220]  }
0x9d: {  	v2 =	vld [tilespmem:$0x2A0];
	_ =	sdelay $0x6  }
0x9e: {  	v1 =	vld.idx.msk [tilespmem:v1+s25+$0x0], $0xffff  }
0x9f: {  	v3 =	vld.idx.msk [tilespmem:v2+s28+$0x0], $0xffff;
	_ =	sdelay $0x4  }
0xa0: {  	v1 =	vadd.f32 v3, v1;
	_ =	sdelay $0x1  }
0xa1: {  	v3 =	vmul.f32 $2.000000030e-01, v1  }
0xa2: {  	vm14 =	vgt.f32 v1, $0.0e+00  }
0xa3: {  	v1 =	vsel vm14, v1, v3  }
0xa4: {  	v1 =	vmul.f32 $1.442695020e+00, v1;
	_ =	sdelay $0x1  }
0xa5: {  	(erf) = vpow2.f32 v1;
	_ =	sdelay $0x8  }
0xa6: {  	v1 =	vpop (erf)  }
0xa7: {  	[tilespmem:$0x420] =	vst v1  }
0xa8: {  	[tilespmem:v2+s2+$0x0] =	vst.idx.add.f32.msk $0xffff, v1  }
0xa9: {  	v1 =	vld [tilespmem:$0x230]  }
0xaa: {  	v2 =	vld [tilespmem:$0x2B0];
	_ =	sdelay $0x6  }
0xab: {  	v1 =	vld.idx.msk [tilespmem:v1+s25+$0x0], $0xffff  }
0xac: {  	v3 =	vld.idx.msk [tilespmem:v2+s28+$0x0], $0xffff;
	_ =	sdelay $0x4  }
0xad: {  	v1 =	vadd.f32 v3, v1;
	_ =	sdelay $0x1  }
0xae: {  	v3 =	vmul.f32 $2.000000030e-01, v1  }
0xaf: {  	vm15 =	vgt.f32 v1, $0.0e+00  }
0xb0: {  	v1 =	vsel vm15, v1, v3  }
0xb1: {  	v1 =	vmul.f32 $1.442695020e+00, v1;
	_ =	sdelay $0x1  }
0xb2: {  	(erf) = vpow2.f32 v1;
	_ =	sdelay $0x7  }
0xb3: {  	v1 =	vmov s20  }
0xb4: {  	v1 =	vand.u32 $0xFFFFFFFC, v1;
	v3 =	vpop (erf)  }
0xb5: {  	v1 =	vbroadcast v1, $0x0;
	[tilespmem:$0x430] =	vst v3  }
0xb6: {  	[tilespmem:v2+s2+$0x0] =	vst.idx.add.f32.msk $0xffff, v3  }
0xb7: {  	_ =	swait.ge [sflag:s30], $0x2000  }
0xb8: {  	[sflag:s30] =	ssyncset.done $0x0  }
0xb9: {  	s22 =	simm.s32 $0x7C80;
	[sflag:s30] =	ssyncadd.s32 $0xFFFFE000  }
0xba: {  	v2 =	vld [tilespmem:s22+$0xFFFFFF70]  }
0xbb: {  	v1 =	vld.idx.msk [tilespmem:v1+s6+$0x0], $0xffff  }
0xbc: {  	v3 =	vld [tilespmem:s22+$0xFFFFFF00]  }
0xbd: {  	v4 =	vld [tilespmem:s22+$0xFFFFFF20]  }
0xbe: {  	v5 =	vld [tilespmem:s22+$0xFFFFFF50]  }
0xbf: {  	v6 =	vld [tilespmem:s22+$0xFFFFFF40]  }
0xc0: {  	v7 =	vld [tilespmem:s22+$0xFFFFFF60];
	v2 =	vmul.f32 v2, v1  }
0xc1: {  	s18 =	simm.s32 $0x1;
	v8 =	vld [tilespmem:s22+$0xFFFFFF30];
	v3 =	vmul.f32 v3, v1  }
0xc2: {  	v9 =	vld [tilespmem:s22+$0xFFFFFF10];
	v4 =	vmul.f32 v4, v1;
	[tilespmem:s22+$0xFFFFFF70] =	vst v2;
	v2 =	vmov s18  }
0xc3: {  	v5 =	vmul.f32 v5, v1;
	[tilespmem:s22+$0xFFFFFF00] =	vst v3;
	v2 =	vand.u32 $0xFFFFFFFD, v2  }
0xc4: {  	v3 =	vmul.f32 v6, v1;
	[tilespmem:s22+$0xFFFFFF20] =	vst v4;
	v2 =	vbroadcast v2, $0x0  }
0xc5: {  	v4 =	vmul.f32 v7, v1;
	[tilespmem:s22+$0xFFFFFF50] =	vst v5  }
0xc6: {  	v5 =	vmul.f32 v8, v1;
	[tilespmem:s22+$0xFFFFFF40] =	vst v3  }
0xc7: {  	v1 =	vmul.f32 v9, v1;
	[tilespmem:s22+$0xFFFFFF60] =	vst v4  }
0xc8: {  	[tilespmem:s22+$0xFFFFFF30] =	vst v5  }
0xc9: {  	[tilespmem:s22+$0xFFFFFF10] =	vst v1;
	v1 =	vld [tilespmem:s22+$0xFFFFFF90]  }
0xca: {  	v3 =	vld.idx.msk [tilespmem:v2+s6+$0x0], $0xffff  }
0xcb: {  	v2 =	vld [tilespmem:s22+$0xFFFFFFA0]  }
0xcc: {  	v4 =	vld [tilespmem:s22+$0xFFFFFF80]  }
0xcd: {  	v5 =	vld [tilespmem:s22+$0xFFFFFFB0]  }
0xce: {  	v6 =	vld [tilespmem:s22+$0xFFFFFFC0]  }
0xcf: {  	v7 =	vld [tilespmem:s22+$0xFFFFFFD0];
	v1 =	vmul.f32 v1, v3  }
0xd0: {  	s24 =	simm.s32 $0x2;
	v8 =	vld [tilespmem:s22+$0xFFFFFFF0];
	v2 =	vmul.f32 v2, v3  }
0xd1: {  	v63 =	vld [tilespmem:s22+$0xFFFFFFE0];
	v4 =	vmul.f32 v4, v3;
	[tilespmem:s22+$0xFFFFFF90] =	vst v1;
	v1 =	vmov s24  }
0xd2: {  	v5 =	vmul.f32 v5, v3;
	[tilespmem:s22+$0xFFFFFFA0] =	vst v2;
	v1 =	vand.u32 $0xFFFFFFFE, v1  }
0xd3: {  	v2 =	vmul.f32 v6, v3;
	[tilespmem:s22+$0xFFFFFF80] =	vst v4;
	v6 =	vld [tilespmem:s22+$0x60];
	v10 =	vbroadcast v1, $0x0  }
0xd4: {  	v4 =	vmul.f32 v7, v3;
	[tilespmem:s22+$0xFFFFFFB0] =	vst v5;
	v7 =	vld [tilespmem:s22+$0x0]  }
0xd5: {  	v5 =	vmul.f32 v8, v3;
	v1 =	vld [tilespmem:s22+$0x20];
	[tilespmem:s22+$0xFFFFFFC0] =	vst v2  }
0xd6: {  	v3 =	vmul.f32 v63, v3;
	v2 =	vld [tilespmem:s22+$0x30];
	[tilespmem:s22+$0xFFFFFFD0] =	vst v4  }
0xd7: {  	[tilespmem:s22+$0xFFFFFFF0] =	vst v5;
	v4 =	vld [tilespmem:s22+$0x40]  }
0xd8: {  	[tilespmem:s22+$0xFFFFFFE0] =	vst v3;
	v5 =	vld [tilespmem:s22+$0x10]  }
0xd9: {  	s23 =	simm.s32 $0x4;
	s24 =	simm.s32 $0x7C80;
	v3 =	vld.idx.msk [tilespmem:v10+s6+$0x0], $0xffff  }
.LBB2_6:
0xda: {  	p0 =	slt.u32 s23, $0x3C  }
0xdb: {  	v8 =	vld [tilespmem:s22+$0x50];
	s24 =	sadd.s32 $0x200, s24;
	s18 =	smov.u32 s23;
	s23 =	sadd.s32 $0x4, s23  }
0xdc: {  	v9 =	vld [tilespmem:s22+$0x70];
	_ =	sdelay $0x1  }
0xdd: {  	v6 =	vmul.f32 v6, v3;
	v7 =	vmul.f32 v7, v3  }
0xde: {  	v4 =	vmul.f32 v4, v3;
	v5 =	vmul.f32 v5, v3  }
0xdf: {  	v1 =	vmul.f32 v1, v3;
	v2 =	vmul.f32 v2, v3;
	[tilespmem:s22+$0x60] =	vst v6  }
0xe0: {  	[tilespmem:s22+$0x40] =	vst v4;
	v4 =	vmul.f32 v8, v3;
	v3 =	vmul.f32 v9, v3  }
0xe1: {  	s3 =	sadd.s32 $0x3, s20;
	s20 =	smov.u32 s18;
	[tilespmem:s22+$0x20] =	vst v1;
	v6 =	vld [tilespmem:s22+$0x80]  }
0xe2: {  	v1 =	vld [tilespmem:s24+$0x20];
	[tilespmem:s22+$0x0] =	vst v7;
	v7 =	vmov s3  }
0xe3: {  	[tilespmem:s22+$0x50] =	vst v4;
	v4 =	vld [tilespmem:s22+$0xE0]  }
0xe4: {  	[tilespmem:s22+$0x30] =	vst v2;
	v8 =	vld [tilespmem:s22+$0xC0]  }
0xe5: {  	v2 =	vld [tilespmem:s24+$0x30];
	[tilespmem:s22+$0x10] =	vst v5  }
0xe6: {  	[tilespmem:s22+$0x70] =	vst v3;
	v3 =	vld [tilespmem:s22+$0xA0]  }
0xe7: {  	v5 =	vld.idx.msk [tilespmem:v7+s6+$0x0], $0xffff  }
0xe8: {  	v7 =	vld [tilespmem:s22+$0x90]  }
0xe9: {  	v9 =	vld [tilespmem:s22+$0xB0]  }
0xea: {  	v10 =	vld [tilespmem:s22+$0xD0]  }
0xeb: {  	v11 =	vld [tilespmem:s22+$0xF0];
	_ =	sdelay $0x1  }
0xec: {  	v6 =	vmul.f32 v6, v5;
	v7 =	vmul.f32 v7, v5  }
0xed: {  	v3 =	vmul.f32 v3, v5;
	v9 =	vmul.f32 v9, v5  }
0xee: {  	v12 =	vmov s20;
	[tilespmem:s22+$0x80] =	vst v6;
	v6 =	vmul.f32 v8, v5;
	v8 =	vmul.f32 v10, v5  }
0xef: {  	v10 =	vand.u32 $0xFFFFFFFC, v12;
	[tilespmem:s22+$0xA0] =	vst v3;
	v3 =	vmul.f32 v4, v5;
	v4 =	vmul.f32 v11, v5  }
0xf0: {  	v5 =	vbroadcast v10, $0x0;
	[tilespmem:s22+$0xC0] =	vst v6  }
0xf1: {  	[tilespmem:s22+$0xF0] =	vst v4  }
0xf2: {  	v4 =	vld [tilespmem:s24+$0xFFFFFF40];
	[tilespmem:s22+$0xE0] =	vst v3  }
0xf3: {  	v3 =	vld [tilespmem:s24+$0xFFFFFF50];
	[tilespmem:s22+$0x90] =	vst v7  }
0xf4: {  	v6 =	vld [tilespmem:s24+$0xFFFFFF60];
	[tilespmem:s22+$0xB0] =	vst v9  }
0xf5: {  	v7 =	vld [tilespmem:s24+$0xFFFFFF70];
	[tilespmem:s22+$0xD0] =	vst v8;
	s22 =	smov.u32 s24  }
0xf6: {  	v5 =	vld.idx.msk [tilespmem:v5+s6+$0x0], $0xffff  }
0xf7: {  	v8 =	vld [tilespmem:s24+$0xFFFFFF00]  }
0xf8: {  	v9 =	vld [tilespmem:s24+$0xFFFFFF20]  }
0xf9: {  	v10 =	vld [tilespmem:s24+$0xFFFFFF10]  }
0xfa: {  	v11 =	vld [tilespmem:s24+$0xFFFFFF30];
	_ =	sdelay $0x1  }
0xfb: {  	v7 =	vmul.f32 v7, v5;
	v8 =	vmul.f32 v8, v5  }
0xfc: {  	s3 =	sadd.s32 $0x1, s20;
	v6 =	vmul.f32 v6, v5;
	v9 =	vmul.f32 v9, v5  }
0xfd: {  	v3 =	vmul.f32 v3, v5;
	v10 =	vmul.f32 v10, v5;
	[tilespmem:s24+$0xFFFFFF70] =	vst v7;
	v7 =	vmov s3  }
0xfe: {  	v4 =	vmul.f32 v4, v5;
	[tilespmem:s24+$0xFFFFFF00] =	vst v8;
	v8 =	vmul.f32 v11, v5;
	v5 =	vand.u32 $0xFFFFFFFD, v7  }
0xff: {  	[tilespmem:s24+$0xFFFFFF20] =	vst v9;
	v5 =	vbroadcast v5, $0x0  }
0x100: {  	[tilespmem:s24+$0xFFFFFF50] =	vst v3  }
0x101: {  	[tilespmem:s24+$0xFFFFFF40] =	vst v4;
	v3 =	vld [tilespmem:s24+$0xFFFFFFF0]  }
0x102: {  	[tilespmem:s24+$0xFFFFFF60] =	vst v6;
	v4 =	vld [tilespmem:s24+$0xFFFFFFC0]  }
0x103: {  	[tilespmem:s24+$0xFFFFFF30] =	vst v8;
	v6 =	vld [tilespmem:s24+$0xFFFFFFD0]  }
0x104: {  	[tilespmem:s24+$0xFFFFFF10] =	vst v10;
	v7 =	vld [tilespmem:s24+$0xFFFFFF90]  }
0x105: {  	v5 =	vld.idx.msk [tilespmem:v5+s6+$0x0], $0xffff  }
0x106: {  	v8 =	vld [tilespmem:s24+$0xFFFFFF80]  }
0x107: {  	v9 =	vld [tilespmem:s24+$0xFFFFFFA0]  }
0x108: {  	v10 =	vld [tilespmem:s24+$0xFFFFFFB0]  }
0x109: {  	v11 =	vld [tilespmem:s24+$0xFFFFFFE0];
	_ =	sdelay $0x1  }
0x10a: {  	v7 =	vmul.f32 v7, v5;
	v8 =	vmul.f32 v8, v5  }
0x10b: {  	s3 =	sadd.s32 $0x2, s20;
	v6 =	vmul.f32 v6, v5;
	v9 =	vmul.f32 v9, v5  }
0x10c: {  	v4 =	vmul.f32 v4, v5;
	[tilespmem:s24+$0xFFFFFF90] =	vst v7;
	v7 =	vmul.f32 v10, v5;
	v10 =	vmov s3  }
0x10d: {  	v3 =	vmul.f32 v3, v5;
	[tilespmem:s24+$0xFFFFFFA0] =	vst v9;
	v9 =	vmul.f32 v11, v5;
	v5 =	vand.u32 $0xFFFFFFFE, v10  }
0x10e: {  	[tilespmem:s24+$0xFFFFFF80] =	vst v8;
	v5 =	vbroadcast v5, $0x0  }
0x10f: {  	[tilespmem:s24+$0xFFFFFFB0] =	vst v7  }
0x110: {  	[tilespmem:s24+$0xFFFFFFC0] =	vst v4  }
0x111: {  	[tilespmem:s24+$0xFFFFFFD0] =	vst v6  }
.Ltmp2:
0x112: {  	[tilespmem:s24+$0xFFFFFFF0] =	vst v3;
	v4 =	vld [tilespmem:s24+$0x40];
	(pc) =	sbr.rel @p0 .LBB2_6-.Ltmp2, $4  }
0x113: {  	[tilespmem:s24+$0xFFFFFFE0] =	vst v9;
	v6 =	vld [tilespmem:s24+$0x60]  }
0x114: {  	v3 =	vld.idx.msk [tilespmem:v5+s6+$0x0], $0xffff  }
0x115: {  	v7 =	vld [tilespmem:s24+$0x0]  }
0x116: {  	v5 =	vld [tilespmem:s24+$0x10]  }
0x117: {  	_ =	sdelay $0x1  }
0x118: {  	v6 =	vmul.f32 v6, v3  }
0x119: {  	v8 =	vld [tilespmem:s22+$0x50];
	v4 =	vmul.f32 v4, v3  }
0x11a: {  	v9 =	vld [tilespmem:s22+$0x70];
	v1 =	vmul.f32 v1, v3;
	[tilespmem:s22+$0x60] =	vst v6  }
0x11b: {  	v52 =	vmul.f32 v7, v3;
	[tilespmem:s22+$0x40] =	vst v4  }
0x11c: {  	s3 =	sadd.s32 $0x3, s20;
	[tilespmem:s22+$0x20] =	vst v1;
	v1 =	vmul.f32 v2, v3  }
0x11d: {  	v54 =	vmov s3;
	v5 =	vmul.f32 v5, v3;
	[tilespmem:s22+$0x0] =	vst v52  }
0x11e: {  	v53 =	vmul.f32 v8, v3;
	[tilespmem:s22+$0x30] =	vst v1  }
0x11f: {  	v3 =	vmul.f32 v9, v3;
	[tilespmem:s22+$0x10] =	vst v5  }
0x120: {  	[tilespmem:s22+$0x50] =	vst v53  }
0x121: {  	v2 =	vld [tilespmem:s22+$0x80];
	[tilespmem:s22+$0x70] =	vst v3  }
0x122: {  	v1 =	vld.idx.msk [tilespmem:v54+s6+$0x0], $0xffff  }
0x123: {  	v3 =	vld [tilespmem:s22+$0xA0]  }
0x124: {  	v57 =	vld [tilespmem:s22+$0xE0]  }
0x125: {  	v55 =	vld [tilespmem:s22+$0xC0]  }
0x126: {  	v56 =	vld [tilespmem:s22+$0xF0]  }
0x127: {  	v58 =	vld [tilespmem:s22+$0x90];
	v2 =	vmul.f32 v2, v1  }
0x128: {  	v59 =	vld [tilespmem:s22+$0xB0];
	v3 =	vmul.f32 v3, v1  }
0x129: {  	v60 =	vld [tilespmem:s22+$0xD0];
	v61 =	vmul.f32 v57, v1;
	[tilespmem:s22+$0x80] =	vst v2  }
0x12a: {  	v2 =	vmul.f32 v55, v1;
	[tilespmem:s22+$0xA0] =	vst v3  }
0x12b: {  	v3 =	vmul.f32 v56, v1;
	[tilespmem:s22+$0xE0] =	vst v61  }
0x12c: {  	[tilespmem:s22+$0xC0] =	vst v2;
	v2 =	vmul.f32 v58, v1  }
0x12d: {  	[tilespmem:s22+$0xF0] =	vst v3;
	v3 =	vmul.f32 v59, v1  }
0x12e: {  	v1 =	vmul.f32 v60, v1;
	[tilespmem:s22+$0x90] =	vst v2  }
0x12f: {  	[tilespmem:s22+$0xB0] =	vst v3  }
0x130: {  	[tilespmem:s22+$0xD0] =	vst v1  }
0x131: {  	[spmem:s1] =	stream.indirect.scatter.add.f32 [tilespmem:s29], [sflag:$0x3], $0x80, s7, s31, $0xb8;
	[tilespmem:$0x1F780] =	vst v63  }
0x132: {  	s24 =	rddreg [dreg:$0x11]  }
0x133: {  	[tilespmem:s9], [sflag:$0x5] =	stream.linear.gather [hbm4b:s24+s8], $0x100, $0x38;
	[tilespmem:$0x1F780] =	vst v63  }
0x134: {  	_ =	swait.ge [sflag:s26], $0x100  }
0x135: {  	[sflag:s26] =	ssyncset.done $0x0  }
0x136: {  	[sflag:s26] =	ssyncadd.s32 $0xFFFFFF00  }
0x137: {  	v1 =	vld [tilespmem:$0x100]  }
0x138: {  	v2 =	vld [tilespmem:$0x180]  }
0x139: {  	v3 =	vld [tilespmem:$0x110]  }
0x13a: {  	v62 =	vld [tilespmem:$0x190]  }
0x13b: {  	v63 =	vld [tilespmem:$0x120]  }
0x13c: {  	[tilespmem:$0x300] =	vst v1;
	v1 =	vld [tilespmem:$0x1A0]  }
0x13d: {  	[tilespmem:$0x380] =	vst v2;
	v2 =	vld [tilespmem:$0x130]  }
0x13e: {  	[tilespmem:$0x310] =	vst v3;
	v3 =	vld [tilespmem:$0x1B0]  }
0x13f: {  	[tilespmem:$0x390] =	vst v62  }
0x140: {  	[tilespmem:$0x320] =	vst v63  }
0x141: {  	[tilespmem:$0x3A0] =	vst v1  }
0x142: {  	[tilespmem:$0x330] =	vst v2  }
0x143: {  	[tilespmem:$0x3B0] =	vst v3  }
0x144: {  	[tilespmem:s11], [sflag:$0x2] =	stream.indirect.gather [hbm4b:s4+s31], $0x80, s10, s31, $0xb8;
	[tilespmem:$0x1F780] =	vst v63  }
0x145: {  	v1 =	vld [tilespmem:$0x300]  }
0x146: {  	v2 =	vld [tilespmem:$0x380];
	_ =	sdelay $0x6  }
0x147: {  	v1 =	vld.idx.msk [tilespmem:v1+s25+$0x0], $0xffff  }
0x148: {  	v3 =	vld.idx.msk [tilespmem:v2+s28+$0x0], $0xffff;
	_ =	sdelay $0x4  }
0x149: {  	v1 =	vadd.f32 v3, v1;
	_ =	sdelay $0x1  }
0x14a: {  	v3 =	vmul.f32 $2.000000030e-01, v1  }
0x14b: {  	vm0 =	vgt.f32 v1, $0.0e+00  }
0x14c: {  	v1 =	vsel vm0, v1, v3  }
0x14d: {  	v1 =	vmul.f32 $1.442695020e+00, v1;
	_ =	sdelay $0x1  }
0x14e: {  	(erf) = vpow2.f32 v1;
	_ =	sdelay $0x8  }
0x14f: {  	v1 =	vpop (erf)  }
0x150: {  	[tilespmem:$0x480] =	vst v1  }
0x151: {  	[tilespmem:v2+s2+$0x0] =	vst.idx.add.f32.msk $0xffff, v1  }
0x152: {  	v1 =	vld [tilespmem:$0x310]  }
0x153: {  	v2 =	vld [tilespmem:$0x390];
	_ =	sdelay $0x6  }
0x154: {  	v1 =	vld.idx.msk [tilespmem:v1+s25+$0x0], $0xffff  }
0x155: {  	v3 =	vld.idx.msk [tilespmem:v2+s28+$0x0], $0xffff;
	_ =	sdelay $0x4  }
0x156: {  	v1 =	vadd.f32 v3, v1;
	_ =	sdelay $0x1  }
0x157: {  	v3 =	vmul.f32 $2.000000030e-01, v1  }
0x158: {  	vm13 =	vgt.f32 v1, $0.0e+00  }
0x159: {  	v1 =	vsel vm13, v1, v3  }
0x15a: {  	v1 =	vmul.f32 $1.442695020e+00, v1;
	_ =	sdelay $0x1  }
0x15b: {  	(erf) = vpow2.f32 v1;
	_ =	sdelay $0x8  }
0x15c: {  	v1 =	vpop (erf)  }
0x15d: {  	[tilespmem:$0x490] =	vst v1  }
0x15e: {  	[tilespmem:v2+s2+$0x0] =	vst.idx.add.f32.msk $0xffff, v1  }
0x15f: {  	v1 =	vld [tilespmem:$0x320]  }
0x160: {  	v2 =	vld [tilespmem:$0x3A0];
	_ =	sdelay $0x6  }
0x161: {  	v1 =	vld.idx.msk [tilespmem:v1+s25+$0x0], $0xffff  }
0x162: {  	v3 =	vld.idx.msk [tilespmem:v2+s28+$0x0], $0xffff;
	_ =	sdelay $0x4  }
0x163: {  	v1 =	vadd.f32 v3, v1;
	_ =	sdelay $0x1  }
0x164: {  	v3 =	vmul.f32 $2.000000030e-01, v1  }
0x165: {  	vm14 =	vgt.f32 v1, $0.0e+00  }
0x166: {  	v1 =	vsel vm14, v1, v3  }
0x167: {  	v1 =	vmul.f32 $1.442695020e+00, v1;
	_ =	sdelay $0x1  }
0x168: {  	(erf) = vpow2.f32 v1;
	_ =	sdelay $0x8  }
0x169: {  	v1 =	vpop (erf)  }
0x16a: {  	[tilespmem:$0x4A0] =	vst v1  }
0x16b: {  	[tilespmem:v2+s2+$0x0] =	vst.idx.add.f32.msk $0xffff, v1  }
0x16c: {  	v1 =	vld [tilespmem:$0x330]  }
0x16d: {  	v2 =	vld [tilespmem:$0x3B0];
	_ =	sdelay $0x6  }
0x16e: {  	v1 =	vld.idx.msk [tilespmem:v1+s25+$0x0], $0xffff  }
0x16f: {  	v3 =	vld.idx.msk [tilespmem:v2+s28+$0x0], $0xffff;
	_ =	sdelay $0x4  }
0x170: {  	v1 =	vadd.f32 v3, v1;
	_ =	sdelay $0x1  }
0x171: {  	v3 =	vmul.f32 $2.000000030e-01, v1  }
0x172: {  	vm15 =	vgt.f32 v1, $0.0e+00  }
0x173: {  	v1 =	vsel vm15, v1, v3  }
0x174: {  	v1 =	vmul.f32 $1.442695020e+00, v1;
	_ =	sdelay $0x1  }
0x175: {  	(erf) = vpow2.f32 v1;
	_ =	sdelay $0x8  }
0x176: {  	v1 =	vpop (erf)  }
0x177: {  	[tilespmem:$0x4B0] =	vst v1  }
0x178: {  	s20 =	simm.s32 $0x1;
	[tilespmem:v2+s2+$0x0] =	vst.idx.add.f32.msk $0xffff, v1  }
.LBB2_8:
0x179: {  	s23 =	simm.s32 $0x0  }
0x17a: {  	v1 =	vmov s23  }
0x17b: {  	v1 =	vand.u32 $0xFFFFFFFC, v1  }
0x17c: {  	v1 =	vbroadcast v1, $0x0;
	_ =	sdelay $0x1  }
0x17d: {  	_ =	swait.ge [sflag:s12], $0x2000  }
0x17e: {  	[sflag:s12] =	ssyncset.done $0x0  }
0x17f: {  	s22 =	simm.s32 $0x9C80;
	[sflag:s12] =	ssyncadd.s32 $0xFFFFE000  }
0x180: {  	v2 =	vld [tilespmem:s22+$0xFFFFFF70]  }
0x181: {  	v1 =	vld.idx.msk [tilespmem:v1+s13+$0x0], $0xffff  }
0x182: {  	v3 =	vld [tilespmem:s22+$0xFFFFFF00]  }
0x183: {  	v4 =	vld [tilespmem:s22+$0xFFFFFF20]  }
0x184: {  	v5 =	vld [tilespmem:s22+$0xFFFFFF50]  }
0x185: {  	v6 =	vld [tilespmem:s22+$0xFFFFFF40]  }
0x186: {  	v7 =	vld [tilespmem:s22+$0xFFFFFF60];
	v2 =	vmul.f32 v2, v1  }
0x187: {  	s3 =	simm.s32 $0x1;
	v8 =	vld [tilespmem:s22+$0xFFFFFF30];
	v3 =	vmul.f32 v3, v1  }
0x188: {  	v9 =	vld [tilespmem:s22+$0xFFFFFF10];
	v4 =	vmul.f32 v4, v1;
	[tilespmem:s22+$0xFFFFFF70] =	vst v2;
	v2 =	vmov s3  }
0x189: {  	v5 =	vmul.f32 v5, v1;
	[tilespmem:s22+$0xFFFFFF00] =	vst v3;
	v2 =	vand.u32 $0xFFFFFFFD, v2  }
0x18a: {  	v3 =	vmul.f32 v6, v1;
	[tilespmem:s22+$0xFFFFFF20] =	vst v4;
	v2 =	vbroadcast v2, $0x0  }
0x18b: {  	v4 =	vmul.f32 v7, v1;
	[tilespmem:s22+$0xFFFFFF50] =	vst v5  }
0x18c: {  	v5 =	vmul.f32 v8, v1;
	[tilespmem:s22+$0xFFFFFF40] =	vst v3  }
0x18d: {  	v1 =	vmul.f32 v9, v1;
	[tilespmem:s22+$0xFFFFFF60] =	vst v4  }
0x18e: {  	[tilespmem:s22+$0xFFFFFF30] =	vst v5  }
0x18f: {  	[tilespmem:s22+$0xFFFFFF10] =	vst v1;
	v1 =	vld [tilespmem:s22+$0xFFFFFF90]  }
0x190: {  	v3 =	vld.idx.msk [tilespmem:v2+s13+$0x0], $0xffff  }
0x191: {  	v2 =	vld [tilespmem:s22+$0xFFFFFFA0]  }
0x192: {  	v4 =	vld [tilespmem:s22+$0xFFFFFF80]  }
0x193: {  	v5 =	vld [tilespmem:s22+$0xFFFFFFB0]  }
0x194: {  	v6 =	vld [tilespmem:s22+$0xFFFFFFC0]  }
0x195: {  	v7 =	vld [tilespmem:s22+$0xFFFFFFD0];
	v1 =	vmul.f32 v1, v3  }
0x196: {  	s24 =	simm.s32 $0x2;
	v8 =	vld [tilespmem:s22+$0xFFFFFFF0];
	v2 =	vmul.f32 v2, v3  }
0x197: {  	v63 =	vld [tilespmem:s22+$0xFFFFFFE0];
	v4 =	vmul.f32 v4, v3;
	[tilespmem:s22+$0xFFFFFF90] =	vst v1;
	v1 =	vmov s24  }
0x198: {  	v5 =	vmul.f32 v5, v3;
	[tilespmem:s22+$0xFFFFFFA0] =	vst v2;
	v1 =	vand.u32 $0xFFFFFFFE, v1  }
0x199: {  	v2 =	vmul.f32 v6, v3;
	[tilespmem:s22+$0xFFFFFF80] =	vst v4;
	v6 =	vld [tilespmem:s22+$0x60];
	v10 =	vbroadcast v1, $0x0  }
0x19a: {  	v4 =	vmul.f32 v7, v3;
	[tilespmem:s22+$0xFFFFFFB0] =	vst v5;
	v7 =	vld [tilespmem:s22+$0x0]  }
0x19b: {  	v5 =	vmul.f32 v8, v3;
	v1 =	vld [tilespmem:s22+$0x20];
	[tilespmem:s22+$0xFFFFFFC0] =	vst v2  }
0x19c: {  	v3 =	vmul.f32 v63, v3;
	v2 =	vld [tilespmem:s22+$0x30];
	[tilespmem:s22+$0xFFFFFFD0] =	vst v4  }
0x19d: {  	[tilespmem:s22+$0xFFFFFFF0] =	vst v5;
	v4 =	vld [tilespmem:s22+$0x40]  }
0x19e: {  	[tilespmem:s22+$0xFFFFFFE0] =	vst v3;
	v5 =	vld [tilespmem:s22+$0x10]  }
0x19f: {  	s18 =	simm.s32 $0x9C80;
	s24 =	simm.s32 $0x4;
	v3 =	vld.idx.msk [tilespmem:v10+s13+$0x0], $0xffff  }
.LBB2_9:
0x1a0: {  	p0 =	slt.u32 s24, $0x3C  }
0x1a1: {  	v8 =	vld [tilespmem:s22+$0x50];
	s18 =	sadd.s32 $0x200, s18;
	s3 =	smov.u32 s24;
	s24 =	sadd.s32 $0x4, s24  }
0x1a2: {  	v9 =	vld [tilespmem:s22+$0x70];
	_ =	sdelay $0x1  }
0x1a3: {  	v6 =	vmul.f32 v6, v3;
	v7 =	vmul.f32 v7, v3  }
0x1a4: {  	v4 =	vmul.f32 v4, v3;
	v5 =	vmul.f32 v5, v3  }
0x1a5: {  	v1 =	vmul.f32 v1, v3;
	v2 =	vmul.f32 v2, v3;
	[tilespmem:s22+$0x60] =	vst v6  }
0x1a6: {  	[tilespmem:s22+$0x40] =	vst v4;
	v4 =	vmul.f32 v8, v3;
	v3 =	vmul.f32 v9, v3  }
0x1a7: {  	s8 =	sadd.s32 $0x3, s23;
	s23 =	smov.u32 s3;
	[tilespmem:s22+$0x20] =	vst v1;
	v6 =	vld [tilespmem:s22+$0x80]  }
0x1a8: {  	v1 =	vld [tilespmem:s18+$0x20];
	[tilespmem:s22+$0x0] =	vst v7;
	v7 =	vmov s8  }
0x1a9: {  	[tilespmem:s22+$0x50] =	vst v4;
	v4 =	vld [tilespmem:s22+$0xE0]  }
0x1aa: {  	[tilespmem:s22+$0x30] =	vst v2;
	v8 =	vld [tilespmem:s22+$0xC0]  }
0x1ab: {  	v2 =	vld [tilespmem:s18+$0x30];
	[tilespmem:s22+$0x10] =	vst v5  }
0x1ac: {  	[tilespmem:s22+$0x70] =	vst v3;
	v3 =	vld [tilespmem:s22+$0xA0]  }
0x1ad: {  	v5 =	vld.idx.msk [tilespmem:v7+s13+$0x0], $0xffff  }
0x1ae: {  	v7 =	vld [tilespmem:s22+$0x90]  }
0x1af: {  	v9 =	vld [tilespmem:s22+$0xB0]  }
0x1b0: {  	v10 =	vld [tilespmem:s22+$0xD0]  }
0x1b1: {  	v11 =	vld [tilespmem:s22+$0xF0];
	_ =	sdelay $0x1  }
0x1b2: {  	v6 =	vmul.f32 v6, v5;
	v7 =	vmul.f32 v7, v5  }
0x1b3: {  	v3 =	vmul.f32 v3, v5;
	v9 =	vmul.f32 v9, v5  }
0x1b4: {  	v12 =	vmov s23;
	[tilespmem:s22+$0x80] =	vst v6;
	v6 =	vmul.f32 v8, v5;
	v8 =	vmul.f32 v10, v5  }
0x1b5: {  	v10 =	vand.u32 $0xFFFFFFFC, v12;
	[tilespmem:s22+$0xA0] =	vst v3;
	v3 =	vmul.f32 v4, v5;
	v4 =	vmul.f32 v11, v5  }
0x1b6: {  	v5 =	vbroadcast v10, $0x0;
	[tilespmem:s22+$0xC0] =	vst v6  }
0x1b7: {  	[tilespmem:s22+$0xF0] =	vst v4  }
0x1b8: {  	v4 =	vld [tilespmem:s18+$0xFFFFFF40];
	[tilespmem:s22+$0xE0] =	vst v3  }
0x1b9: {  	v3 =	vld [tilespmem:s18+$0xFFFFFF50];
	[tilespmem:s22+$0x90] =	vst v7  }
0x1ba: {  	v6 =	vld [tilespmem:s18+$0xFFFFFF60];
	[tilespmem:s22+$0xB0] =	vst v9  }
0x1bb: {  	v7 =	vld [tilespmem:s18+$0xFFFFFF70];
	[tilespmem:s22+$0xD0] =	vst v8;
	s22 =	smov.u32 s18  }
0x1bc: {  	v5 =	vld.idx.msk [tilespmem:v5+s13+$0x0], $0xffff  }
0x1bd: {  	v8 =	vld [tilespmem:s18+$0xFFFFFF00]  }
0x1be: {  	v9 =	vld [tilespmem:s18+$0xFFFFFF20]  }
0x1bf: {  	v10 =	vld [tilespmem:s18+$0xFFFFFF10]  }
0x1c0: {  	v11 =	vld [tilespmem:s18+$0xFFFFFF30];
	_ =	sdelay $0x1  }
0x1c1: {  	v7 =	vmul.f32 v7, v5;
	v8 =	vmul.f32 v8, v5  }
0x1c2: {  	s3 =	sadd.s32 $0x1, s23;
	v6 =	vmul.f32 v6, v5;
	v9 =	vmul.f32 v9, v5  }
0x1c3: {  	v3 =	vmul.f32 v3, v5;
	v10 =	vmul.f32 v10, v5;
	[tilespmem:s18+$0xFFFFFF70] =	vst v7;
	v7 =	vmov s3  }
0x1c4: {  	v4 =	vmul.f32 v4, v5;
	[tilespmem:s18+$0xFFFFFF00] =	vst v8;
	v8 =	vmul.f32 v11, v5;
	v5 =	vand.u32 $0xFFFFFFFD, v7  }
0x1c5: {  	[tilespmem:s18+$0xFFFFFF20] =	vst v9;
	v5 =	vbroadcast v5, $0x0  }
0x1c6: {  	[tilespmem:s18+$0xFFFFFF50] =	vst v3  }
0x1c7: {  	[tilespmem:s18+$0xFFFFFF40] =	vst v4;
	v3 =	vld [tilespmem:s18+$0xFFFFFFF0]  }
0x1c8: {  	[tilespmem:s18+$0xFFFFFF60] =	vst v6;
	v4 =	vld [tilespmem:s18+$0xFFFFFFC0]  }
0x1c9: {  	[tilespmem:s18+$0xFFFFFF30] =	vst v8;
	v6 =	vld [tilespmem:s18+$0xFFFFFFD0]  }
0x1ca: {  	[tilespmem:s18+$0xFFFFFF10] =	vst v10;
	v7 =	vld [tilespmem:s18+$0xFFFFFF90]  }
0x1cb: {  	v5 =	vld.idx.msk [tilespmem:v5+s13+$0x0], $0xffff  }
0x1cc: {  	v8 =	vld [tilespmem:s18+$0xFFFFFF80]  }
0x1cd: {  	v9 =	vld [tilespmem:s18+$0xFFFFFFA0]  }
0x1ce: {  	v10 =	vld [tilespmem:s18+$0xFFFFFFB0]  }
0x1cf: {  	v11 =	vld [tilespmem:s18+$0xFFFFFFE0];
	_ =	sdelay $0x1  }
0x1d0: {  	v7 =	vmul.f32 v7, v5;
	v8 =	vmul.f32 v8, v5  }
0x1d1: {  	s3 =	sadd.s32 $0x2, s23;
	v6 =	vmul.f32 v6, v5;
	v9 =	vmul.f32 v9, v5  }
0x1d2: {  	v4 =	vmul.f32 v4, v5;
	[tilespmem:s18+$0xFFFFFF90] =	vst v7;
	v7 =	vmul.f32 v10, v5;
	v10 =	vmov s3  }
0x1d3: {  	v3 =	vmul.f32 v3, v5;
	[tilespmem:s18+$0xFFFFFFA0] =	vst v9;
	v9 =	vmul.f32 v11, v5;
	v5 =	vand.u32 $0xFFFFFFFE, v10  }
0x1d4: {  	[tilespmem:s18+$0xFFFFFF80] =	vst v8;
	v5 =	vbroadcast v5, $0x0  }
0x1d5: {  	[tilespmem:s18+$0xFFFFFFB0] =	vst v7  }
0x1d6: {  	[tilespmem:s18+$0xFFFFFFC0] =	vst v4  }
0x1d7: {  	[tilespmem:s18+$0xFFFFFFD0] =	vst v6  }
.Ltmp3:
0x1d8: {  	[tilespmem:s18+$0xFFFFFFF0] =	vst v3;
	v4 =	vld [tilespmem:s18+$0x40];
	(pc) =	sbr.rel @p0 .LBB2_9-.Ltmp3, $4  }
0x1d9: {  	[tilespmem:s18+$0xFFFFFFE0] =	vst v9;
	v6 =	vld [tilespmem:s18+$0x60]  }
0x1da: {  	v3 =	vld.idx.msk [tilespmem:v5+s13+$0x0], $0xffff  }
0x1db: {  	v7 =	vld [tilespmem:s18+$0x0]  }
0x1dc: {  	v5 =	vld [tilespmem:s18+$0x10]  }
0x1dd: {  	_ =	sdelay $0x1  }
0x1de: {  	v6 =	vmul.f32 v6, v3  }
0x1df: {  	v8 =	vld [tilespmem:s22+$0x50];
	v4 =	vmul.f32 v4, v3  }
0x1e0: {  	v9 =	vld [tilespmem:s22+$0x70];
	v1 =	vmul.f32 v1, v3;
	[tilespmem:s22+$0x60] =	vst v6  }
0x1e1: {  	v6 =	vmul.f32 v7, v3;
	[tilespmem:s22+$0x40] =	vst v4  }
0x1e2: {  	s3 =	sadd.s32 $0x3, s23;
	[tilespmem:s22+$0x20] =	vst v1;
	v1 =	vmul.f32 v2, v3  }
0x1e3: {  	v5 =	vmul.f32 v5, v3;
	[tilespmem:s22+$0x0] =	vst v6;
	v6 =	vmov s3  }
0x1e4: {  	v4 =	vmul.f32 v8, v3;
	[tilespmem:s22+$0x30] =	vst v1  }
0x1e5: {  	v3 =	vmul.f32 v9, v3;
	[tilespmem:s22+$0x10] =	vst v5  }
0x1e6: {  	[tilespmem:s22+$0x50] =	vst v4  }
0x1e7: {  	v2 =	vld [tilespmem:s22+$0x80];
	[tilespmem:s22+$0x70] =	vst v3  }
0x1e8: {  	v1 =	vld.idx.msk [tilespmem:v6+s13+$0x0], $0xffff  }
0x1e9: {  	v3 =	vld [tilespmem:s22+$0xA0]  }
0x1ea: {  	v4 =	vld [tilespmem:s22+$0xC0]  }
0x1eb: {  	v5 =	vld [tilespmem:s22+$0xF0]  }
0x1ec: {  	v6 =	vld [tilespmem:s22+$0xE0]  }
0x1ed: {  	v7 =	vld [tilespmem:s22+$0x90];
	v2 =	vmul.f32 v2, v1  }
0x1ee: {  	v8 =	vld [tilespmem:s22+$0xB0];
	v3 =	vmul.f32 v3, v1  }
0x1ef: {  	v61 =	vld [tilespmem:s22+$0xD0];
	[tilespmem:s22+$0x80] =	vst v2;
	v2 =	vmul.f32 v4, v1  }
0x1f0: {  	[tilespmem:s22+$0xA0] =	vst v3;
	v3 =	vmul.f32 v5, v1  }
0x1f1: {  	v4 =	vmul.f32 v6, v1;
	[tilespmem:s22+$0xC0] =	vst v2  }
0x1f2: {  	v2 =	vmul.f32 v7, v1;
	[tilespmem:s22+$0xF0] =	vst v3  }
0x1f3: {  	v3 =	vmul.f32 v8, v1;
	[tilespmem:s22+$0xE0] =	vst v4  }
0x1f4: {  	v1 =	vmul.f32 v61, v1;
	[tilespmem:s22+$0x90] =	vst v2  }
0x1f5: {  	[tilespmem:s22+$0xB0] =	vst v3  }
0x1f6: {  	s18 =	sshll.u32 s20, $0x9;
	[tilespmem:s22+$0xD0] =	vst v1  }
0x1f7: {  	[spmem:s1] =	stream.indirect.scatter.add.f32 [tilespmem:s11], [sflag:$0x4], $0x80, s15, s31, $0xb8;
	[tilespmem:$0x1F780] =	vst v63  }
0x1f8: {  	s24 =	sadd.s32 s14, s18;
	_ =	swait.ge [sflag:s16], $0x2000  }
0x1f9: {  	s3 =	sshrl.u32 s24, $0x3;
	[sflag:s16] =	ssyncset.done $0x0  }
0x1fa: {  	s3 =	sadd.s32 s5, s3;
	s22 =	simm.s32 $0x0;
	[sflag:s16] =	ssyncadd.s32 $0xFFFFE000  }
0x1fb: {  	[tilespmem:s22], [sflag:$0x5] =	stream.linear.gather [hbm4b:s3+s22], $0x100, $0x38;
	[tilespmem:$0x1F780] =	vst v63  }
0x1fc: {  	_ =	swait.ge [sflag:s26], $0x100  }
0x1fd: {  	[sflag:s26] =	ssyncset.done $0x0  }
0x1fe: {  	[sflag:s26] =	ssyncadd.s32 $0xFFFFFF00  }
0x1ff: {  	v1 =	vld [tilespmem:$0x0]  }
0x200: {  	v2 =	vld [tilespmem:$0x80]  }
0x201: {  	v3 =	vld [tilespmem:$0x10]  }
0x202: {  	v4 =	vld [tilespmem:$0x90]  }
0x203: {  	v5 =	vld [tilespmem:$0x20]  }
0x204: {  	[tilespmem:$0x200] =	vst v1;
	v1 =	vld [tilespmem:$0xA0]  }
0x205: {  	[tilespmem:$0x280] =	vst v2;
	v2 =	vld [tilespmem:$0x30]  }
0x206: {  	[tilespmem:$0x210] =	vst v3;
	v3 =	vld [tilespmem:$0xB0]  }
0x207: {  	[tilespmem:$0x290] =	vst v4  }
0x208: {  	[tilespmem:$0x220] =	vst v5  }
0x209: {  	[tilespmem:$0x2A0] =	vst v1  }
0x20a: {  	[tilespmem:$0x230] =	vst v2  }
0x20b: {  	[tilespmem:$0x2B0] =	vst v3  }
0x20c: {  	[tilespmem:s29], [sflag:$0x1] =	stream.indirect.gather [hbm4b:s4+s31], $0x80, s0, s31, $0xb8;
	[tilespmem:$0x1F780] =	vst v63  }
0x20d: {  	v1 =	vld [tilespmem:$0x200]  }
0x20e: {  	v2 =	vld [tilespmem:$0x280];
	_ =	sdelay $0x6  }
0x20f: {  	v1 =	vld.idx.msk [tilespmem:v1+s25+$0x0], $0xffff  }
0x210: {  	v3 =	vld.idx.msk [tilespmem:v2+s28+$0x0], $0xffff;
	_ =	sdelay $0x4  }
0x211: {  	v1 =	vadd.f32 v3, v1;
	_ =	sdelay $0x1  }
0x212: {  	v3 =	vmul.f32 $2.000000030e-01, v1  }
0x213: {  	vm0 =	vgt.f32 v1, $0.0e+00  }
0x214: {  	v1 =	vsel vm0, v1, v3  }
0x215: {  	v1 =	vmul.f32 $1.442695020e+00, v1;
	_ =	sdelay $0x1  }
0x216: {  	(erf) = vpow2.f32 v1;
	_ =	sdelay $0x8  }
0x217: {  	v1 =	vpop (erf)  }
0x218: {  	[tilespmem:$0x400] =	vst v1  }
0x219: {  	[tilespmem:v2+s2+$0x0] =	vst.idx.add.f32.msk $0xffff, v1  }
0x21a: {  	v1 =	vld [tilespmem:$0x210]  }
0x21b: {  	v2 =	vld [tilespmem:$0x290];
	_ =	sdelay $0x6  }
0x21c: {  	v1 =	vld.idx.msk [tilespmem:v1+s25+$0x0], $0xffff  }
0x21d: {  	v3 =	vld.idx.msk [tilespmem:v2+s28+$0x0], $0xffff;
	_ =	sdelay $0x4  }
0x21e: {  	v1 =	vadd.f32 v3, v1;
	_ =	sdelay $0x1  }
0x21f: {  	v3 =	vmul.f32 $2.000000030e-01, v1  }
0x220: {  	vm13 =	vgt.f32 v1, $0.0e+00  }
0x221: {  	v1 =	vsel vm13, v1, v3  }
0x222: {  	v1 =	vmul.f32 $1.442695020e+00, v1;
	_ =	sdelay $0x1  }
0x223: {  	(erf) = vpow2.f32 v1;
	_ =	sdelay $0x8  }
0x224: {  	v1 =	vpop (erf)  }
0x225: {  	[tilespmem:$0x410] =	vst v1  }
0x226: {  	[tilespmem:v2+s2+$0x0] =	vst.idx.add.f32.msk $0xffff, v1  }
0x227: {  	v1 =	vld [tilespmem:$0x220]  }
0x228: {  	v2 =	vld [tilespmem:$0x2A0];
	_ =	sdelay $0x6  }
0x229: {  	v1 =	vld.idx.msk [tilespmem:v1+s25+$0x0], $0xffff  }
0x22a: {  	v3 =	vld.idx.msk [tilespmem:v2+s28+$0x0], $0xffff;
	_ =	sdelay $0x4  }
0x22b: {  	v1 =	vadd.f32 v3, v1;
	_ =	sdelay $0x1  }
0x22c: {  	v3 =	vmul.f32 $2.000000030e-01, v1  }
0x22d: {  	vm14 =	vgt.f32 v1, $0.0e+00  }
0x22e: {  	v1 =	vsel vm14, v1, v3  }
0x22f: {  	v1 =	vmul.f32 $1.442695020e+00, v1;
	_ =	sdelay $0x1  }
0x230: {  	(erf) = vpow2.f32 v1;
	_ =	sdelay $0x8  }
0x231: {  	v1 =	vpop (erf)  }
0x232: {  	[tilespmem:$0x420] =	vst v1  }
0x233: {  	[tilespmem:v2+s2+$0x0] =	vst.idx.add.f32.msk $0xffff, v1  }
0x234: {  	v1 =	vld [tilespmem:$0x230]  }
0x235: {  	v2 =	vld [tilespmem:$0x2B0];
	_ =	sdelay $0x6  }
0x236: {  	v1 =	vld.idx.msk [tilespmem:v1+s25+$0x0], $0xffff  }
0x237: {  	v3 =	vld.idx.msk [tilespmem:v2+s28+$0x0], $0xffff;
	_ =	sdelay $0x4  }
0x238: {  	v1 =	vadd.f32 v3, v1;
	_ =	sdelay $0x1  }
0x239: {  	v3 =	vmul.f32 $2.000000030e-01, v1  }
0x23a: {  	vm15 =	vgt.f32 v1, $0.0e+00  }
0x23b: {  	v1 =	vsel vm15, v1, v3  }
0x23c: {  	v1 =	vmul.f32 $1.442695020e+00, v1;
	_ =	sdelay $0x1  }
0x23d: {  	(erf) = vpow2.f32 v1;
	_ =	sdelay $0x8  }
0x23e: {  	v1 =	vpop (erf)  }
0x23f: {  	[tilespmem:$0x430] =	vst v1  }
0x240: {  	[tilespmem:v2+s2+$0x0] =	vst.idx.add.f32.msk $0xffff, v1  }
0x241: {  	s8 =	sadd.s32 s18, s21;
	_ =	swait.ge [sflag:s17], $0x2000  }
0x242: {  	s3 =	sshrl.u32 s8, $0x3;
	[sflag:s17] =	ssyncset.done $0x0  }
0x243: {  	s3 =	sadd.s32 s5, s3;
	[sflag:s17] =	ssyncadd.s32 $0xFFFFE000  }
0x244: {  	[tilespmem:s9], [sflag:$0x5] =	stream.linear.gather [hbm4b:s3+s22], $0x100, $0x38;
	[tilespmem:$0x1F780] =	vst v63  }
0x245: {  	_ =	swait.ge [sflag:s26], $0x100  }
0x246: {  	[sflag:s26] =	ssyncset.done $0x0  }
0x247: {  	[sflag:s26] =	ssyncadd.s32 $0xFFFFFF00  }
0x248: {  	v1 =	vld [tilespmem:$0x100]  }
0x249: {  	v2 =	vld [tilespmem:$0x180]  }
0x24a: {  	v3 =	vld [tilespmem:$0x110]  }
0x24b: {  	v4 =	vld [tilespmem:$0x190]  }
0x24c: {  	v5 =	vld [tilespmem:$0x120]  }
0x24d: {  	[tilespmem:$0x300] =	vst v1;
	v1 =	vld [tilespmem:$0x1A0]  }
0x24e: {  	[tilespmem:$0x380] =	vst v2;
	v2 =	vld [tilespmem:$0x130]  }
0x24f: {  	[tilespmem:$0x310] =	vst v3;
	v3 =	vld [tilespmem:$0x1B0]  }
0x250: {  	[tilespmem:$0x390] =	vst v4  }
0x251: {  	[tilespmem:$0x320] =	vst v5  }
0x252: {  	[tilespmem:$0x3A0] =	vst v1;
	v1 =	vmov s22  }
0x253: {  	[tilespmem:$0x330] =	vst v2;
	v1 =	vand.u32 $0xFFFFFFFC, v1  }
0x254: {  	[tilespmem:$0x3B0] =	vst v3;
	v1 =	vbroadcast v1, $0x0  }
0x255: {  	[tilespmem:s11], [sflag:$0x2] =	stream.indirect.gather [hbm4b:s4+s31], $0x80, s10, s31, $0xb8;
	[tilespmem:$0x1F780] =	vst v63  }
0x256: {  	_ =	swait.ge [sflag:s30], $0x2000  }
0x257: {  	[sflag:s30] =	ssyncset.done $0x0  }
0x258: {  	s23 =	simm.s32 $0x7C80;
	[sflag:s30] =	ssyncadd.s32 $0xFFFFE000  }
0x259: {  	v2 =	vld [tilespmem:s23+$0xFFFFFF70]  }
0x25a: {  	v1 =	vld.idx.msk [tilespmem:v1+s6+$0x0], $0xffff  }
0x25b: {  	v3 =	vld [tilespmem:s23+$0xFFFFFF00]  }
0x25c: {  	v4 =	vld [tilespmem:s23+$0xFFFFFF20]  }
0x25d: {  	v5 =	vld [tilespmem:s23+$0xFFFFFF50]  }
0x25e: {  	v6 =	vld [tilespmem:s23+$0xFFFFFF40]  }
0x25f: {  	v7 =	vld [tilespmem:s23+$0xFFFFFF60];
	v2 =	vmul.f32 v2, v1  }
0x260: {  	s18 =	simm.s32 $0x1;
	v8 =	vld [tilespmem:s23+$0xFFFFFF30];
	v3 =	vmul.f32 v3, v1  }
0x261: {  	v62 =	vld [tilespmem:s23+$0xFFFFFF10];
	v4 =	vmul.f32 v4, v1;
	[tilespmem:s23+$0xFFFFFF70] =	vst v2;
	v2 =	vmov s18  }
0x262: {  	v5 =	vmul.f32 v5, v1;
	[tilespmem:s23+$0xFFFFFF00] =	vst v3;
	v2 =	vand.u32 $0xFFFFFFFD, v2  }
0x263: {  	v3 =	vmul.f32 v6, v1;
	[tilespmem:s23+$0xFFFFFF20] =	vst v4;
	v2 =	vbroadcast v2, $0x0  }
0x264: {  	v4 =	vmul.f32 v7, v1;
	[tilespmem:s23+$0xFFFFFF50] =	vst v5  }
0x265: {  	v5 =	vmul.f32 v8, v1;
	[tilespmem:s23+$0xFFFFFF40] =	vst v3  }
0x266: {  	v1 =	vmul.f32 v62, v1;
	[tilespmem:s23+$0xFFFFFF60] =	vst v4  }
0x267: {  	[tilespmem:s23+$0xFFFFFF30] =	vst v5  }
0x268: {  	[tilespmem:s23+$0xFFFFFF10] =	vst v1;
	v1 =	vld [tilespmem:s23+$0xFFFFFF90]  }
0x269: {  	v3 =	vld.idx.msk [tilespmem:v2+s6+$0x0], $0xffff  }
0x26a: {  	v2 =	vld [tilespmem:s23+$0xFFFFFFA0]  }
0x26b: {  	v4 =	vld [tilespmem:s23+$0xFFFFFF80]  }
0x26c: {  	v5 =	vld [tilespmem:s23+$0xFFFFFFB0]  }
0x26d: {  	v6 =	vld [tilespmem:s23+$0xFFFFFFC0]  }
0x26e: {  	v7 =	vld [tilespmem:s23+$0xFFFFFFD0];
	v1 =	vmul.f32 v1, v3  }
0x26f: {  	s24 =	simm.s32 $0x2;
	v8 =	vld [tilespmem:s23+$0xFFFFFFF0];
	v2 =	vmul.f32 v2, v3  }
0x270: {  	v63 =	vld [tilespmem:s23+$0xFFFFFFE0];
	v4 =	vmul.f32 v4, v3;
	[tilespmem:s23+$0xFFFFFF90] =	vst v1;
	v1 =	vmov s24  }
0x271: {  	v5 =	vmul.f32 v5, v3;
	[tilespmem:s23+$0xFFFFFFA0] =	vst v2;
	v1 =	vand.u32 $0xFFFFFFFE, v1  }
0x272: {  	v2 =	vmul.f32 v6, v3;
	[tilespmem:s23+$0xFFFFFF80] =	vst v4;
	v6 =	vld [tilespmem:s23+$0x60];
	v10 =	vbroadcast v1, $0x0  }
0x273: {  	v4 =	vmul.f32 v7, v3;
	[tilespmem:s23+$0xFFFFFFB0] =	vst v5;
	v7 =	vld [tilespmem:s23+$0x0]  }
0x274: {  	v5 =	vmul.f32 v8, v3;
	v1 =	vld [tilespmem:s23+$0x20];
	[tilespmem:s23+$0xFFFFFFC0] =	vst v2  }
0x275: {  	v3 =	vmul.f32 v63, v3;
	v2 =	vld [tilespmem:s23+$0x30];
	[tilespmem:s23+$0xFFFFFFD0] =	vst v4  }
0x276: {  	[tilespmem:s23+$0xFFFFFFF0] =	vst v5;
	v4 =	vld [tilespmem:s23+$0x40]  }
0x277: {  	[tilespmem:s23+$0xFFFFFFE0] =	vst v3;
	v5 =	vld [tilespmem:s23+$0x10]  }
0x278: {  	s18 =	simm.s32 $0x7C80;
	s24 =	simm.s32 $0x4;
	v3 =	vld.idx.msk [tilespmem:v10+s6+$0x0], $0xffff  }
.LBB2_11:
0x279: {  	p0 =	slt.u32 s24, $0x3C  }
0x27a: {  	v8 =	vld [tilespmem:s23+$0x50];
	s18 =	sadd.s32 $0x200, s18;
	s3 =	smov.u32 s24;
	s24 =	sadd.s32 $0x4, s24  }
0x27b: {  	v9 =	vld [tilespmem:s23+$0x70];
	_ =	sdelay $0x1  }
0x27c: {  	v6 =	vmul.f32 v6, v3;
	v7 =	vmul.f32 v7, v3  }
0x27d: {  	v4 =	vmul.f32 v4, v3;
	v5 =	vmul.f32 v5, v3  }
0x27e: {  	v1 =	vmul.f32 v1, v3;
	v2 =	vmul.f32 v2, v3;
	[tilespmem:s23+$0x60] =	vst v6  }
0x27f: {  	[tilespmem:s23+$0x40] =	vst v4;
	v4 =	vmul.f32 v8, v3;
	v3 =	vmul.f32 v9, v3  }
0x280: {  	s8 =	sadd.s32 $0x3, s22;
	s22 =	smov.u32 s3;
	[tilespmem:s23+$0x20] =	vst v1;
	v6 =	vld [tilespmem:s23+$0x80]  }
0x281: {  	v1 =	vld [tilespmem:s18+$0x20];
	[tilespmem:s23+$0x0] =	vst v7;
	v7 =	vmov s8  }
0x282: {  	[tilespmem:s23+$0x50] =	vst v4;
	v4 =	vld [tilespmem:s23+$0xE0]  }
0x283: {  	[tilespmem:s23+$0x30] =	vst v2;
	v8 =	vld [tilespmem:s23+$0xC0]  }
0x284: {  	v2 =	vld [tilespmem:s18+$0x30];
	[tilespmem:s23+$0x10] =	vst v5  }
0x285: {  	[tilespmem:s23+$0x70] =	vst v3;
	v3 =	vld [tilespmem:s23+$0xA0]  }
0x286: {  	v5 =	vld.idx.msk [tilespmem:v7+s6+$0x0], $0xffff  }
0x287: {  	v7 =	vld [tilespmem:s23+$0x90]  }
0x288: {  	v9 =	vld [tilespmem:s23+$0xB0]  }
0x289: {  	v10 =	vld [tilespmem:s23+$0xD0]  }
0x28a: {  	v11 =	vld [tilespmem:s23+$0xF0];
	_ =	sdelay $0x1  }
0x28b: {  	v6 =	vmul.f32 v6, v5;
	v7 =	vmul.f32 v7, v5  }
0x28c: {  	v3 =	vmul.f32 v3, v5;
	v9 =	vmul.f32 v9, v5  }
0x28d: {  	v12 =	vmov s22;
	[tilespmem:s23+$0x80] =	vst v6;
	v6 =	vmul.f32 v8, v5;
	v8 =	vmul.f32 v10, v5  }
0x28e: {  	v10 =	vand.u32 $0xFFFFFFFC, v12;
	[tilespmem:s23+$0xA0] =	vst v3;
	v3 =	vmul.f32 v4, v5;
	v4 =	vmul.f32 v11, v5  }
0x28f: {  	v5 =	vbroadcast v10, $0x0;
	[tilespmem:s23+$0xC0] =	vst v6  }
0x290: {  	[tilespmem:s23+$0xF0] =	vst v4  }
0x291: {  	v4 =	vld [tilespmem:s18+$0xFFFFFF40];
	[tilespmem:s23+$0xE0] =	vst v3  }
0x292: {  	v3 =	vld [tilespmem:s18+$0xFFFFFF50];
	[tilespmem:s23+$0x90] =	vst v7  }
0x293: {  	v6 =	vld [tilespmem:s18+$0xFFFFFF60];
	[tilespmem:s23+$0xB0] =	vst v9  }
0x294: {  	v7 =	vld [tilespmem:s18+$0xFFFFFF70];
	[tilespmem:s23+$0xD0] =	vst v8;
	s23 =	smov.u32 s18  }
0x295: {  	v5 =	vld.idx.msk [tilespmem:v5+s6+$0x0], $0xffff  }
0x296: {  	v8 =	vld [tilespmem:s18+$0xFFFFFF00]  }
0x297: {  	v9 =	vld [tilespmem:s18+$0xFFFFFF20]  }
0x298: {  	v10 =	vld [tilespmem:s18+$0xFFFFFF10]  }
0x299: {  	v11 =	vld [tilespmem:s18+$0xFFFFFF30];
	_ =	sdelay $0x1  }
0x29a: {  	v7 =	vmul.f32 v7, v5;
	v8 =	vmul.f32 v8, v5  }
0x29b: {  	s3 =	sadd.s32 $0x1, s22;
	v6 =	vmul.f32 v6, v5;
	v9 =	vmul.f32 v9, v5  }
0x29c: {  	v3 =	vmul.f32 v3, v5;
	v10 =	vmul.f32 v10, v5;
	[tilespmem:s18+$0xFFFFFF70] =	vst v7;
	v7 =	vmov s3  }
0x29d: {  	v4 =	vmul.f32 v4, v5;
	[tilespmem:s18+$0xFFFFFF00] =	vst v8;
	v8 =	vmul.f32 v11, v5;
	v5 =	vand.u32 $0xFFFFFFFD, v7  }
0x29e: {  	[tilespmem:s18+$0xFFFFFF20] =	vst v9;
	v5 =	vbroadcast v5, $0x0  }
0x29f: {  	[tilespmem:s18+$0xFFFFFF50] =	vst v3  }
0x2a0: {  	[tilespmem:s18+$0xFFFFFF40] =	vst v4;
	v3 =	vld [tilespmem:s18+$0xFFFFFFF0]  }
0x2a1: {  	[tilespmem:s18+$0xFFFFFF60] =	vst v6;
	v4 =	vld [tilespmem:s18+$0xFFFFFFC0]  }
0x2a2: {  	[tilespmem:s18+$0xFFFFFF30] =	vst v8;
	v6 =	vld [tilespmem:s18+$0xFFFFFFD0]  }
0x2a3: {  	[tilespmem:s18+$0xFFFFFF10] =	vst v10;
	v7 =	vld [tilespmem:s18+$0xFFFFFF90]  }
0x2a4: {  	v5 =	vld.idx.msk [tilespmem:v5+s6+$0x0], $0xffff  }
0x2a5: {  	v8 =	vld [tilespmem:s18+$0xFFFFFF80]  }
0x2a6: {  	v9 =	vld [tilespmem:s18+$0xFFFFFFA0]  }
0x2a7: {  	v10 =	vld [tilespmem:s18+$0xFFFFFFB0]  }
0x2a8: {  	v11 =	vld [tilespmem:s18+$0xFFFFFFE0];
	_ =	sdelay $0x1  }
0x2a9: {  	v7 =	vmul.f32 v7, v5;
	v8 =	vmul.f32 v8, v5  }
0x2aa: {  	s3 =	sadd.s32 $0x2, s22;
	v6 =	vmul.f32 v6, v5;
	v9 =	vmul.f32 v9, v5  }
0x2ab: {  	v4 =	vmul.f32 v4, v5;
	[tilespmem:s18+$0xFFFFFF90] =	vst v7;
	v7 =	vmul.f32 v10, v5;
	v10 =	vmov s3  }
0x2ac: {  	v3 =	vmul.f32 v3, v5;
	[tilespmem:s18+$0xFFFFFFA0] =	vst v9;
	v9 =	vmul.f32 v11, v5;
	v5 =	vand.u32 $0xFFFFFFFE, v10  }
0x2ad: {  	[tilespmem:s18+$0xFFFFFF80] =	vst v8;
	v5 =	vbroadcast v5, $0x0  }
0x2ae: {  	[tilespmem:s18+$0xFFFFFFB0] =	vst v7  }
0x2af: {  	[tilespmem:s18+$0xFFFFFFC0] =	vst v4  }
0x2b0: {  	[tilespmem:s18+$0xFFFFFFD0] =	vst v6  }
.Ltmp4:
0x2b1: {  	[tilespmem:s18+$0xFFFFFFF0] =	vst v3;
	v4 =	vld [tilespmem:s18+$0x40];
	(pc) =	sbr.rel @p0 .LBB2_11-.Ltmp4, $4  }
0x2b2: {  	[tilespmem:s18+$0xFFFFFFE0] =	vst v9;
	v6 =	vld [tilespmem:s18+$0x60]  }
0x2b3: {  	v3 =	vld.idx.msk [tilespmem:v5+s6+$0x0], $0xffff  }
0x2b4: {  	v7 =	vld [tilespmem:s18+$0x0]  }
0x2b5: {  	v5 =	vld [tilespmem:s18+$0x10]  }
0x2b6: {  	_ =	sdelay $0x1  }
0x2b7: {  	v6 =	vmul.f32 v6, v3  }
0x2b8: {  	v8 =	vld [tilespmem:s23+$0x50];
	v4 =	vmul.f32 v4, v3  }
0x2b9: {  	v9 =	vld [tilespmem:s23+$0x70];
	v1 =	vmul.f32 v1, v3;
	[tilespmem:s23+$0x60] =	vst v6  }
0x2ba: {  	v54 =	vmul.f32 v7, v3;
	[tilespmem:s23+$0x40] =	vst v4  }
0x2bb: {  	s3 =	sadd.s32 $0x3, s22;
	[tilespmem:s23+$0x20] =	vst v1;
	v1 =	vmul.f32 v2, v3  }
0x2bc: {  	v56 =	vmov s3;
	v5 =	vmul.f32 v5, v3;
	[tilespmem:s23+$0x0] =	vst v54  }
0x2bd: {  	v55 =	vmul.f32 v8, v3;
	[tilespmem:s23+$0x30] =	vst v1  }
0x2be: {  	v3 =	vmul.f32 v9, v3;
	[tilespmem:s23+$0x10] =	vst v5  }
0x2bf: {  	[tilespmem:s23+$0x50] =	vst v55  }
0x2c0: {  	v2 =	vld [tilespmem:s23+$0x80];
	[tilespmem:s23+$0x70] =	vst v3  }
0x2c1: {  	v1 =	vld.idx.msk [tilespmem:v56+s6+$0x0], $0xffff  }
0x2c2: {  	v3 =	vld [tilespmem:s23+$0xA0]  }
0x2c3: {  	v59 =	vld [tilespmem:s23+$0xE0]  }
0x2c4: {  	v57 =	vld [tilespmem:s23+$0xC0]  }
0x2c5: {  	v58 =	vld [tilespmem:s23+$0xF0]  }
0x2c6: {  	v60 =	vld [tilespmem:s23+$0x90];
	v2 =	vmul.f32 v2, v1  }
0x2c7: {  	v61 =	vld [tilespmem:s23+$0xB0];
	v3 =	vmul.f32 v3, v1  }
0x2c8: {  	v62 =	vld [tilespmem:s23+$0xD0];
	v63 =	vmul.f32 v59, v1;
	[tilespmem:s23+$0x80] =	vst v2  }
0x2c9: {  	v2 =	vmul.f32 v57, v1;
	[tilespmem:s23+$0xA0] =	vst v3  }
0x2ca: {  	v3 =	vmul.f32 v58, v1;
	[tilespmem:s23+$0xE0] =	vst v63  }
0x2cb: {  	[tilespmem:s23+$0xC0] =	vst v2;
	v2 =	vmul.f32 v60, v1  }
0x2cc: {  	[tilespmem:s23+$0xF0] =	vst v3;
	v3 =	vmul.f32 v61, v1  }
0x2cd: {  	v1 =	vmul.f32 v62, v1;
	[tilespmem:s23+$0x90] =	vst v2  }
0x2ce: {  	[tilespmem:s23+$0xB0] =	vst v3  }
0x2cf: {  	[tilespmem:s23+$0xD0] =	vst v1  }
0x2d0: {  	[spmem:s1] =	stream.indirect.scatter.add.f32 [tilespmem:s29], [sflag:$0x3], $0x80, s7, s31, $0xb8;
	[tilespmem:$0x1F780] =	vst v63  }
0x2d1: {  	v1 =	vld [tilespmem:$0x300]  }
0x2d2: {  	v2 =	vld [tilespmem:$0x380];
	_ =	sdelay $0x6  }
0x2d3: {  	v1 =	vld.idx.msk [tilespmem:v1+s25+$0x0], $0xffff  }
0x2d4: {  	v3 =	vld.idx.msk [tilespmem:v2+s28+$0x0], $0xffff;
	_ =	sdelay $0x4  }
0x2d5: {  	v1 =	vadd.f32 v3, v1;
	_ =	sdelay $0x1  }
0x2d6: {  	v3 =	vmul.f32 $2.000000030e-01, v1  }
0x2d7: {  	vm0 =	vgt.f32 v1, $0.0e+00  }
0x2d8: {  	v1 =	vsel vm0, v1, v3  }
0x2d9: {  	v1 =	vmul.f32 $1.442695020e+00, v1;
	_ =	sdelay $0x1  }
0x2da: {  	(erf) = vpow2.f32 v1;
	_ =	sdelay $0x8  }
0x2db: {  	v1 =	vpop (erf)  }
0x2dc: {  	[tilespmem:$0x480] =	vst v1  }
0x2dd: {  	[tilespmem:v2+s2+$0x0] =	vst.idx.add.f32.msk $0xffff, v1  }
0x2de: {  	v1 =	vld [tilespmem:$0x310]  }
0x2df: {  	v2 =	vld [tilespmem:$0x390];
	_ =	sdelay $0x6  }
0x2e0: {  	v1 =	vld.idx.msk [tilespmem:v1+s25+$0x0], $0xffff  }
0x2e1: {  	v3 =	vld.idx.msk [tilespmem:v2+s28+$0x0], $0xffff;
	_ =	sdelay $0x4  }
0x2e2: {  	v1 =	vadd.f32 v3, v1;
	_ =	sdelay $0x1  }
0x2e3: {  	v3 =	vmul.f32 $2.000000030e-01, v1  }
0x2e4: {  	vm13 =	vgt.f32 v1, $0.0e+00  }
0x2e5: {  	v1 =	vsel vm13, v1, v3  }
0x2e6: {  	v1 =	vmul.f32 $1.442695020e+00, v1;
	_ =	sdelay $0x1  }
0x2e7: {  	(erf) = vpow2.f32 v1;
	_ =	sdelay $0x8  }
0x2e8: {  	v1 =	vpop (erf)  }
0x2e9: {  	[tilespmem:$0x490] =	vst v1  }
0x2ea: {  	[tilespmem:v2+s2+$0x0] =	vst.idx.add.f32.msk $0xffff, v1  }
0x2eb: {  	v1 =	vld [tilespmem:$0x320]  }
0x2ec: {  	v2 =	vld [tilespmem:$0x3A0];
	_ =	sdelay $0x6  }
0x2ed: {  	v1 =	vld.idx.msk [tilespmem:v1+s25+$0x0], $0xffff  }
0x2ee: {  	v3 =	vld.idx.msk [tilespmem:v2+s28+$0x0], $0xffff;
	_ =	sdelay $0x4  }
0x2ef: {  	v1 =	vadd.f32 v3, v1;
	_ =	sdelay $0x1  }
0x2f0: {  	v3 =	vmul.f32 $2.000000030e-01, v1  }
0x2f1: {  	vm14 =	vgt.f32 v1, $0.0e+00  }
0x2f2: {  	v1 =	vsel vm14, v1, v3  }
0x2f3: {  	v1 =	vmul.f32 $1.442695020e+00, v1;
	_ =	sdelay $0x1  }
0x2f4: {  	(erf) = vpow2.f32 v1;
	_ =	sdelay $0x8  }
0x2f5: {  	v1 =	vpop (erf)  }
0x2f6: {  	[tilespmem:$0x4A0] =	vst v1  }
0x2f7: {  	[tilespmem:v2+s2+$0x0] =	vst.idx.add.f32.msk $0xffff, v1  }
0x2f8: {  	v1 =	vld [tilespmem:$0x330]  }
0x2f9: {  	v2 =	vld [tilespmem:$0x3B0];
	_ =	sdelay $0x6  }
0x2fa: {  	v1 =	vld.idx.msk [tilespmem:v1+s25+$0x0], $0xffff  }
0x2fb: {  	v3 =	vld.idx.msk [tilespmem:v2+s28+$0x0], $0xffff;
	_ =	sdelay $0x4  }
0x2fc: {  	v1 =	vadd.f32 v3, v1;
	_ =	sdelay $0x1  }
0x2fd: {  	v3 =	vmul.f32 $2.000000030e-01, v1  }
0x2fe: {  	vm15 =	vgt.f32 v1, $0.0e+00  }
0x2ff: {  	v1 =	vsel vm15, v1, v3  }
0x300: {  	v1 =	vmul.f32 $1.442695020e+00, v1;
	_ =	sdelay $0x1  }
0x301: {  	(erf) = vpow2.f32 v1;
	_ =	sdelay $0x4  }
0x302: {  	s20 =	sadd.s32 $0x1, s20  }
0x303: {  	p0 =	sne.s32 s20, $0x4F  }
.Ltmp5:
0x304: {  	_ = 	snop;
	(pc) =	sbr.rel @p0 .LBB2_8-.Ltmp5, $4  }
0x305: {  	_ = 	snop  }
0x306: {  	v1 =	vpop (erf)  }
0x307: {  	[tilespmem:$0x4B0] =	vst v1  }
0x308: {  	[tilespmem:v2+s2+$0x0] =	vst.idx.add.f32.msk $0xffff, v1  }
0x309: {  	s22 =	simm.s32 $0x0  }
0x30a: {  	v1 =	vmov s22  }
0x30b: {  	v1 =	vand.u32 $0xFFFFFFFC, v1  }
0x30c: {  	v1 =	vbroadcast v1, $0x0;
	_ =	sdelay $0x1  }
0x30d: {  	_ =	swait.ge [sflag:s12], $0x2000  }
0x30e: {  	[sflag:s12] =	ssyncset.done $0x0  }
0x30f: {  	s20 =	simm.s32 $0x9C80;
	[sflag:s12] =	ssyncadd.s32 $0xFFFFE000  }
0x310: {  	v2 =	vld [tilespmem:s20+$0xFFFFFF70]  }
0x311: {  	v1 =	vld.idx.msk [tilespmem:v1+s13+$0x0], $0xffff  }
0x312: {  	v3 =	vld [tilespmem:s20+$0xFFFFFF00]  }
0x313: {  	v4 =	vld [tilespmem:s20+$0xFFFFFF20]  }
0x314: {  	v5 =	vld [tilespmem:s20+$0xFFFFFF50]  }
0x315: {  	v6 =	vld [tilespmem:s20+$0xFFFFFF40]  }
0x316: {  	v7 =	vld [tilespmem:s20+$0xFFFFFF60];
	v2 =	vmul.f32 v2, v1  }
0x317: {  	s3 =	simm.s32 $0x1;
	v8 =	vld [tilespmem:s20+$0xFFFFFF30];
	v3 =	vmul.f32 v3, v1  }
0x318: {  	v9 =	vld [tilespmem:s20+$0xFFFFFF10];
	v4 =	vmul.f32 v4, v1;
	[tilespmem:s20+$0xFFFFFF70] =	vst v2;
	v2 =	vmov s3  }
0x319: {  	v5 =	vmul.f32 v5, v1;
	[tilespmem:s20+$0xFFFFFF00] =	vst v3;
	v2 =	vand.u32 $0xFFFFFFFD, v2  }
0x31a: {  	v3 =	vmul.f32 v6, v1;
	[tilespmem:s20+$0xFFFFFF20] =	vst v4;
	v2 =	vbroadcast v2, $0x0  }
0x31b: {  	v4 =	vmul.f32 v7, v1;
	[tilespmem:s20+$0xFFFFFF50] =	vst v5  }
0x31c: {  	v5 =	vmul.f32 v8, v1;
	[tilespmem:s20+$0xFFFFFF40] =	vst v3  }
0x31d: {  	v1 =	vmul.f32 v9, v1;
	[tilespmem:s20+$0xFFFFFF60] =	vst v4  }
0x31e: {  	[tilespmem:s20+$0xFFFFFF30] =	vst v5  }
0x31f: {  	[tilespmem:s20+$0xFFFFFF10] =	vst v1;
	v1 =	vld [tilespmem:s20+$0xFFFFFF90]  }
0x320: {  	v3 =	vld.idx.msk [tilespmem:v2+s13+$0x0], $0xffff  }
0x321: {  	v2 =	vld [tilespmem:s20+$0xFFFFFFA0]  }
0x322: {  	v4 =	vld [tilespmem:s20+$0xFFFFFF80]  }
0x323: {  	v5 =	vld [tilespmem:s20+$0xFFFFFFB0]  }
0x324: {  	v6 =	vld [tilespmem:s20+$0xFFFFFFC0]  }
0x325: {  	v7 =	vld [tilespmem:s20+$0xFFFFFFD0];
	v1 =	vmul.f32 v1, v3  }
0x326: {  	s24 =	simm.s32 $0x2;
	v8 =	vld [tilespmem:s20+$0xFFFFFFF0];
	v2 =	vmul.f32 v2, v3  }
0x327: {  	v63 =	vld [tilespmem:s20+$0xFFFFFFE0];
	v4 =	vmul.f32 v4, v3;
	[tilespmem:s20+$0xFFFFFF90] =	vst v1;
	v1 =	vmov s24  }
0x328: {  	v5 =	vmul.f32 v5, v3;
	[tilespmem:s20+$0xFFFFFFA0] =	vst v2;
	v1 =	vand.u32 $0xFFFFFFFE, v1  }
0x329: {  	v2 =	vmul.f32 v6, v3;
	[tilespmem:s20+$0xFFFFFF80] =	vst v4;
	v6 =	vld [tilespmem:s20+$0x60];
	v10 =	vbroadcast v1, $0x0  }
0x32a: {  	v4 =	vmul.f32 v7, v3;
	[tilespmem:s20+$0xFFFFFFB0] =	vst v5;
	v7 =	vld [tilespmem:s20+$0x0]  }
0x32b: {  	v5 =	vmul.f32 v8, v3;
	v1 =	vld [tilespmem:s20+$0x20];
	[tilespmem:s20+$0xFFFFFFC0] =	vst v2  }
0x32c: {  	v3 =	vmul.f32 v63, v3;
	v2 =	vld [tilespmem:s20+$0x30];
	[tilespmem:s20+$0xFFFFFFD0] =	vst v4  }
0x32d: {  	[tilespmem:s20+$0xFFFFFFF0] =	vst v5;
	v4 =	vld [tilespmem:s20+$0x40]  }
0x32e: {  	[tilespmem:s20+$0xFFFFFFE0] =	vst v3;
	v5 =	vld [tilespmem:s20+$0x10]  }
0x32f: {  	s23 =	simm.s32 $0x4;
	s18 =	simm.s32 $0x9C80;
	v3 =	vld.idx.msk [tilespmem:v10+s13+$0x0], $0xffff  }
.LBB2_14:
0x330: {  	p0 =	slt.u32 s23, $0x3C  }
0x331: {  	v8 =	vld [tilespmem:s20+$0x50];
	s18 =	sadd.s32 $0x200, s18;
	s3 =	smov.u32 s23;
	s23 =	sadd.s32 $0x4, s23  }
0x332: {  	v9 =	vld [tilespmem:s20+$0x70];
	_ =	sdelay $0x1  }
0x333: {  	v6 =	vmul.f32 v6, v3;
	v7 =	vmul.f32 v7, v3  }
0x334: {  	v4 =	vmul.f32 v4, v3;
	v5 =	vmul.f32 v5, v3  }
0x335: {  	v1 =	vmul.f32 v1, v3;
	v2 =	vmul.f32 v2, v3;
	[tilespmem:s20+$0x60] =	vst v6  }
0x336: {  	[tilespmem:s20+$0x40] =	vst v4;
	v4 =	vmul.f32 v8, v3;
	v3 =	vmul.f32 v9, v3  }
0x337: {  	s8 =	sadd.s32 $0x3, s22;
	s22 =	smov.u32 s3;
	[tilespmem:s20+$0x20] =	vst v1;
	v6 =	vld [tilespmem:s20+$0x80]  }
0x338: {  	v1 =	vld [tilespmem:s18+$0x20];
	[tilespmem:s20+$0x0] =	vst v7;
	v7 =	vmov s8  }
0x339: {  	[tilespmem:s20+$0x50] =	vst v4;
	v4 =	vld [tilespmem:s20+$0xE0]  }
0x33a: {  	[tilespmem:s20+$0x30] =	vst v2;
	v8 =	vld [tilespmem:s20+$0xC0]  }
0x33b: {  	v2 =	vld [tilespmem:s18+$0x30];
	[tilespmem:s20+$0x10] =	vst v5  }
0x33c: {  	[tilespmem:s20+$0x70] =	vst v3;
	v3 =	vld [tilespmem:s20+$0xA0]  }
0x33d: {  	v5 =	vld.idx.msk [tilespmem:v7+s13+$0x0], $0xffff  }
0x33e: {  	v7 =	vld [tilespmem:s20+$0x90]  }
0x33f: {  	v9 =	vld [tilespmem:s20+$0xB0]  }
0x340: {  	v10 =	vld [tilespmem:s20+$0xD0]  }
0x341: {  	v11 =	vld [tilespmem:s20+$0xF0];
	_ =	sdelay $0x1  }
0x342: {  	v6 =	vmul.f32 v6, v5;
	v7 =	vmul.f32 v7, v5  }
0x343: {  	v3 =	vmul.f32 v3, v5;
	v9 =	vmul.f32 v9, v5  }
0x344: {  	v12 =	vmov s22;
	[tilespmem:s20+$0x80] =	vst v6;
	v6 =	vmul.f32 v8, v5;
	v8 =	vmul.f32 v10, v5  }
0x345: {  	v10 =	vand.u32 $0xFFFFFFFC, v12;
	[tilespmem:s20+$0xA0] =	vst v3;
	v3 =	vmul.f32 v4, v5;
	v4 =	vmul.f32 v11, v5  }
0x346: {  	v5 =	vbroadcast v10, $0x0;
	[tilespmem:s20+$0xC0] =	vst v6  }
0x347: {  	[tilespmem:s20+$0xF0] =	vst v4  }
0x348: {  	v4 =	vld [tilespmem:s18+$0xFFFFFF40];
	[tilespmem:s20+$0xE0] =	vst v3  }
0x349: {  	v3 =	vld [tilespmem:s18+$0xFFFFFF50];
	[tilespmem:s20+$0x90] =	vst v7  }
0x34a: {  	v6 =	vld [tilespmem:s18+$0xFFFFFF60];
	[tilespmem:s20+$0xB0] =	vst v9  }
0x34b: {  	v7 =	vld [tilespmem:s18+$0xFFFFFF70];
	[tilespmem:s20+$0xD0] =	vst v8;
	s20 =	smov.u32 s18  }
0x34c: {  	v5 =	vld.idx.msk [tilespmem:v5+s13+$0x0], $0xffff  }
0x34d: {  	v8 =	vld [tilespmem:s18+$0xFFFFFF00]  }
0x34e: {  	v9 =	vld [tilespmem:s18+$0xFFFFFF20]  }
0x34f: {  	v10 =	vld [tilespmem:s18+$0xFFFFFF10]  }
0x350: {  	v11 =	vld [tilespmem:s18+$0xFFFFFF30];
	_ =	sdelay $0x1  }
0x351: {  	v7 =	vmul.f32 v7, v5;
	v8 =	vmul.f32 v8, v5  }
0x352: {  	s3 =	sadd.s32 $0x1, s22;
	v6 =	vmul.f32 v6, v5;
	v9 =	vmul.f32 v9, v5  }
0x353: {  	v3 =	vmul.f32 v3, v5;
	v10 =	vmul.f32 v10, v5;
	[tilespmem:s18+$0xFFFFFF70] =	vst v7;
	v7 =	vmov s3  }
0x354: {  	v4 =	vmul.f32 v4, v5;
	[tilespmem:s18+$0xFFFFFF00] =	vst v8;
	v8 =	vmul.f32 v11, v5;
	v5 =	vand.u32 $0xFFFFFFFD, v7  }
0x355: {  	[tilespmem:s18+$0xFFFFFF20] =	vst v9;
	v5 =	vbroadcast v5, $0x0  }
0x356: {  	[tilespmem:s18+$0xFFFFFF50] =	vst v3  }
0x357: {  	[tilespmem:s18+$0xFFFFFF40] =	vst v4;
	v3 =	vld [tilespmem:s18+$0xFFFFFFF0]  }
0x358: {  	[tilespmem:s18+$0xFFFFFF60] =	vst v6;
	v4 =	vld [tilespmem:s18+$0xFFFFFFC0]  }
0x359: {  	[tilespmem:s18+$0xFFFFFF30] =	vst v8;
	v6 =	vld [tilespmem:s18+$0xFFFFFFD0]  }
0x35a: {  	[tilespmem:s18+$0xFFFFFF10] =	vst v10;
	v7 =	vld [tilespmem:s18+$0xFFFFFF90]  }
0x35b: {  	v5 =	vld.idx.msk [tilespmem:v5+s13+$0x0], $0xffff  }
0x35c: {  	v8 =	vld [tilespmem:s18+$0xFFFFFF80]  }
0x35d: {  	v9 =	vld [tilespmem:s18+$0xFFFFFFA0]  }
0x35e: {  	v10 =	vld [tilespmem:s18+$0xFFFFFFB0]  }
0x35f: {  	v11 =	vld [tilespmem:s18+$0xFFFFFFE0];
	_ =	sdelay $0x1  }
0x360: {  	v7 =	vmul.f32 v7, v5;
	v8 =	vmul.f32 v8, v5  }
0x361: {  	s3 =	sadd.s32 $0x2, s22;
	v6 =	vmul.f32 v6, v5;
	v9 =	vmul.f32 v9, v5  }
0x362: {  	v4 =	vmul.f32 v4, v5;
	[tilespmem:s18+$0xFFFFFF90] =	vst v7;
	v7 =	vmul.f32 v10, v5;
	v10 =	vmov s3  }
0x363: {  	v3 =	vmul.f32 v3, v5;
	[tilespmem:s18+$0xFFFFFFA0] =	vst v9;
	v9 =	vmul.f32 v11, v5;
	v5 =	vand.u32 $0xFFFFFFFE, v10  }
0x364: {  	[tilespmem:s18+$0xFFFFFF80] =	vst v8;
	v5 =	vbroadcast v5, $0x0  }
0x365: {  	[tilespmem:s18+$0xFFFFFFB0] =	vst v7  }
0x366: {  	[tilespmem:s18+$0xFFFFFFC0] =	vst v4  }
0x367: {  	[tilespmem:s18+$0xFFFFFFD0] =	vst v6  }
.Ltmp6:
0x368: {  	[tilespmem:s18+$0xFFFFFFF0] =	vst v3;
	v4 =	vld [tilespmem:s18+$0x40];
	(pc) =	sbr.rel @p0 .LBB2_14-.Ltmp6, $4  }
0x369: {  	[tilespmem:s18+$0xFFFFFFE0] =	vst v9;
	v6 =	vld [tilespmem:s18+$0x60]  }
0x36a: {  	v3 =	vld.idx.msk [tilespmem:v5+s13+$0x0], $0xffff  }
0x36b: {  	v7 =	vld [tilespmem:s18+$0x0]  }
0x36c: {  	v5 =	vld [tilespmem:s18+$0x10]  }
0x36d: {  	_ =	sdelay $0x1  }
0x36e: {  	v6 =	vmul.f32 v6, v3  }
0x36f: {  	v8 =	vld [tilespmem:s20+$0x50];
	v4 =	vmul.f32 v4, v3  }
0x370: {  	v9 =	vld [tilespmem:s20+$0x70];
	v1 =	vmul.f32 v1, v3;
	[tilespmem:s20+$0x60] =	vst v6  }
0x371: {  	v54 =	vmul.f32 v7, v3;
	[tilespmem:s20+$0x40] =	vst v4  }
0x372: {  	s3 =	sadd.s32 $0x3, s22;
	[tilespmem:s20+$0x20] =	vst v1;
	v1 =	vmul.f32 v2, v3  }
0x373: {  	v56 =	vmov s3;
	v5 =	vmul.f32 v5, v3;
	[tilespmem:s20+$0x0] =	vst v54  }
0x374: {  	v55 =	vmul.f32 v8, v3;
	[tilespmem:s20+$0x30] =	vst v1  }
0x375: {  	v3 =	vmul.f32 v9, v3;
	[tilespmem:s20+$0x10] =	vst v5  }
0x376: {  	[tilespmem:s20+$0x50] =	vst v55  }
0x377: {  	v2 =	vld [tilespmem:s20+$0x80];
	[tilespmem:s20+$0x70] =	vst v3  }
0x378: {  	v1 =	vld.idx.msk [tilespmem:v56+s13+$0x0], $0xffff  }
0x379: {  	v3 =	vld [tilespmem:s20+$0xA0]  }
0x37a: {  	v59 =	vld [tilespmem:s20+$0xE0]  }
0x37b: {  	v57 =	vld [tilespmem:s20+$0xC0]  }
0x37c: {  	v58 =	vld [tilespmem:s20+$0xF0]  }
0x37d: {  	v60 =	vld [tilespmem:s20+$0x90];
	v2 =	vmul.f32 v2, v1  }
0x37e: {  	v61 =	vld [tilespmem:s20+$0xB0];
	v3 =	vmul.f32 v3, v1  }
0x37f: {  	v62 =	vld [tilespmem:s20+$0xD0];
	v63 =	vmul.f32 v59, v1;
	[tilespmem:s20+$0x80] =	vst v2  }
0x380: {  	v2 =	vmul.f32 v57, v1;
	[tilespmem:s20+$0xA0] =	vst v3  }
0x381: {  	v3 =	vmul.f32 v58, v1;
	[tilespmem:s20+$0xE0] =	vst v63  }
0x382: {  	[tilespmem:s20+$0xC0] =	vst v2;
	v2 =	vmul.f32 v60, v1  }
0x383: {  	[tilespmem:s20+$0xF0] =	vst v3;
	v3 =	vmul.f32 v61, v1  }
0x384: {  	v1 =	vmul.f32 v62, v1;
	[tilespmem:s20+$0x90] =	vst v2  }
0x385: {  	[tilespmem:s20+$0xB0] =	vst v3  }
0x386: {  	[tilespmem:s20+$0xD0] =	vst v1  }
0x387: {  	[spmem:s1] =	stream.indirect.scatter.add.f32 [tilespmem:s11], [sflag:$0x4], $0x80, s15, s31, $0xb8;
	[tilespmem:$0x1F780] =	vst v63  }
0x388: {  	_ =	swait.ge [sflag:s16], $0x2000  }
0x389: {  	[sflag:s16] =	ssyncset.done $0x0  }
0x38a: {  	[sflag:s16] =	ssyncadd.s32 $0xFFFFE000  }
0x38b: {  	_ =	swait.ge [sflag:s17], $0x2000  }
0x38c: {  	[sflag:s17] =	ssyncset.done $0x0  }
0x38d: {  	[sflag:s17] =	ssyncadd.s32 $0xFFFFE000  }
0x38e: {  	s18 =	stileid.u32;
	[bflag:$0x0] =	sbarrier.arrive $0xFFFF  }
0x38f: {  	s3 =	sshll.u32 s18, $0x6;
	s22 =	rddreg [dreg:$0x6]  }
0x390: {  	s3 =	sor.u32 $0x1C05, s3;
	s18 =	rddreg [dreg:$0x12];
	s8 =	sshrl.u32 s22, $0x3  }
0x391: {  	[hbm:s18], [sflag:s3] =	dma.local [spmem:s8], $0x2780  }
0x392: {  	_ =	swait.ge [sflag:s26], $0x2780  }
0x393: {  	[sflag:s26] =	ssyncset.done $0x0  }
0x394: {  	s23 =	simm.s32 $0x80;
	s20 =	rddreg [dreg:$0x13];
	[sflag:s26] =	ssyncadd.s32 $0xFFFFD880  }
0x395: {  	[hbm4b:s20+s23] =	stream.strided.scatter [tilespmem:s2], [sflag:$0x5], $0x2780, s6, s23, $0x38;
	[tilespmem:$0x1F780] =	vst v63  }
0x396: {  	_ =	swait.ge [sflag:s26], $0x2780  }
0x397: {  	s19 =	sadd.s32 $0x1, s19;
	s24 =	rddreg [dreg:$0x14]  }
0x398: {  	p0 =	sne.s32 s19, s24  }
.Ltmp7:
0x399: {  	_ = 	snop;
	(pc) =	sbr.rel @p0 .LBB2_1-.Ltmp7, $3  }
0x39a: {  	_ =	sdelay $0x1  }
0x39b: {  	[sflag:s26] =	ssyncset.done $0x0  }
0x39c: {  	[sflag:s26] =	ssyncadd.s32 $0xFFFFD880  }
0x39d: {  	_ =	sfence.sel $0x180000  }
0x39e: {  	[bflag:$0x0] =	sbarrier.arrive $0xFFFF  }
0x39f: {  	_ =	strace $0x90000047  }
0x3a0: {  	s0 =	stileid.u32;
	[bflag:$0x2] =	sbarrier.arrive $0xFFFF  }
0x3a1: {  	p0 =	sne.s32 s0, $0x0;
	s0 =	rddreg [dreg:$0x3]  }
0x3a2: {  	s0 =	sadd.s32 @!p0 $0x100000, s0  }
0x3a3: {  	[sflag:s0] =	ssyncadd.tile.s32 @!p0 $0x1;
	_ =	shalt  }
.Lfunc_end2:
_tile_overlayer_lowered:
.L_overlay_start_2:
0x3a4: {  	(tag) =	ssettag $0x2  }
0x3a5: {  	s0 =	rddreg [dreg:$0x0];
	s2 =	stileid.u32  }
0x3a6: {  	s1 =	rddreg [dreg:$0x1];
	p0 =	sne.s32 s2, $0x0  }
0x3a7: {  	s3 =	rddreg [dreg:$0x2];
	[bflag:$0x3] =	sbarrier.arrive $0xFFFF;
	s2 =	simm.s32 @!p0 $0x1C05  }
0x3a8: {  	[timem:s3], [sflag:s2] =	dma.local @!p0 [hbm:s0], s1  }
0x3a9: {  	s0 =	simm.s32 @!p0 $0x5  }
0x3aa: {  	_ =	swait.ge @!p0 [sflag:s0], s1  }
0x3ab: {  	s1 =	ssub.s32 @!p0 $0x0, s1;
	[sflag:s0] =	ssyncset.done @!p0 $0x0  }
0x3ac: {  	[sflag:s0] =	ssyncadd.s32 @!p0 s1  }
0x3ad: {  	[bflag:$0x3] =	sbarrier.arrive $0xFFFF  }
0x3ae: {  	_ =	shalt  }

</sc_bundles>
